<compile_context>
chip_gen: v7x
topology: tpu7x:2x2x1
jax: 0.10.2.dev20260603
libtpu: 0.0.44.dev20260713+nightly
codegen_flags: <defaults>
</compile_context>

<pallas_src>
import functools

import jax
import jax.numpy as jnp
from jax import lax
from jax.experimental import pallas as pl
from jax.experimental.pallas import tpu as pltpu
from jax.experimental.pallas import tpu_sc as plsc

BATCH = 16384
EMBED = 32
SUBPACK = 8
HIDDEN = 256
OUT = 10

NC = 2
NS = 16
NW = NC * NS
BPW = BATCH // NW
LANES = 16


def _gather_body(svc_hbm, loc_hbm, tim_hbm, ts_hbm, tl_hbm, tt_hbm,
                 out_s, out_l, out_t,
                 idx_v, x_v, sem):
    wid = lax.axis_index("s") * NC + lax.axis_index("c")
    base = wid * BPW
    lane = lax.iota(jnp.int32, LANES)
    zero = jnp.zeros((LANES,), jnp.int32)
    tables = ((svc_hbm, ts_hbm, out_s),
              (loc_hbm, tl_hbm, out_l),
              (tim_hbm, tt_hbm, out_t))
    for ih, th, oh in tables:
        pltpu.sync_copy(ih.at[pl.ds(base, BPW)], idx_v)

        def fire_body(g, _):
            iv = idx_v[pl.ds(g * LANES, LANES)]
            for k in range(LANES):
                sc = jnp.sum(jnp.where(lane == k, iv, zero))
                pltpu.async_copy(th.at[sc >> 3, sc & 7],
                                 x_v.at[g * LANES + k], sem)
            return 0

        lax.fori_loop(0, BPW // LANES, fire_body, 0)

        def drain_body(g, _):
            pltpu.make_async_copy(oh.at[pl.ds(base, LANES)],
                                  x_v.at[pl.ds(g * LANES, LANES)],
                                  sem).wait()
            return 0

        lax.fori_loop(0, BPW // LANES, drain_body, 0)
        pltpu.sync_copy(x_v, oh.at[pl.ds(base, BPW)])


_sc_gather = functools.partial(
    pl.kernel,
    out_type=[jax.ShapeDtypeStruct((BATCH, EMBED), jnp.float32)] * 3,
    mesh=plsc.VectorSubcoreMesh(core_axis_name="c", subcore_axis_name="s"),
    scratch_types=[
        pltpu.VMEM((BPW,), jnp.int32),
        pltpu.VMEM((BPW, EMBED), jnp.float32),
        pltpu.SemaphoreType.DMA,
    ],
    compiler_params=pltpu.CompilerParams(needs_layout_passes=False),
)(_gather_body)


TILE = 8192


def _mlp_body(xs, xl, xt, w1, b1, w2, b2, w3, b3, out):
    x = jnp.concatenate([xs[...], xl[...], xt[...]], axis=-1)
    h = jnp.dot(x, w1[...], preferred_element_type=jnp.float32) + b1[...]
    h = jnp.maximum(h, 0.0)
    h = jnp.dot(h, w2[...], preferred_element_type=jnp.float32) + b2[...]
    h = jnp.maximum(h, 0.0)
    out[...] = jnp.dot(h, w3[...], preferred_element_type=jnp.float32) + b3[...]


def _mlp(xs, xl, xt, W1, b1, W2, b2, W3, b3):
    grid = BATCH // TILE
    emb_spec = pl.BlockSpec((TILE, EMBED), lambda i: (i, 0))
    full = lambda a: pl.BlockSpec(a.shape, lambda i: (0,) * a.ndim)
    return pl.pallas_call(
        _mlp_body,
        grid=(grid,),
        in_specs=[emb_spec, emb_spec, emb_spec,
                  full(W1), full(b1), full(W2), full(b2), full(W3), full(b3)],
        out_specs=pl.BlockSpec((TILE, OUT), lambda i: (i, 0)),
        out_shape=jax.ShapeDtypeStruct((BATCH, OUT), jnp.float32),
    )(xs, xl, xt, W1, b1, W2, b2, W3, b3)


def kernel(service_idx, location_idx, time_idx, T_service, T_location,
           T_time, W1, b1, W2, b2, W3, b3):
    svc = service_idx.astype(jnp.int32)
    loc = location_idx.astype(jnp.int32)
    tim = time_idx.astype(jnp.int32)
    ts8 = T_service.reshape(-1, SUBPACK, EMBED)
    tl8 = T_location.reshape(-1, SUBPACK, EMBED)
    tt8 = T_time.reshape(-1, SUBPACK, EMBED)
    xs, xl, xt = _sc_gather(svc, loc, tim, ts8, tl8, tt8)
    return _mlp(xs, xl, xt, W1,
                b1.reshape(1, HIDDEN), W2, b2.reshape(1, HIDDEN),
                W3, b3.reshape(1, OUT))

# --- scband reference (transcript-rebuilt; emitter-appended) ---
"""Pipeline reference for scband-auto-fill-embedding-nn-90056874263170 (READ-ONLY COPY).

The authoritative reference and input builder live on the scoring server;
editing this copy changes nothing except your own understanding.
"""

import jax, jax.numpy as jnp
import numpy as np

N_SERVICE = 1000000
N_LOCATION = 100000
N_TIME = 1000
EMBED_DIM = 32
HIDDEN = 256
OUT = 10
BATCH = 16384


def setup_inputs(seed: int = 0) -> dict:
    key = jax.random.key(seed)
    ks = jax.random.split(key, 12)
    service_idx = jax.random.randint(ks[0], (BATCH,), 0, N_SERVICE, dtype=jnp.int64 if jax.config.jax_enable_x64 else jnp.int32)
    location_idx = jax.random.randint(ks[1], (BATCH,), 0, N_LOCATION, dtype=jnp.int64 if jax.config.jax_enable_x64 else jnp.int32)
    time_idx = jax.random.randint(ks[2], (BATCH,), 0, N_TIME, dtype=jnp.int64 if jax.config.jax_enable_x64 else jnp.int32)
    T_service = jax.random.normal(ks[3], (N_SERVICE, EMBED_DIM), dtype=jnp.float32)
    T_location = jax.random.normal(ks[4], (N_LOCATION, EMBED_DIM), dtype=jnp.float32)
    T_time = jax.random.normal(ks[5], (N_TIME, EMBED_DIM), dtype=jnp.float32)
    in_size = EMBED_DIM * 3
    W1 = jax.random.normal(ks[6], (in_size, HIDDEN), dtype=jnp.float32) * (1.0 / np.sqrt(in_size))
    b1 = jnp.zeros((HIDDEN,), dtype=jnp.float32)
    W2 = jax.random.normal(ks[7], (HIDDEN, HIDDEN), dtype=jnp.float32) * (1.0 / np.sqrt(HIDDEN))
    b2 = jnp.zeros((HIDDEN,), dtype=jnp.float32)
    W3 = jax.random.normal(ks[8], (HIDDEN, OUT), dtype=jnp.float32) * (1.0 / np.sqrt(HIDDEN))
    b3 = jnp.zeros((OUT,), dtype=jnp.float32)
    return {
        "service_idx": service_idx,
        "location_idx": location_idx,
        "time_idx": time_idx,
        "T_service": T_service,
        "T_location": T_location,
        "T_time": T_time,
        "W1": W1, "b1": b1,
        "W2": W2, "b2": b2,
        "W3": W3, "b3": b3,
    }


def reference(service_idx, location_idx, time_idx, T_service, T_location, T_time, W1, b1, W2, b2, W3, b3):
    service_emb = jnp.take(T_service, service_idx, axis=0)
    location_emb = jnp.take(T_location, location_idx, axis=0)
    time_emb = jnp.take(T_time, time_idx, axis=0)
    x = jnp.concatenate([service_emb, location_emb, time_emb], axis=-1)
    x = jax.nn.relu(x @ W1 + b1)
    # dropout is identity in eval mode
    x = jax.nn.relu(x @ W2 + b2)
    x = x @ W3 + b3
    return x

if __name__ == "__main__":
    import jax
    _d = setup_inputs()
    print(jax.jit(kernel)(*tuple(_d.values())))

</pallas_src>

<mosaic_0001>
#map = affine_map<(d0, d1) -> (0)>
#map1 = affine_map<(d0, d1) -> (0, 0, 0)>
#map2 = affine_map<(d0, d1) -> (0, 0)>
module attributes {stable_mosaic.version = 14 : i64} {
  func.func @_gather_body(%arg0: i32, %arg1: i32, %arg2: memref<16384xi32, #tpu.memory_space<hbm>>, %arg3: memref<16384xi32, #tpu.memory_space<hbm>>, %arg4: memref<16384xi32, #tpu.memory_space<hbm>>, %arg5: memref<125000x8x32xf32, #tpu.memory_space<hbm>>, %arg6: memref<12500x8x32xf32, #tpu.memory_space<hbm>>, %arg7: memref<125x8x32xf32, #tpu.memory_space<hbm>>, %arg8: memref<16384x32xf32, #tpu.memory_space<hbm>>, %arg9: memref<16384x32xf32, #tpu.memory_space<hbm>>, %arg10: memref<16384x32xf32, #tpu.memory_space<hbm>>, %arg11: memref<512xi32, #tpu.memory_space<vmem>>, %arg12: memref<512x32xf32, #tpu.memory_space<vmem>>, %arg13: memref<!tpu.dma_semaphore, #tpu.memory_space<semaphore_mem>>) attributes {dimension_semantics = [#tpu.dimension_semantics<core_parallel>, #tpu.dimension_semantics<subcore_parallel>], iteration_bounds = array<i64: 2, 16>, scalar_prefetch = 0 : i64, scratch_operands = 3 : i64, tpu.core_type = #tpu.core_type<sc_vector_subcore>, window_params = [{transform_indices = #map}, {transform_indices = #map}, {transform_indices = #map}, {transform_indices = #map1}, {transform_indices = #map1}, {transform_indices = #map1}, {transform_indices = #map2}, {transform_indices = #map2}, {transform_indices = #map2}]} {
    %mul3A = arith.constant 2 : i32
    %mul3A_0 = arith.muli %arg1, %mul3A : i32
    %add3A = arith.addi %mul3A_0, %arg0 : i32
    %mul3A_1 = arith.constant 512 : i32
    %mul3A_2 = arith.muli %add3A, %mul3A_1 : i32
    %iota3A = tpu.iota {dimensions = array<i32: 0>} : vector<16xi32>
    %broadcast_in_dim3A = arith.constant 0 : i32
    %broadcast_in_dim3A_3 = vector.broadcast %broadcast_in_dim3A : i32 to vector<16xi32>
    "tpu.region"() ({
      %run_scoped3A = tpu.sem_alloc : memref<!tpu.dma_semaphore, #tpu.memory_space<semaphore_mem>>
      %dma_start3A = tpu.memref_slice %arg2[%mul3A_2] : memref<16384xi32, #tpu.memory_space<hbm>> -> memref<512xi32, #tpu.memory_space<hbm>>
      %dma_start3A_45 = tpu.memref_slice %arg2[%mul3A_2] : memref<16384xi32, #tpu.memory_space<hbm>> -> memref<512xi32, #tpu.memory_space<hbm>>
      tpu.enqueue_dma source(%dma_start3A_45 : memref<512xi32, #tpu.memory_space<hbm>>) target(%arg11 : memref<512xi32, #tpu.memory_space<vmem>>) target_semaphore(%run_scoped3A : memref<!tpu.dma_semaphore, #tpu.memory_space<semaphore_mem>>)
      %dma_wait3A = tpu.memref_slice %arg2[%mul3A_2] : memref<16384xi32, #tpu.memory_space<hbm>> -> memref<512xi32, #tpu.memory_space<hbm>>
      %dma_wait3A_46 = tpu.memref_slice %arg2[%mul3A_2] : memref<16384xi32, #tpu.memory_space<hbm>> -> memref<512xi32, #tpu.memory_space<hbm>>
      tpu.wait_dma2 semaphore(%run_scoped3A : memref<!tpu.dma_semaphore, #tpu.memory_space<semaphore_mem>>) src(%dma_wait3A_46 : memref<512xi32, #tpu.memory_space<hbm>>) dst(%arg11 : memref<512xi32, #tpu.memory_space<vmem>>)
      tpu.yield
    }) : () -> ()
    %scan3A = arith.constant 0 : i32
    %scan3A_4 = arith.constant 0 : i32
    %scan3A_5 = arith.constant 32 : i32
    %scan3A_6 = arith.addi %scan3A_4, %scan3A_5 : i32
    %scan3A_7 = arith.constant 1 : i32
    %scan3A_8 = scf.for %scan3A_45 = %scan3A_4 to %scan3A_6 step %scan3A_7 iter_args(%scan3A_46 = %scan3A) -> (i32)  : i32 {
      %mul3A_47 = arith.constant 16 : i32
      %mul3A_48 = arith.muli %scan3A_45, %mul3A_47 : i32
      %get3A = arith.index_cast %mul3A_48 : i32 to index
      %get3A_49 = tpu.vector_load %arg11[%get3A] {strides = array<i32>} : memref<512xi32, #tpu.memory_space<vmem>>, vector<16xi32>,
      %eq3A = arith.constant 0 : i32
      %eq3A_50 = vector.broadcast %eq3A : i32 to vector<16xi32>
      %eq3A_51 = arith.cmpi eq, %iota3A, %eq3A_50 : vector<16xi32>
      %select_n3A = arith.select %eq3A_51, %get3A_49, %broadcast_in_dim3A_3 : vector<16xi1>, vector<16xi32>
      %reduce_sum3A = arith.constant true
      %reduce_sum3A_52 = vector.broadcast %reduce_sum3A : i1 to vector<16xi1>
      %reduce_sum3A_53 = tpu.scan <sum>, %select_n3A masked %reduce_sum3A_52 : vector<16xi32>, vector<16xi1> -> vector<16xi32>
      %reduce_sum3A_54 = vector.extract %reduce_sum3A_53[15] : i32 from vector<16xi32>
      %shift_right_arithmetic3A = arith.constant 3 : i32
      %shift_right_arithmetic3A_55 = arith.shrsi %reduce_sum3A_54, %shift_right_arithmetic3A : i32
      %and3A = arith.constant 7 : i32
      %and3A_56 = arith.andi %reduce_sum3A_54, %and3A : i32
      %mul3A_57 = arith.constant 16 : i32
      %mul3A_58 = arith.muli %scan3A_45, %mul3A_57 : i32
      %add3A_59 = arith.constant 0 : i32
      %add3A_60 = arith.addi %mul3A_58, %add3A_59 : i32
      %dma_start3A = arith.constant 0 : i32
      %dma_start3A_61 = tpu.memref_slice %arg12[%add3A_60, %dma_start3A] : memref<512x32xf32, #tpu.memory_space<vmem>> -> memref<1x32xf32, #tpu.memory_space<vmem>>
      %dma_start3A_62 = tpu.memref_squeeze %dma_start3A_61 : memref<1x32xf32, #tpu.memory_space<vmem>> -> memref<32xf32, #tpu.memory_space<vmem>>
      %dma_start3A_63 = arith.constant 0 : i32
      %dma_start3A_64 = tpu.memref_slice %arg5[%shift_right_arithmetic3A_55, %and3A_56, %dma_start3A_63] : memref<125000x8x32xf32, #tpu.memory_space<hbm>> -> memref<1x1x32xf32, #tpu.memory_space<hbm>>
      %dma_start3A_65 = tpu.memref_squeeze %dma_start3A_64 : memref<1x1x32xf32, #tpu.memory_space<hbm>> -> memref<32xf32, #tpu.memory_space<hbm>>
      %dma_start3A_66 = arith.constant 0 : i32
      %dma_start3A_67 = tpu.memref_slice %arg12[%add3A_60, %dma_start3A_66] : memref<512x32xf32, #tpu.memory_space<vmem>> -> memref<1x32xf32, #tpu.memory_space<vmem>>
      %dma_start3A_68 = tpu.memref_squeeze %dma_start3A_67 : memref<1x32xf32, #tpu.memory_space<vmem>> -> memref<32xf32, #tpu.memory_space<vmem>>
      %dma_start3A_69 = arith.constant 0 : i32
      %dma_start3A_70 = tpu.memref_slice %arg5[%shift_right_arithmetic3A_55, %and3A_56, %dma_start3A_69] : memref<125000x8x32xf32, #tpu.memory_space<hbm>> -> memref<1x1x32xf32, #tpu.memory_space<hbm>>
      %dma_start3A_71 = tpu.memref_squeeze %dma_start3A_70 : memref<1x1x32xf32, #tpu.memory_space<hbm>> -> memref<32xf32, #tpu.memory_space<hbm>>
      tpu.enqueue_dma source(%dma_start3A_71 : memref<32xf32, #tpu.memory_space<hbm>>) target(%dma_start3A_68 : memref<32xf32, #tpu.memory_space<vmem>>) target_semaphore(%arg13 : memref<!tpu.dma_semaphore, #tpu.memory_space<semaphore_mem>>)
      %eq3A_72 = arith.constant 1 : i32
      %eq3A_73 = vector.broadcast %eq3A_72 : i32 to vector<16xi32>
      %eq3A_74 = arith.cmpi eq, %iota3A, %eq3A_73 : vector<16xi32>
      %select_n3A_75 = arith.select %eq3A_74, %get3A_49, %broadcast_in_dim3A_3 : vector<16xi1>, vector<16xi32>
      %reduce_sum3A_76 = arith.constant true
      %reduce_sum3A_77 = vector.broadcast %reduce_sum3A_76 : i1 to vector<16xi1>
      %reduce_sum3A_78 = tpu.scan <sum>, %select_n3A_75 masked %reduce_sum3A_77 : vector<16xi32>, vector<16xi1> -> vector<16xi32>
      %reduce_sum3A_79 = vector.extract %reduce_sum3A_78[15] : i32 from vector<16xi32>
      %shift_right_arithmetic3A_80 = arith.constant 3 : i32
      %shift_right_arithmetic3A_81 = arith.shrsi %reduce_sum3A_79, %shift_right_arithmetic3A_80 : i32
      %and3A_82 = arith.constant 7 : i32
      %and3A_83 = arith.andi %reduce_sum3A_79, %and3A_82 : i32
      %mul3A_84 = arith.constant 16 : i32
      %mul3A_85 = arith.muli %scan3A_45, %mul3A_84 : i32
      %add3A_86 = arith.constant 1 : i32
      %add3A_87 = arith.addi %mul3A_85, %add3A_86 : i32
      %dma_start3A_88 = arith.constant 0 : i32
      %dma_start3A_89 = tpu.memref_slice %arg12[%add3A_87, %dma_start3A_88] : memref<512x32xf32, #tpu.memory_space<vmem>> -> memref<1x32xf32, #tpu.memory_space<vmem>>
      %dma_start3A_90 = tpu.memref_squeeze %dma_start3A_89 : memref<1x32xf32, #tpu.memory_space<vmem>> -> memref<32xf32, #tpu.memory_space<vmem>>
      %dma_start3A_91 = arith.constant 0 : i32
      %dma_start3A_92 = tpu.memref_slice %arg5[%shift_right_arithmetic3A_81, %and3A_83, %dma_start3A_91] : memref<125000x8x32xf32, #tpu.memory_space<hbm>> -> memref<1x1x32xf32, #tpu.memory_space<hbm>>
      %dma_start3A_93 = tpu.memref_squeeze %dma_start3A_92 : memref<1x1x32xf32, #tpu.memory_space<hbm>> -> memref<32xf32, #tpu.memory_space<hbm>>
      %dma_start3A_94 = arith.constant 0 : i32
      %dma_start3A_95 = tpu.memref_slice %arg12[%add3A_87, %dma_start3A_94] : memref<512x32xf32, #tpu.memory_space<vmem>> -> memref<1x32xf32, #tpu.memory_space<vmem>>
      %dma_start3A_96 = tpu.memref_squeeze %dma_start3A_95 : memref<1x32xf32, #tpu.memory_space<vmem>> -> memref<32xf32, #tpu.memory_space<vmem>>
      %dma_start3A_97 = arith.constant 0 : i32
      %dma_start3A_98 = tpu.memref_slice %arg5[%shift_right_arithmetic3A_81, %and3A_83, %dma_start3A_97] : memref<125000x8x32xf32, #tpu.memory_space<hbm>> -> memref<1x1x32xf32, #tpu.memory_space<hbm>>
      %dma_start3A_99 = tpu.memref_squeeze %dma_start3A_98 : memref<1x1x32xf32, #tpu.memory_space<hbm>> -> memref<32xf32, #tpu.memory_space<hbm>>
      tpu.enqueue_dma source(%dma_start3A_99 : memref<32xf32, #tpu.memory_space<hbm>>) target(%dma_start3A_96 : memref<32xf32, #tpu.memory_space<vmem>>) target_semaphore(%arg13 : memref<!tpu.dma_semaphore, #tpu.memory_space<semaphore_mem>>)
      %eq3A_100 = arith.constant 2 : i32
      %eq3A_101 = vector.broadcast %eq3A_100 : i32 to vector<16xi32>
      %eq3A_102 = arith.cmpi eq, %iota3A, %eq3A_101 : vector<16xi32>
      %select_n3A_103 = arith.select %eq3A_102, %get3A_49, %broadcast_in_dim3A_3 : vector<16xi1>, vector<16xi32>
      %reduce_sum3A_104 = arith.constant true
      %reduce_sum3A_105 = vector.broadcast %reduce_sum3A_104 : i1 to vector<16xi1>
      %reduce_sum3A_106 = tpu.scan <sum>, %select_n3A_103 masked %reduce_sum3A_105 : vector<16xi32>, vector<16xi1> -> vector<16xi32>
      %reduce_sum3A_107 = vector.extract %reduce_sum3A_106[15] : i32 from vector<16xi32>
      %shift_right_arithmetic3A_108 = arith.constant 3 : i32
      %shift_right_arithmetic3A_109 = arith.shrsi %reduce_sum3A_107, %shift_right_arithmetic3A_108 : i32
      %and3A_110 = arith.constant 7 : i32
      %and3A_111 = arith.andi %reduce_sum3A_107, %and3A_110 : i32
      %mul3A_112 = arith.constant 16 : i32
      %mul3A_113 = arith.muli %scan3A_45, %mul3A_112 : i32
      %add3A_114 = arith.constant 2 : i32
      %add3A_115 = arith.addi %mul3A_113, %add3A_114 : i32
      %dma_start3A_116 = arith.constant 0 : i32
      %dma_start3A_117 = tpu.memref_slice %arg12[%add3A_115, %dma_start3A_116] : memref<512x32xf32, #tpu.memory_space<vmem>> -> memref<1x32xf32, #tpu.memory_space<vmem>>
      %dma_start3A_118 = tpu.memref_squeeze %dma_start3A_117 : memref<1x32xf32, #tpu.memory_space<vmem>> -> memref<32xf32, #tpu.memory_space<vmem>>
      %dma_start3A_119 = arith.constant 0 : i32
      %dma_start3A_120 = tpu.memref_slice %arg5[%shift_right_arithmetic3A_109, %and3A_111, %dma_start3A_119] : memref<125000x8x32xf32, #tpu.memory_space<hbm>> -> memref<1x1x32xf32, #tpu.memory_space<hbm>>
      %dma_start3A_121 = tpu.memref_squeeze %dma_start3A_120 : memref<1x1x32xf32, #tpu.memory_space<hbm>> -> memref<32xf32, #tpu.memory_space<hbm>>
      %dma_start3A_122 = arith.constant 0 : i32
      %dma_start3A_123 = tpu.memref_slice %arg12[%add3A_115, %dma_start3A_122] : memref<512x32xf32, #tpu.memory_space<vmem>> -> memref<1x32xf32, #tpu.memory_space<vmem>>
      %dma_start3A_124 = tpu.memref_squeeze %dma_start3A_123 : memref<1x32xf32, #tpu.memory_space<vmem>> -> memref<32xf32, #tpu.memory_space<vmem>>
      %dma_start3A_125 = arith.constant 0 : i32
      %dma_start3A_126 = tpu.memref_slice %arg5[%shift_right_arithmetic3A_109, %and3A_111, %dma_start3A_125] : memref<125000x8x32xf32, #tpu.memory_space<hbm>> -> memref<1x1x32xf32, #tpu.memory_space<hbm>>
      %dma_start3A_127 = tpu.memref_squeeze %dma_start3A_126 : memref<1x1x32xf32, #tpu.memory_space<hbm>> -> memref<32xf32, #tpu.memory_space<hbm>>
      tpu.enqueue_dma source(%dma_start3A_127 : memref<32xf32, #tpu.memory_space<hbm>>) target(%dma_start3A_124 : memref<32xf32, #tpu.memory_space<vmem>>) target_semaphore(%arg13 : memref<!tpu.dma_semaphore, #tpu.memory_space<semaphore_mem>>)
      %eq3A_128 = arith.constant 3 : i32
      %eq3A_129 = vector.broadcast %eq3A_128 : i32 to vector<16xi32>
      %eq3A_130 = arith.cmpi eq, %iota3A, %eq3A_129 : vector<16xi32>
      %select_n3A_131 = arith.select %eq3A_130, %get3A_49, %broadcast_in_dim3A_3 : vector<16xi1>, vector<16xi32>
      %reduce_sum3A_132 = arith.constant true
      %reduce_sum3A_133 = vector.broadcast %reduce_sum3A_132 : i1 to vector<16xi1>
      %reduce_sum3A_134 = tpu.scan <sum>, %select_n3A_131 masked %reduce_sum3A_133 : vector<16xi32>, vector<16xi1> -> vector<16xi32>
      %reduce_sum3A_135 = vector.extract %reduce_sum3A_134[15] : i32 from vector<16xi32>
      %shift_right_arithmetic3A_136 = arith.constant 3 : i32
      %shift_right_arithmetic3A_137 = arith.shrsi %reduce_sum3A_135, %shift_right_arithmetic3A_136 : i32
      %and3A_138 = arith.constant 7 : i32
      %and3A_139 = arith.andi %reduce_sum3A_135, %and3A_138 : i32
      %mul3A_140 = arith.constant 16 : i32
      %mul3A_141 = arith.muli %scan3A_45, %mul3A_140 : i32
      %add3A_142 = arith.constant 3 : i32
      %add3A_143 = arith.addi %mul3A_141, %add3A_142 : i32
      %dma_start3A_144 = arith.constant 0 : i32
      %dma_start3A_145 = tpu.memref_slice %arg12[%add3A_143, %dma_start3A_144] : memref<512x32xf32, #tpu.memory_space<vmem>> -> memref<1x32xf32, #tpu.memory_space<vmem>>
      %dma_start3A_146 = tpu.memref_squeeze %dma_start3A_145 : memref<1x32xf32, #tpu.memory_space<vmem>> -> memref<32xf32, #tpu.memory_space<vmem>>
      %dma_start3A_147 = arith.constant 0 : i32
      %dma_start3A_148 = tpu.memref_slice %arg5[%shift_right_arithmetic3A_137, %and3A_139, %dma_start3A_147] : memref<125000x8x32xf32, #tpu.memory_space<hbm>> -> memref<1x1x32xf32, #tpu.memory_space<hbm>>
      %dma_start3A_149 = tpu.memref_squeeze %dma_start3A_148 : memref<1x1x32xf32, #tpu.memory_space<hbm>> -> memref<32xf32, #tpu.memory_space<hbm>>
      %dma_start3A_150 = arith.constant 0 : i32
      %dma_start3A_151 = tpu.memref_slice %arg12[%add3A_143, %dma_start3A_150] : memref<512x32xf32, #tpu.memory_space<vmem>> -> memref<1x32xf32, #tpu.memory_space<vmem>>
      %dma_start3A_152 = tpu.memref_squeeze %dma_start3A_151 : memref<1x32xf32, #tpu.memory_space<vmem>> -> memref<32xf32, #tpu.memory_space<vmem>>
      %dma_start3A_153 = arith.constant 0 : i32
      %dma_start3A_154 = tpu.memref_slice %arg5[%shift_right_arithmetic3A_137, %and3A_139, %dma_start3A_153] : memref<125000x8x32xf32, #tpu.memory_space<hbm>> -> memref<1x1x32xf32, #tpu.memory_space<hbm>>
      %dma_start3A_155 = tpu.memref_squeeze %dma_start3A_154 : memref<1x1x32xf32, #tpu.memory_space<hbm>> -> memref<32xf32, #tpu.memory_space<hbm>>
      tpu.enqueue_dma source(%dma_start3A_155 : memref<32xf32, #tpu.memory_space<hbm>>) target(%dma_start3A_152 : memref<32xf32, #tpu.memory_space<vmem>>) target_semaphore(%arg13 : memref<!tpu.dma_semaphore, #tpu.memory_space<semaphore_mem>>)
      %eq3A_156 = arith.constant 4 : i32
      %eq3A_157 = vector.broadcast %eq3A_156 : i32 to vector<16xi32>
      %eq3A_158 = arith.cmpi eq, %iota3A, %eq3A_157 : vector<16xi32>
      %select_n3A_159 = arith.select %eq3A_158, %get3A_49, %broadcast_in_dim3A_3 : vector<16xi1>, vector<16xi32>
      %reduce_sum3A_160 = arith.constant true
      %reduce_sum3A_161 = vector.broadcast %reduce_sum3A_160 : i1 to vector<16xi1>
      %reduce_sum3A_162 = tpu.scan <sum>, %select_n3A_159 masked %reduce_sum3A_161 : vector<16xi32>, vector<16xi1> -> vector<16xi32>
      %reduce_sum3A_163 = vector.extract %reduce_sum3A_162[15] : i32 from vector<16xi32>
      %shift_right_arithmetic3A_164 = arith.constant 3 : i32
      %shift_right_arithmetic3A_165 = arith.shrsi %reduce_sum3A_163, %shift_right_arithmetic3A_164 : i32
      %and3A_166 = arith.constant 7 : i32
      %and3A_167 = arith.andi %reduce_sum3A_163, %and3A_166 : i32
      %mul3A_168 = arith.constant 16 : i32
      %mul3A_169 = arith.muli %scan3A_45, %mul3A_168 : i32
      %add3A_170 = arith.constant 4 : i32
      %add3A_171 = arith.addi %mul3A_169, %add3A_170 : i32
      %dma_start3A_172 = arith.constant 0 : i32
      %dma_start3A_173 = tpu.memref_slice %arg12[%add3A_171, %dma_start3A_172] : memref<512x32xf32, #tpu.memory_space<vmem>> -> memref<1x32xf32, #tpu.memory_space<vmem>>
      %dma_start3A_174 = tpu.memref_squeeze %dma_start3A_173 : memref<1x32xf32, #tpu.memory_space<vmem>> -> memref<32xf32, #tpu.memory_space<vmem>>
      %dma_start3A_175 = arith.constant 0 : i32
      %dma_start3A_176 = tpu.memref_slice %arg5[%shift_right_arithmetic3A_165, %and3A_167, %dma_start3A_175] : memref<125000x8x32xf32, #tpu.memory_space<hbm>> -> memref<1x1x32xf32, #tpu.memory_space<hbm>>
      %dma_start3A_177 = tpu.memref_squeeze %dma_start3A_176 : memref<1x1x32xf32, #tpu.memory_space<hbm>> -> memref<32xf32, #tpu.memory_space<hbm>>
      %dma_start3A_178 = arith.constant 0 : i32
      %dma_start3A_179 = tpu.memref_slice %arg12[%add3A_171, %dma_start3A_178] : memref<512x32xf32, #tpu.memory_space<vmem>> -> memref<1x32xf32, #tpu.memory_space<vmem>>
      %dma_start3A_180 = tpu.memref_squeeze %dma_start3A_179 : memref<1x32xf32, #tpu.memory_space<vmem>> -> memref<32xf32, #tpu.memory_space<vmem>>
      %dma_start3A_181 = arith.constant 0 : i32
      %dma_start3A_182 = tpu.memref_slice %arg5[%shift_right_arithmetic3A_165, %and3A_167, %dma_start3A_181] : memref<125000x8x32xf32, #tpu.memory_space<hbm>> -> memref<1x1x32xf32, #tpu.memory_space<hbm>>
      %dma_start3A_183 = tpu.memref_squeeze %dma_start3A_182 : memref<1x1x32xf32, #tpu.memory_space<hbm>> -> memref<32xf32, #tpu.memory_space<hbm>>
      tpu.enqueue_dma source(%dma_start3A_183 : memref<32xf32, #tpu.memory_space<hbm>>) target(%dma_start3A_180 : memref<32xf32, #tpu.memory_space<vmem>>) target_semaphore(%arg13 : memref<!tpu.dma_semaphore, #tpu.memory_space<semaphore_mem>>)
      %eq3A_184 = arith.constant 5 : i32
      %eq3A_185 = vector.broadcast %eq3A_184 : i32 to vector<16xi32>
      %eq3A_186 = arith.cmpi eq, %iota3A, %eq3A_185 : vector<16xi32>
      %select_n3A_187 = arith.select %eq3A_186, %get3A_49, %broadcast_in_dim3A_3 : vector<16xi1>, vector<16xi32>
      %reduce_sum3A_188 = arith.constant true
      %reduce_sum3A_189 = vector.broadcast %reduce_sum3A_188 : i1 to vector<16xi1>
      %reduce_sum3A_190 = tpu.scan <sum>, %select_n3A_187 masked %reduce_sum3A_189 : vector<16xi32>, vector<16xi1> -> vector<16xi32>
      %reduce_sum3A_191 = vector.extract %reduce_sum3A_190[15] : i32 from vector<16xi32>
      %shift_right_arithmetic3A_192 = arith.constant 3 : i32
      %shift_right_arithmetic3A_193 = arith.shrsi %reduce_sum3A_191, %shift_right_arithmetic3A_192 : i32
      %and3A_194 = arith.constant 7 : i32
      %and3A_195 = arith.andi %reduce_sum3A_191, %and3A_194 : i32
      %mul3A_196 = arith.constant 16 : i32
      %mul3A_197 = arith.muli %scan3A_45, %mul3A_196 : i32
      %add3A_198 = arith.constant 5 : i32
      %add3A_199 = arith.addi %mul3A_197, %add3A_198 : i32
      %dma_start3A_200 = arith.constant 0 : i32
      %dma_start3A_201 = tpu.memref_slice %arg12[%add3A_199, %dma_start3A_200] : memref<512x32xf32, #tpu.memory_space<vmem>> -> memref<1x32xf32, #tpu.memory_space<vmem>>
      %dma_start3A_202 = tpu.memref_squeeze %dma_start3A_201 : memref<1x32xf32, #tpu.memory_space<vmem>> -> memref<32xf32, #tpu.memory_space<vmem>>
      %dma_start3A_203 = arith.constant 0 : i32
      %dma_start3A_204 = tpu.memref_slice %arg5[%shift_right_arithmetic3A_193, %and3A_195, %dma_start3A_203] : memref<125000x8x32xf32, #tpu.memory_space<hbm>> -> memref<1x1x32xf32, #tpu.memory_space<hbm>>
      %dma_start3A_205 = tpu.memref_squeeze %dma_start3A_204 : memref<1x1x32xf32, #tpu.memory_space<hbm>> -> memref<32xf32, #tpu.memory_space<hbm>>
      %dma_start3A_206 = arith.constant 0 : i32
      %dma_start3A_207 = tpu.memref_slice %arg12[%add3A_199, %dma_start3A_206] : memref<512x32xf32, #tpu.memory_space<vmem>> -> memref<1x32xf32, #tpu.memory_space<vmem>>
      %dma_start3A_208 = tpu.memref_squeeze %dma_start3A_207 : memref<1x32xf32, #tpu.memory_space<vmem>> -> memref<32xf32, #tpu.memory_space<vmem>>
      %dma_start3A_209 = arith.constant 0 : i32
      %dma_start3A_210 = tpu.memref_slice %arg5[%shift_right_arithmetic3A_193, %and3A_195, %dma_start3A_209] : memref<125000x8x32xf32, #tpu.memory_space<hbm>> -> memref<1x1x32xf32, #tpu.memory_space<hbm>>
      %dma_start3A_211 = tpu.memref_squeeze %dma_start3A_210 : memref<1x1x32xf32, #tpu.memory_space<hbm>> -> memref<32xf32, #tpu.memory_space<hbm>>
      tpu.enqueue_dma source(%dma_start3A_211 : memref<32xf32, #tpu.memory_space<hbm>>) target(%dma_start3A_208 : memref<32xf32, #tpu.memory_space<vmem>>) target_semaphore(%arg13 : memref<!tpu.dma_semaphore, #tpu.memory_space<semaphore_mem>>)
      %eq3A_212 = arith.constant 6 : i32
      %eq3A_213 = vector.broadcast %eq3A_212 : i32 to vector<16xi32>
      %eq3A_214 = arith.cmpi eq, %iota3A, %eq3A_213 : vector<16xi32>
      %select_n3A_215 = arith.select %eq3A_214, %get3A_49, %broadcast_in_dim3A_3 : vector<16xi1>, vector<16xi32>
      %reduce_sum3A_216 = arith.constant true
      %reduce_sum3A_217 = vector.broadcast %reduce_sum3A_216 : i1 to vector<16xi1>
      %reduce_sum3A_218 = tpu.scan <sum>, %select_n3A_215 masked %reduce_sum3A_217 : vector<16xi32>, vector<16xi1> -> vector<16xi32>
      %reduce_sum3A_219 = vector.extract %reduce_sum3A_218[15] : i32 from vector<16xi32>
      %shift_right_arithmetic3A_220 = arith.constant 3 : i32
      %shift_right_arithmetic3A_221 = arith.shrsi %reduce_sum3A_219, %shift_right_arithmetic3A_220 : i32
      %and3A_222 = arith.constant 7 : i32
      %and3A_223 = arith.andi %reduce_sum3A_219, %and3A_222 : i32
      %mul3A_224 = arith.constant 16 : i32
      %mul3A_225 = arith.muli %scan3A_45, %mul3A_224 : i32
      %add3A_226 = arith.constant 6 : i32
      %add3A_227 = arith.addi %mul3A_225, %add3A_226 : i32
      %dma_start3A_228 = arith.constant 0 : i32
      %dma_start3A_229 = tpu.memref_slice %arg12[%add3A_227, %dma_start3A_228] : memref<512x32xf32, #tpu.memory_space<vmem>> -> memref<1x32xf32, #tpu.memory_space<vmem>>
      %dma_start3A_230 = tpu.memref_squeeze %dma_start3A_229 : memref<1x32xf32, #tpu.memory_space<vmem>> -> memref<32xf32, #tpu.memory_space<vmem>>
      %dma_start3A_231 = arith.constant 0 : i32
      %dma_start3A_232 = tpu.memref_slice %arg5[%shift_right_arithmetic3A_221, %and3A_223, %dma_start3A_231] : memref<125000x8x32xf32, #tpu.memory_space<hbm>> -> memref<1x1x32xf32, #tpu.memory_space<hbm>>
      %dma_start3A_233 = tpu.memref_squeeze %dma_start3A_232 : memref<1x1x32xf32, #tpu.memory_space<hbm>> -> memref<32xf32, #tpu.memory_space<hbm>>
      %dma_start3A_234 = arith.constant 0 : i32
      %dma_start3A_235 = tpu.memref_slice %arg12[%add3A_227, %dma_start3A_234] : memref<512x32xf32, #tpu.memory_space<vmem>> -> memref<1x32xf32, #tpu.memory_space<vmem>>
      %dma_start3A_236 = tpu.memref_squeeze %dma_start3A_235 : memref<1x32xf32, #tpu.memory_space<vmem>> -> memref<32xf32, #tpu.memory_space<vmem>>
      %dma_start3A_237 = arith.constant 0 : i32
      %dma_start3A_238 = tpu.memref_slice %arg5[%shift_right_arithmetic3A_221, %and3A_223, %dma_start3A_237] : memref<125000x8x32xf32, #tpu.memory_space<hbm>> -> memref<1x1x32xf32, #tpu.memory_space<hbm>>
      %dma_start3A_239 = tpu.memref_squeeze %dma_start3A_238 : memref<1x1x32xf32, #tpu.memory_space<hbm>> -> memref<32xf32, #tpu.memory_space<hbm>>
      tpu.enqueue_dma source(%dma_start3A_239 : memref<32xf32, #tpu.memory_space<hbm>>) target(%dma_start3A_236 : memref<32xf32, #tpu.memory_space<vmem>>) target_semaphore(%arg13 : memref<!tpu.dma_semaphore, #tpu.memory_space<semaphore_mem>>)
      %eq3A_240 = arith.constant 7 : i32
      %eq3A_241 = vector.broadcast %eq3A_240 : i32 to vector<16xi32>
      %eq3A_242 = arith.cmpi eq, %iota3A, %eq3A_241 : vector<16xi32>
      %select_n3A_243 = arith.select %eq3A_242, %get3A_49, %broadcast_in_dim3A_3 : vector<16xi1>, vector<16xi32>
      %reduce_sum3A_244 = arith.constant true
      %reduce_sum3A_245 = vector.broadcast %reduce_sum3A_244 : i1 to vector<16xi1>
      %reduce_sum3A_246 = tpu.scan <sum>, %select_n3A_243 masked %reduce_sum3A_245 : vector<16xi32>, vector<16xi1> -> vector<16xi32>
      %reduce_sum3A_247 = vector.extract %reduce_sum3A_246[15] : i32 from vector<16xi32>
      %shift_right_arithmetic3A_248 = arith.constant 3 : i32
      %shift_right_arithmetic3A_249 = arith.shrsi %reduce_sum3A_247, %shift_right_arithmetic3A_248 : i32
      %and3A_250 = arith.constant 7 : i32
      %and3A_251 = arith.andi %reduce_sum3A_247, %and3A_250 : i32
      %mul3A_252 = arith.constant 16 : i32
      %mul3A_253 = arith.muli %scan3A_45, %mul3A_252 : i32
      %add3A_254 = arith.constant 7 : i32
      %add3A_255 = arith.addi %mul3A_253, %add3A_254 : i32
      %dma_start3A_256 = arith.constant 0 : i32
      %dma_start3A_257 = tpu.memref_slice %arg12[%add3A_255, %dma_start3A_256] : memref<512x32xf32, #tpu.memory_space<vmem>> -> memref<1x32xf32, #tpu.memory_space<vmem>>
      %dma_start3A_258 = tpu.memref_squeeze %dma_start3A_257 : memref<1x32xf32, #tpu.memory_space<vmem>> -> memref<32xf32, #tpu.memory_space<vmem>>
      %dma_start3A_259 = arith.constant 0 : i32
      %dma_start3A_260 = tpu.memref_slice %arg5[%shift_right_arithmetic3A_249, %and3A_251, %dma_start3A_259] : memref<125000x8x32xf32, #tpu.memory_space<hbm>> -> memref<1x1x32xf32, #tpu.memory_space<hbm>>
      %dma_start3A_261 = tpu.memref_squeeze %dma_start3A_260 : memref<1x1x32xf32, #tpu.memory_space<hbm>> -> memref<32xf32, #tpu.memory_space<hbm>>
      %dma_start3A_262 = arith.constant 0 : i32
      %dma_start3A_263 = tpu.memref_slice %arg12[%add3A_255, %dma_start3A_262] : memref<512x32xf32, #tpu.memory_space<vmem>> -> memref<1x32xf32, #tpu.memory_space<vmem>>
      %dma_start3A_264 = tpu.memref_squeeze %dma_start3A_263 : memref<1x32xf32, #tpu.memory_space<vmem>> -> memref<32xf32, #tpu.memory_space<vmem>>
      %dma_start3A_265 = arith.constant 0 : i32
      %dma_start3A_266 = tpu.memref_slice %arg5[%shift_right_arithmetic3A_249, %and3A_251, %dma_start3A_265] : memref<125000x8x32xf32, #tpu.memory_space<hbm>> -> memref<1x1x32xf32, #tpu.memory_space<hbm>>
      %dma_start3A_267 = tpu.memref_squeeze %dma_start3A_266 : memref<1x1x32xf32, #tpu.memory_space<hbm>> -> memref<32xf32, #tpu.memory_space<hbm>>
      tpu.enqueue_dma source(%dma_start3A_267 : memref<32xf32, #tpu.memory_space<hbm>>) target(%dma_start3A_264 : memref<32xf32, #tpu.memory_space<vmem>>) target_semaphore(%arg13 : memref<!tpu.dma_semaphore, #tpu.memory_space<semaphore_mem>>)
      %eq3A_268 = arith.constant 8 : i32
      %eq3A_269 = vector.broadcast %eq3A_268 : i32 to vector<16xi32>
      %eq3A_270 = arith.cmpi eq, %iota3A, %eq3A_269 : vector<16xi32>
      %select_n3A_271 = arith.select %eq3A_270, %get3A_49, %broadcast_in_dim3A_3 : vector<16xi1>, vector<16xi32>
      %reduce_sum3A_272 = arith.constant true
      %reduce_sum3A_273 = vector.broadcast %reduce_sum3A_272 : i1 to vector<16xi1>
      %reduce_sum3A_274 = tpu.scan <sum>, %select_n3A_271 masked %reduce_sum3A_273 : vector<16xi32>, vector<16xi1> -> vector<16xi32>
      %reduce_sum3A_275 = vector.extract %reduce_sum3A_274[15] : i32 from vector<16xi32>
      %shift_right_arithmetic3A_276 = arith.constant 3 : i32
      %shift_right_arithmetic3A_277 = arith.shrsi %reduce_sum3A_275, %shift_right_arithmetic3A_276 : i32
      %and3A_278 = arith.constant 7 : i32
      %and3A_279 = arith.andi %reduce_sum3A_275, %and3A_278 : i32
      %mul3A_280 = arith.constant 16 : i32
      %mul3A_281 = arith.muli %scan3A_45, %mul3A_280 : i32
      %add3A_282 = arith.constant 8 : i32
      %add3A_283 = arith.addi %mul3A_281, %add3A_282 : i32
      %dma_start3A_284 = arith.constant 0 : i32
      %dma_start3A_285 = tpu.memref_slice %arg12[%add3A_283, %dma_start3A_284] : memref<512x32xf32, #tpu.memory_space<vmem>> -> memref<1x32xf32, #tpu.memory_space<vmem>>
      %dma_start3A_286 = tpu.memref_squeeze %dma_start3A_285 : memref<1x32xf32, #tpu.memory_space<vmem>> -> memref<32xf32, #tpu.memory_space<vmem>>
      %dma_start3A_287 = arith.constant 0 : i32
      %dma_start3A_288 = tpu.memref_slice %arg5[%shift_right_arithmetic3A_277, %and3A_279, %dma_start3A_287] : memref<125000x8x32xf32, #tpu.memory_space<hbm>> -> memref<1x1x32xf32, #tpu.memory_space<hbm>>
      %dma_start3A_289 = tpu.memref_squeeze %dma_start3A_288 : memref<1x1x32xf32, #tpu.memory_space<hbm>> -> memref<32xf32, #tpu.memory_space<hbm>>
      %dma_start3A_290 = arith.constant 0 : i32
      %dma_start3A_291 = tpu.memref_slice %arg12[%add3A_283, %dma_start3A_290] : memref<512x32xf32, #tpu.memory_space<vmem>> -> memref<1x32xf32, #tpu.memory_space<vmem>>
      %dma_start3A_292 = tpu.memref_squeeze %dma_start3A_291 : memref<1x32xf32, #tpu.memory_space<vmem>> -> memref<32xf32, #tpu.memory_space<vmem>>
      %dma_start3A_293 = arith.constant 0 : i32
      %dma_start3A_294 = tpu.memref_slice %arg5[%shift_right_arithmetic3A_277, %and3A_279, %dma_start3A_293] : memref<125000x8x32xf32, #tpu.memory_space<hbm>> -> memref<1x1x32xf32, #tpu.memory_space<hbm>>
      %dma_start3A_295 = tpu.memref_squeeze %dma_start3A_294 : memref<1x1x32xf32, #tpu.memory_space<hbm>> -> memref<32xf32, #tpu.memory_space<hbm>>
      tpu.enqueue_dma source(%dma_start3A_295 : memref<32xf32, #tpu.memory_space<hbm>>) target(%dma_start3A_292 : memref<32xf32, #tpu.memory_space<vmem>>) target_semaphore(%arg13 : memref<!tpu.dma_semaphore, #tpu.memory_space<semaphore_mem>>)
      %eq3A_296 = arith.constant 9 : i32
      %eq3A_297 = vector.broadcast %eq3A_296 : i32 to vector<16xi32>
      %eq3A_298 = arith.cmpi eq, %iota3A, %eq3A_297 : vector<16xi32>
      %select_n3A_299 = arith.select %eq3A_298, %get3A_49, %broadcast_in_dim3A_3 : vector<16xi1>, vector<16xi32>
      %reduce_sum3A_300 = arith.constant true
      %reduce_sum3A_301 = vector.broadcast %reduce_sum3A_300 : i1 to vector<16xi1>
      %reduce_sum3A_302 = tpu.scan <sum>, %select_n3A_299 masked %reduce_sum3A_301 : vector<16xi32>, vector<16xi1> -> vector<16xi32>
      %reduce_sum3A_303 = vector.extract %reduce_sum3A_302[15] : i32 from vector<16xi32>
      %shift_right_arithmetic3A_304 = arith.constant 3 : i32
      %shift_right_arithmetic3A_305 = arith.shrsi %reduce_sum3A_303, %shift_right_arithmetic3A_304 : i32
      %and3A_306 = arith.constant 7 : i32
      %and3A_307 = arith.andi %reduce_sum3A_303, %and3A_306 : i32
      %mul3A_308 = arith.constant 16 : i32
      %mul3A_309 = arith.muli %scan3A_45, %mul3A_308 : i32
      %add3A_310 = arith.constant 9 : i32
      %add3A_311 = arith.addi %mul3A_309, %add3A_310 : i32
      %dma_start3A_312 = arith.constant 0 : i32
      %dma_start3A_313 = tpu.memref_slice %arg12[%add3A_311, %dma_start3A_312] : memref<512x32xf32, #tpu.memory_space<vmem>> -> memref<1x32xf32, #tpu.memory_space<vmem>>
      %dma_start3A_314 = tpu.memref_squeeze %dma_start3A_313 : memref<1x32xf32, #tpu.memory_space<vmem>> -> memref<32xf32, #tpu.memory_space<vmem>>
      %dma_start3A_315 = arith.constant 0 : i32
      %dma_start3A_316 = tpu.memref_slice %arg5[%shift_right_arithmetic3A_305, %and3A_307, %dma_start3A_315] : memref<125000x8x32xf32, #tpu.memory_space<hbm>> -> memref<1x1x32xf32, #tpu.memory_space<hbm>>
      %dma_start3A_317 = tpu.memref_squeeze %dma_start3A_316 : memref<1x1x32xf32, #tpu.memory_space<hbm>> -> memref<32xf32, #tpu.memory_space<hbm>>
      %dma_start3A_318 = arith.constant 0 : i32
      %dma_start3A_319 = tpu.memref_slice %arg12[%add3A_311, %dma_start3A_318] : memref<512x32xf32, #tpu.memory_space<vmem>> -> memref<1x32xf32, #tpu.memory_space<vmem>>
      %dma_start3A_320 = tpu.memref_squeeze %dma_start3A_319 : memref<1x32xf32, #tpu.memory_space<vmem>> -> memref<32xf32, #tpu.memory_space<vmem>>
      %dma_start3A_321 = arith.constant 0 : i32
      %dma_start3A_322 = tpu.memref_slice %arg5[%shift_right_arithmetic3A_305, %and3A_307, %dma_start3A_321] : memref<125000x8x32xf32, #tpu.memory_space<hbm>> -> memref<1x1x32xf32, #tpu.memory_space<hbm>>
      %dma_start3A_323 = tpu.memref_squeeze %dma_start3A_322 : memref<1x1x32xf32, #tpu.memory_space<hbm>> -> memref<32xf32, #tpu.memory_space<hbm>>
      tpu.enqueue_dma source(%dma_start3A_323 : memref<32xf32, #tpu.memory_space<hbm>>) target(%dma_start3A_320 : memref<32xf32, #tpu.memory_space<vmem>>) target_semaphore(%arg13 : memref<!tpu.dma_semaphore, #tpu.memory_space<semaphore_mem>>)
      %eq3A_324 = arith.constant 10 : i32
      %eq3A_325 = vector.broadcast %eq3A_324 : i32 to vector<16xi32>
      %eq3A_326 = arith.cmpi eq, %iota3A, %eq3A_325 : vector<16xi32>
      %select_n3A_327 = arith.select %eq3A_326, %get3A_49, %broadcast_in_dim3A_3 : vector<16xi1>, vector<16xi32>
      %reduce_sum3A_328 = arith.constant true
      %reduce_sum3A_329 = vector.broadcast %reduce_sum3A_328 : i1 to vector<16xi1>
      %reduce_sum3A_330 = tpu.scan <sum>, %select_n3A_327 masked %reduce_sum3A_329 : vector<16xi32>, vector<16xi1> -> vector<16xi32>
      %reduce_sum3A_331 = vector.extract %reduce_sum3A_330[15] : i32 from vector<16xi32>
      %shift_right_arithmetic3A_332 = arith.constant 3 : i32
      %shift_right_arithmetic3A_333 = arith.shrsi %reduce_sum3A_331, %shift_right_arithmetic3A_332 : i32
      %and3A_334 = arith.constant 7 : i32
      %and3A_335 = arith.andi %reduce_sum3A_331, %and3A_334 : i32
      %mul3A_336 = arith.constant 16 : i32
      %mul3A_337 = arith.muli %scan3A_45, %mul3A_336 : i32
      %add3A_338 = arith.constant 10 : i32
      %add3A_339 = arith.addi %mul3A_337, %add3A_338 : i32
      %dma_start3A_340 = arith.constant 0 : i32
      %dma_start3A_341 = tpu.memref_slice %arg12[%add3A_339, %dma_start3A_340] : memref<512x32xf32, #tpu.memory_space<vmem>> -> memref<1x32xf32, #tpu.memory_space<vmem>>
      %dma_start3A_342 = tpu.memref_squeeze %dma_start3A_341 : memref<1x32xf32, #tpu.memory_space<vmem>> -> memref<32xf32, #tpu.memory_space<vmem>>
      %dma_start3A_343 = arith.constant 0 : i32
      %dma_start3A_344 = tpu.memref_slice %arg5[%shift_right_arithmetic3A_333, %and3A_335, %dma_start3A_343] : memref<125000x8x32xf32, #tpu.memory_space<hbm>> -> memref<1x1x32xf32, #tpu.memory_space<hbm>>
      %dma_start3A_345 = tpu.memref_squeeze %dma_start3A_344 : memref<1x1x32xf32, #tpu.memory_space<hbm>> -> memref<32xf32, #tpu.memory_space<hbm>>
      %dma_start3A_346 = arith.constant 0 : i32
      %dma_start3A_347 = tpu.memref_slice %arg12[%add3A_339, %dma_start3A_346] : memref<512x32xf32, #tpu.memory_space<vmem>> -> memref<1x32xf32, #tpu.memory_space<vmem>>
      %dma_start3A_348 = tpu.memref_squeeze %dma_start3A_347 : memref<1x32xf32, #tpu.memory_space<vmem>> -> memref<32xf32, #tpu.memory_space<vmem>>
      %dma_start3A_349 = arith.constant 0 : i32
      %dma_start3A_350 = tpu.memref_slice %arg5[%shift_right_arithmetic3A_333, %and3A_335, %dma_start3A_349] : memref<125000x8x32xf32, #tpu.memory_space<hbm>> -> memref<1x1x32xf32, #tpu.memory_space<hbm>>
      %dma_start3A_351 = tpu.memref_squeeze %dma_start3A_350 : memref<1x1x32xf32, #tpu.memory_space<hbm>> -> memref<32xf32, #tpu.memory_space<hbm>>
      tpu.enqueue_dma source(%dma_start3A_351 : memref<32xf32, #tpu.memory_space<hbm>>) target(%dma_start3A_348 : memref<32xf32, #tpu.memory_space<vmem>>) target_semaphore(%arg13 : memref<!tpu.dma_semaphore, #tpu.memory_space<semaphore_mem>>)
      %eq3A_352 = arith.constant 11 : i32
      %eq3A_353 = vector.broadcast %eq3A_352 : i32 to vector<16xi32>
      %eq3A_354 = arith.cmpi eq, %iota3A, %eq3A_353 : vector<16xi32>
      %select_n3A_355 = arith.select %eq3A_354, %get3A_49, %broadcast_in_dim3A_3 : vector<16xi1>, vector<16xi32>
      %reduce_sum3A_356 = arith.constant true
      %reduce_sum3A_357 = vector.broadcast %reduce_sum3A_356 : i1 to vector<16xi1>
      %reduce_sum3A_358 = tpu.scan <sum>, %select_n3A_355 masked %reduce_sum3A_357 : vector<16xi32>, vector<16xi1> -> vector<16xi32>
      %reduce_sum3A_359 = vector.extract %reduce_sum3A_358[15] : i32 from vector<16xi32>
      %shift_right_arithmetic3A_360 = arith.constant 3 : i32
      %shift_right_arithmetic3A_361 = arith.shrsi %reduce_sum3A_359, %shift_right_arithmetic3A_360 : i32
      %and3A_362 = arith.constant 7 : i32
      %and3A_363 = arith.andi %reduce_sum3A_359, %and3A_362 : i32
      %mul3A_364 = arith.constant 16 : i32
      %mul3A_365 = arith.muli %scan3A_45, %mul3A_364 : i32
      %add3A_366 = arith.constant 11 : i32
      %add3A_367 = arith.addi %mul3A_365, %add3A_366 : i32
      %dma_start3A_368 = arith.constant 0 : i32
      %dma_start3A_369 = tpu.memref_slice %arg12[%add3A_367, %dma_start3A_368] : memref<512x32xf32, #tpu.memory_space<vmem>> -> memref<1x32xf32, #tpu.memory_space<vmem>>
      %dma_start3A_370 = tpu.memref_squeeze %dma_start3A_369 : memref<1x32xf32, #tpu.memory_space<vmem>> -> memref<32xf32, #tpu.memory_space<vmem>>
      %dma_start3A_371 = arith.constant 0 : i32
      %dma_start3A_372 = tpu.memref_slice %arg5[%shift_right_arithmetic3A_361, %and3A_363, %dma_start3A_371] : memref<125000x8x32xf32, #tpu.memory_space<hbm>> -> memref<1x1x32xf32, #tpu.memory_space<hbm>>
      %dma_start3A_373 = tpu.memref_squeeze %dma_start3A_372 : memref<1x1x32xf32, #tpu.memory_space<hbm>> -> memref<32xf32, #tpu.memory_space<hbm>>
      %dma_start3A_374 = arith.constant 0 : i32
      %dma_start3A_375 = tpu.memref_slice %arg12[%add3A_367, %dma_start3A_374] : memref<512x32xf32, #tpu.memory_space<vmem>> -> memref<1x32xf32, #tpu.memory_space<vmem>>
      %dma_start3A_376 = tpu.memref_squeeze %dma_start3A_375 : memref<1x32xf32, #tpu.memory_space<vmem>> -> memref<32xf32, #tpu.memory_space<vmem>>
      %dma_start3A_377 = arith.constant 0 : i32
      %dma_start3A_378 = tpu.memref_slice %arg5[%shift_right_arithmetic3A_361, %and3A_363, %dma_start3A_377] : memref<125000x8x32xf32, #tpu.memory_space<hbm>> -> memref<1x1x32xf32, #tpu.memory_space<hbm>>
      %dma_start3A_379 = tpu.memref_squeeze %dma_start3A_378 : memref<1x1x32xf32, #tpu.memory_space<hbm>> -> memref<32xf32, #tpu.memory_space<hbm>>
      tpu.enqueue_dma source(%dma_start3A_379 : memref<32xf32, #tpu.memory_space<hbm>>) target(%dma_start3A_376 : memref<32xf32, #tpu.memory_space<vmem>>) target_semaphore(%arg13 : memref<!tpu.dma_semaphore, #tpu.memory_space<semaphore_mem>>)
      %eq3A_380 = arith.constant 12 : i32
      %eq3A_381 = vector.broadcast %eq3A_380 : i32 to vector<16xi32>
      %eq3A_382 = arith.cmpi eq, %iota3A, %eq3A_381 : vector<16xi32>
      %select_n3A_383 = arith.select %eq3A_382, %get3A_49, %broadcast_in_dim3A_3 : vector<16xi1>, vector<16xi32>
      %reduce_sum3A_384 = arith.constant true
      %reduce_sum3A_385 = vector.broadcast %reduce_sum3A_384 : i1 to vector<16xi1>
      %reduce_sum3A_386 = tpu.scan <sum>, %select_n3A_383 masked %reduce_sum3A_385 : vector<16xi32>, vector<16xi1> -> vector<16xi32>
      %reduce_sum3A_387 = vector.extract %reduce_sum3A_386[15] : i32 from vector<16xi32>
      %shift_right_arithmetic3A_388 = arith.constant 3 : i32
      %shift_right_arithmetic3A_389 = arith.shrsi %reduce_sum3A_387, %shift_right_arithmetic3A_388 : i32
      %and3A_390 = arith.constant 7 : i32
      %and3A_391 = arith.andi %reduce_sum3A_387, %and3A_390 : i32
      %mul3A_392 = arith.constant 16 : i32
      %mul3A_393 = arith.muli %scan3A_45, %mul3A_392 : i32
      %add3A_394 = arith.constant 12 : i32
      %add3A_395 = arith.addi %mul3A_393, %add3A_394 : i32
      %dma_start3A_396 = arith.constant 0 : i32
      %dma_start3A_397 = tpu.memref_slice %arg12[%add3A_395, %dma_start3A_396] : memref<512x32xf32, #tpu.memory_space<vmem>> -> memref<1x32xf32, #tpu.memory_space<vmem>>
      %dma_start3A_398 = tpu.memref_squeeze %dma_start3A_397 : memref<1x32xf32, #tpu.memory_space<vmem>> -> memref<32xf32, #tpu.memory_space<vmem>>
      %dma_start3A_399 = arith.constant 0 : i32
      %dma_start3A_400 = tpu.memref_slice %arg5[%shift_right_arithmetic3A_389, %and3A_391, %dma_start3A_399] : memref<125000x8x32xf32, #tpu.memory_space<hbm>> -> memref<1x1x32xf32, #tpu.memory_space<hbm>>
      %dma_start3A_401 = tpu.memref_squeeze %dma_start3A_400 : memref<1x1x32xf32, #tpu.memory_space<hbm>> -> memref<32xf32, #tpu.memory_space<hbm>>
      %dma_start3A_402 = arith.constant 0 : i32
      %dma_start3A_403 = tpu.memref_slice %arg12[%add3A_395, %dma_start3A_402] : memref<512x32xf32, #tpu.memory_space<vmem>> -> memref<1x32xf32, #tpu.memory_space<vmem>>
      %dma_start3A_404 = tpu.memref_squeeze %dma_start3A_403 : memref<1x32xf32, #tpu.memory_space<vmem>> -> memref<32xf32, #tpu.memory_space<vmem>>
      %dma_start3A_405 = arith.constant 0 : i32
      %dma_start3A_406 = tpu.memref_slice %arg5[%shift_right_arithmetic3A_389, %and3A_391, %dma_start3A_405] : memref<125000x8x32xf32, #tpu.memory_space<hbm>> -> memref<1x1x32xf32, #tpu.memory_space<hbm>>
      %dma_start3A_407 = tpu.memref_squeeze %dma_start3A_406 : memref<1x1x32xf32, #tpu.memory_space<hbm>> -> memref<32xf32, #tpu.memory_space<hbm>>
      tpu.enqueue_dma source(%dma_start3A_407 : memref<32xf32, #tpu.memory_space<hbm>>) target(%dma_start3A_404 : memref<32xf32, #tpu.memory_space<vmem>>) target_semaphore(%arg13 : memref<!tpu.dma_semaphore, #tpu.memory_space<semaphore_mem>>)
      %eq3A_408 = arith.constant 13 : i32
      %eq3A_409 = vector.broadcast %eq3A_408 : i32 to vector<16xi32>
      %eq3A_410 = arith.cmpi eq, %iota3A, %eq3A_409 : vector<16xi32>
      %select_n3A_411 = arith.select %eq3A_410, %get3A_49, %broadcast_in_dim3A_3 : vector<16xi1>, vector<16xi32>
      %reduce_sum3A_412 = arith.constant true
      %reduce_sum3A_413 = vector.broadcast %reduce_sum3A_412 : i1 to vector<16xi1>
      %reduce_sum3A_414 = tpu.scan <sum>, %select_n3A_411 masked %reduce_sum3A_413 : vector<16xi32>, vector<16xi1> -> vector<16xi32>
      %reduce_sum3A_415 = vector.extract %reduce_sum3A_414[15] : i32 from vector<16xi32>
      %shift_right_arithmetic3A_416 = arith.constant 3 : i32
      %shift_right_arithmetic3A_417 = arith.shrsi %reduce_sum3A_415, %shift_right_arithmetic3A_416 : i32
      %and3A_418 = arith.constant 7 : i32
      %and3A_419 = arith.andi %reduce_sum3A_415, %and3A_418 : i32
      %mul3A_420 = arith.constant 16 : i32
      %mul3A_421 = arith.muli %scan3A_45, %mul3A_420 : i32
      %add3A_422 = arith.constant 13 : i32
      %add3A_423 = arith.addi %mul3A_421, %add3A_422 : i32
      %dma_start3A_424 = arith.constant 0 : i32
      %dma_start3A_425 = tpu.memref_slice %arg12[%add3A_423, %dma_start3A_424] : memref<512x32xf32, #tpu.memory_space<vmem>> -> memref<1x32xf32, #tpu.memory_space<vmem>>
      %dma_start3A_426 = tpu.memref_squeeze %dma_start3A_425 : memref<1x32xf32, #tpu.memory_space<vmem>> -> memref<32xf32, #tpu.memory_space<vmem>>
      %dma_start3A_427 = arith.constant 0 : i32
      %dma_start3A_428 = tpu.memref_slice %arg5[%shift_right_arithmetic3A_417, %and3A_419, %dma_start3A_427] : memref<125000x8x32xf32, #tpu.memory_space<hbm>> -> memref<1x1x32xf32, #tpu.memory_space<hbm>>
      %dma_start3A_429 = tpu.memref_squeeze %dma_start3A_428 : memref<1x1x32xf32, #tpu.memory_space<hbm>> -> memref<32xf32, #tpu.memory_space<hbm>>
      %dma_start3A_430 = arith.constant 0 : i32
      %dma_start3A_431 = tpu.memref_slice %arg12[%add3A_423, %dma_start3A_430] : memref<512x32xf32, #tpu.memory_space<vmem>> -> memref<1x32xf32, #tpu.memory_space<vmem>>
      %dma_start3A_432 = tpu.memref_squeeze %dma_start3A_431 : memref<1x32xf32, #tpu.memory_space<vmem>> -> memref<32xf32, #tpu.memory_space<vmem>>
      %dma_start3A_433 = arith.constant 0 : i32
      %dma_start3A_434 = tpu.memref_slice %arg5[%shift_right_arithmetic3A_417, %and3A_419, %dma_start3A_433] : memref<125000x8x32xf32, #tpu.memory_space<hbm>> -> memref<1x1x32xf32, #tpu.memory_space<hbm>>
      %dma_start3A_435 = tpu.memref_squeeze %dma_start3A_434 : memref<1x1x32xf32, #tpu.memory_space<hbm>> -> memref<32xf32, #tpu.memory_space<hbm>>
      tpu.enqueue_dma source(%dma_start3A_435 : memref<32xf32, #tpu.memory_space<hbm>>) target(%dma_start3A_432 : memref<32xf32, #tpu.memory_space<vmem>>) target_semaphore(%arg13 : memref<!tpu.dma_semaphore, #tpu.memory_space<semaphore_mem>>)
      %eq3A_436 = arith.constant 14 : i32
      %eq3A_437 = vector.broadcast %eq3A_436 : i32 to vector<16xi32>
      %eq3A_438 = arith.cmpi eq, %iota3A, %eq3A_437 : vector<16xi32>
      %select_n3A_439 = arith.select %eq3A_438, %get3A_49, %broadcast_in_dim3A_3 : vector<16xi1>, vector<16xi32>
      %reduce_sum3A_440 = arith.constant true
      %reduce_sum3A_441 = vector.broadcast %reduce_sum3A_440 : i1 to vector<16xi1>
      %reduce_sum3A_442 = tpu.scan <sum>, %select_n3A_439 masked %reduce_sum3A_441 : vector<16xi32>, vector<16xi1> -> vector<16xi32>
      %reduce_sum3A_443 = vector.extract %reduce_sum3A_442[15] : i32 from vector<16xi32>
      %shift_right_arithmetic3A_444 = arith.constant 3 : i32
      %shift_right_arithmetic3A_445 = arith.shrsi %reduce_sum3A_443, %shift_right_arithmetic3A_444 : i32
      %and3A_446 = arith.constant 7 : i32
      %and3A_447 = arith.andi %reduce_sum3A_443, %and3A_446 : i32
      %mul3A_448 = arith.constant 16 : i32
      %mul3A_449 = arith.muli %scan3A_45, %mul3A_448 : i32
      %add3A_450 = arith.constant 14 : i32
      %add3A_451 = arith.addi %mul3A_449, %add3A_450 : i32
      %dma_start3A_452 = arith.constant 0 : i32
      %dma_start3A_453 = tpu.memref_slice %arg12[%add3A_451, %dma_start3A_452] : memref<512x32xf32, #tpu.memory_space<vmem>> -> memref<1x32xf32, #tpu.memory_space<vmem>>
      %dma_start3A_454 = tpu.memref_squeeze %dma_start3A_453 : memref<1x32xf32, #tpu.memory_space<vmem>> -> memref<32xf32, #tpu.memory_space<vmem>>
      %dma_start3A_455 = arith.constant 0 : i32
      %dma_start3A_456 = tpu.memref_slice %arg5[%shift_right_arithmetic3A_445, %and3A_447, %dma_start3A_455] : memref<125000x8x32xf32, #tpu.memory_space<hbm>> -> memref<1x1x32xf32, #tpu.memory_space<hbm>>
      %dma_start3A_457 = tpu.memref_squeeze %dma_start3A_456 : memref<1x1x32xf32, #tpu.memory_space<hbm>> -> memref<32xf32, #tpu.memory_space<hbm>>
      %dma_start3A_458 = arith.constant 0 : i32
      %dma_start3A_459 = tpu.memref_slice %arg12[%add3A_451, %dma_start3A_458] : memref<512x32xf32, #tpu.memory_space<vmem>> -> memref<1x32xf32, #tpu.memory_space<vmem>>
      %dma_start3A_460 = tpu.memref_squeeze %dma_start3A_459 : memref<1x32xf32, #tpu.memory_space<vmem>> -> memref<32xf32, #tpu.memory_space<vmem>>
      %dma_start3A_461 = arith.constant 0 : i32
      %dma_start3A_462 = tpu.memref_slice %arg5[%shift_right_arithmetic3A_445, %and3A_447, %dma_start3A_461] : memref<125000x8x32xf32, #tpu.memory_space<hbm>> -> memref<1x1x32xf32, #tpu.memory_space<hbm>>
      %dma_start3A_463 = tpu.memref_squeeze %dma_start3A_462 : memref<1x1x32xf32, #tpu.memory_space<hbm>> -> memref<32xf32, #tpu.memory_space<hbm>>
      tpu.enqueue_dma source(%dma_start3A_463 : memref<32xf32, #tpu.memory_space<hbm>>) target(%dma_start3A_460 : memref<32xf32, #tpu.memory_space<vmem>>) target_semaphore(%arg13 : memref<!tpu.dma_semaphore, #tpu.memory_space<semaphore_mem>>)
      %eq3A_464 = arith.constant 15 : i32
      %eq3A_465 = vector.broadcast %eq3A_464 : i32 to vector<16xi32>
      %eq3A_466 = arith.cmpi eq, %iota3A, %eq3A_465 : vector<16xi32>
      %select_n3A_467 = arith.select %eq3A_466, %get3A_49, %broadcast_in_dim3A_3 : vector<16xi1>, vector<16xi32>
      %reduce_sum3A_468 = arith.constant true
      %reduce_sum3A_469 = vector.broadcast %reduce_sum3A_468 : i1 to vector<16xi1>
      %reduce_sum3A_470 = tpu.scan <sum>, %select_n3A_467 masked %reduce_sum3A_469 : vector<16xi32>, vector<16xi1> -> vector<16xi32>
      %reduce_sum3A_471 = vector.extract %reduce_sum3A_470[15] : i32 from vector<16xi32>
      %shift_right_arithmetic3A_472 = arith.constant 3 : i32
      %shift_right_arithmetic3A_473 = arith.shrsi %reduce_sum3A_471, %shift_right_arithmetic3A_472 : i32
      %and3A_474 = arith.constant 7 : i32
      %and3A_475 = arith.andi %reduce_sum3A_471, %and3A_474 : i32
      %mul3A_476 = arith.constant 16 : i32
      %mul3A_477 = arith.muli %scan3A_45, %mul3A_476 : i32
      %add3A_478 = arith.constant 15 : i32
      %add3A_479 = arith.addi %mul3A_477, %add3A_478 : i32
      %dma_start3A_480 = arith.constant 0 : i32
      %dma_start3A_481 = tpu.memref_slice %arg12[%add3A_479, %dma_start3A_480] : memref<512x32xf32, #tpu.memory_space<vmem>> -> memref<1x32xf32, #tpu.memory_space<vmem>>
      %dma_start3A_482 = tpu.memref_squeeze %dma_start3A_481 : memref<1x32xf32, #tpu.memory_space<vmem>> -> memref<32xf32, #tpu.memory_space<vmem>>
      %dma_start3A_483 = arith.constant 0 : i32
      %dma_start3A_484 = tpu.memref_slice %arg5[%shift_right_arithmetic3A_473, %and3A_475, %dma_start3A_483] : memref<125000x8x32xf32, #tpu.memory_space<hbm>> -> memref<1x1x32xf32, #tpu.memory_space<hbm>>
      %dma_start3A_485 = tpu.memref_squeeze %dma_start3A_484 : memref<1x1x32xf32, #tpu.memory_space<hbm>> -> memref<32xf32, #tpu.memory_space<hbm>>
      %dma_start3A_486 = arith.constant 0 : i32
      %dma_start3A_487 = tpu.memref_slice %arg12[%add3A_479, %dma_start3A_486] : memref<512x32xf32, #tpu.memory_space<vmem>> -> memref<1x32xf32, #tpu.memory_space<vmem>>
      %dma_start3A_488 = tpu.memref_squeeze %dma_start3A_487 : memref<1x32xf32, #tpu.memory_space<vmem>> -> memref<32xf32, #tpu.memory_space<vmem>>
      %dma_start3A_489 = arith.constant 0 : i32
      %dma_start3A_490 = tpu.memref_slice %arg5[%shift_right_arithmetic3A_473, %and3A_475, %dma_start3A_489] : memref<125000x8x32xf32, #tpu.memory_space<hbm>> -> memref<1x1x32xf32, #tpu.memory_space<hbm>>
      %dma_start3A_491 = tpu.memref_squeeze %dma_start3A_490 : memref<1x1x32xf32, #tpu.memory_space<hbm>> -> memref<32xf32, #tpu.memory_space<hbm>>
      tpu.enqueue_dma source(%dma_start3A_491 : memref<32xf32, #tpu.memory_space<hbm>>) target(%dma_start3A_488 : memref<32xf32, #tpu.memory_space<vmem>>) target_semaphore(%arg13 : memref<!tpu.dma_semaphore, #tpu.memory_space<semaphore_mem>>)
      %scan3A_492 = arith.constant 0 : i32
      scf.yield %scan3A_492 : i32
    }
    %scan3A_9 = arith.constant 32 : i32
    %scan3A_10 = arith.constant 0 : i32
    %scan3A_11 = arith.constant 0 : i32
    %scan3A_12 = arith.constant 32 : i32
    %scan3A_13 = arith.addi %scan3A_11, %scan3A_12 : i32
    %scan3A_14 = arith.constant 1 : i32
    %scan3A_15 = scf.for %scan3A_45 = %scan3A_11 to %scan3A_13 step %scan3A_14 iter_args(%scan3A_46 = %scan3A_10) -> (i32)  : i32 {
      %mul3A_47 = arith.constant 16 : i32
      %mul3A_48 = arith.muli %scan3A_45, %mul3A_47 : i32
      %dma_wait3A = arith.constant 0 : i32
      %dma_wait3A_49 = tpu.memref_slice %arg12[%mul3A_48, %dma_wait3A] : memref<512x32xf32, #tpu.memory_space<vmem>> -> memref<16x32xf32, #tpu.memory_space<vmem>>
      %dma_wait3A_50 = arith.constant 0 : i32
      %dma_wait3A_51 = tpu.memref_slice %arg8[%mul3A_2, %dma_wait3A_50] : memref<16384x32xf32, #tpu.memory_space<hbm>> -> memref<16x32xf32, #tpu.memory_space<hbm>>
      %dma_wait3A_52 = arith.constant 0 : i32
      %dma_wait3A_53 = tpu.memref_slice %arg12[%mul3A_48, %dma_wait3A_52] : memref<512x32xf32, #tpu.memory_space<vmem>> -> memref<16x32xf32, #tpu.memory_space<vmem>>
      %dma_wait3A_54 = arith.constant 0 : i32
      %dma_wait3A_55 = tpu.memref_slice %arg8[%mul3A_2, %dma_wait3A_54] : memref<16384x32xf32, #tpu.memory_space<hbm>> -> memref<16x32xf32, #tpu.memory_space<hbm>>
      tpu.wait_dma2 semaphore(%arg13 : memref<!tpu.dma_semaphore, #tpu.memory_space<semaphore_mem>>) src(%dma_wait3A_55 : memref<16x32xf32, #tpu.memory_space<hbm>>) dst(%dma_wait3A_53 : memref<16x32xf32, #tpu.memory_space<vmem>>)
      %scan3A_56 = arith.constant 0 : i32
      scf.yield %scan3A_56 : i32
    }
    %scan3A_16 = arith.constant 32 : i32
    "tpu.region"() ({
      %run_scoped3A = tpu.sem_alloc : memref<!tpu.dma_semaphore, #tpu.memory_space<semaphore_mem>>
      %dma_start3A = arith.constant 0 : i32
      %dma_start3A_45 = tpu.memref_slice %arg8[%mul3A_2, %dma_start3A] : memref<16384x32xf32, #tpu.memory_space<hbm>> -> memref<512x32xf32, #tpu.memory_space<hbm>>
      %dma_start3A_46 = arith.constant 0 : i32
      %dma_start3A_47 = tpu.memref_slice %arg8[%mul3A_2, %dma_start3A_46] : memref<16384x32xf32, #tpu.memory_space<hbm>> -> memref<512x32xf32, #tpu.memory_space<hbm>>
      tpu.enqueue_dma source(%arg12 : memref<512x32xf32, #tpu.memory_space<vmem>>) target(%dma_start3A_47 : memref<512x32xf32, #tpu.memory_space<hbm>>) target_semaphore(%run_scoped3A : memref<!tpu.dma_semaphore, #tpu.memory_space<semaphore_mem>>)
      %dma_wait3A = arith.constant 0 : i32
      %dma_wait3A_48 = tpu.memref_slice %arg8[%mul3A_2, %dma_wait3A] : memref<16384x32xf32, #tpu.memory_space<hbm>> -> memref<512x32xf32, #tpu.memory_space<hbm>>
      %dma_wait3A_49 = arith.constant 0 : i32
      %dma_wait3A_50 = tpu.memref_slice %arg8[%mul3A_2, %dma_wait3A_49] : memref<16384x32xf32, #tpu.memory_space<hbm>> -> memref<512x32xf32, #tpu.memory_space<hbm>>
      tpu.wait_dma2 semaphore(%run_scoped3A : memref<!tpu.dma_semaphore, #tpu.memory_space<semaphore_mem>>) src(%arg12 : memref<512x32xf32, #tpu.memory_space<vmem>>) dst(%dma_wait3A_50 : memref<512x32xf32, #tpu.memory_space<hbm>>)
      tpu.yield
    }) : () -> ()
    "tpu.region"() ({
      %run_scoped3A = tpu.sem_alloc : memref<!tpu.dma_semaphore, #tpu.memory_space<semaphore_mem>>
      %dma_start3A = tpu.memref_slice %arg3[%mul3A_2] : memref<16384xi32, #tpu.memory_space<hbm>> -> memref<512xi32, #tpu.memory_space<hbm>>
      %dma_start3A_45 = tpu.memref_slice %arg3[%mul3A_2] : memref<16384xi32, #tpu.memory_space<hbm>> -> memref<512xi32, #tpu.memory_space<hbm>>
      tpu.enqueue_dma source(%dma_start3A_45 : memref<512xi32, #tpu.memory_space<hbm>>) target(%arg11 : memref<512xi32, #tpu.memory_space<vmem>>) target_semaphore(%run_scoped3A : memref<!tpu.dma_semaphore, #tpu.memory_space<semaphore_mem>>)
      %dma_wait3A = tpu.memref_slice %arg3[%mul3A_2] : memref<16384xi32, #tpu.memory_space<hbm>> -> memref<512xi32, #tpu.memory_space<hbm>>
      %dma_wait3A_46 = tpu.memref_slice %arg3[%mul3A_2] : memref<16384xi32, #tpu.memory_space<hbm>> -> memref<512xi32, #tpu.memory_space<hbm>>
      tpu.wait_dma2 semaphore(%run_scoped3A : memref<!tpu.dma_semaphore, #tpu.memory_space<semaphore_mem>>) src(%dma_wait3A_46 : memref<512xi32, #tpu.memory_space<hbm>>) dst(%arg11 : memref<512xi32, #tpu.memory_space<vmem>>)
      tpu.yield
    }) : () -> ()
    %scan3A_17 = arith.constant 0 : i32
    %scan3A_18 = arith.constant 0 : i32
    %scan3A_19 = arith.constant 32 : i32
    %scan3A_20 = arith.addi %scan3A_18, %scan3A_19 : i32
    %scan3A_21 = arith.constant 1 : i32
    %scan3A_22 = scf.for %scan3A_45 = %scan3A_18 to %scan3A_20 step %scan3A_21 iter_args(%scan3A_46 = %scan3A_17) -> (i32)  : i32 {
      %mul3A_47 = arith.constant 16 : i32
      %mul3A_48 = arith.muli %scan3A_45, %mul3A_47 : i32
      %get3A = arith.index_cast %mul3A_48 : i32 to index
      %get3A_49 = tpu.vector_load %arg11[%get3A] {strides = array<i32>} : memref<512xi32, #tpu.memory_space<vmem>>, vector<16xi32>,
      %eq3A = arith.constant 0 : i32
      %eq3A_50 = vector.broadcast %eq3A : i32 to vector<16xi32>
      %eq3A_51 = arith.cmpi eq, %iota3A, %eq3A_50 : vector<16xi32>
      %select_n3A = arith.select %eq3A_51, %get3A_49, %broadcast_in_dim3A_3 : vector<16xi1>, vector<16xi32>
      %reduce_sum3A = arith.constant true
      %reduce_sum3A_52 = vector.broadcast %reduce_sum3A : i1 to vector<16xi1>
      %reduce_sum3A_53 = tpu.scan <sum>, %select_n3A masked %reduce_sum3A_52 : vector<16xi32>, vector<16xi1> -> vector<16xi32>
      %reduce_sum3A_54 = vector.extract %reduce_sum3A_53[15] : i32 from vector<16xi32>
      %shift_right_arithmetic3A = arith.constant 3 : i32
      %shift_right_arithmetic3A_55 = arith.shrsi %reduce_sum3A_54, %shift_right_arithmetic3A : i32
      %and3A = arith.constant 7 : i32
      %and3A_56 = arith.andi %reduce_sum3A_54, %and3A : i32
      %mul3A_57 = arith.constant 16 : i32
      %mul3A_58 = arith.muli %scan3A_45, %mul3A_57 : i32
      %add3A_59 = arith.constant 0 : i32
      %add3A_60 = arith.addi %mul3A_58, %add3A_59 : i32
      %dma_start3A = arith.constant 0 : i32
      %dma_start3A_61 = tpu.memref_slice %arg12[%add3A_60, %dma_start3A] : memref<512x32xf32, #tpu.memory_space<vmem>> -> memref<1x32xf32, #tpu.memory_space<vmem>>
      %dma_start3A_62 = tpu.memref_squeeze %dma_start3A_61 : memref<1x32xf32, #tpu.memory_space<vmem>> -> memref<32xf32, #tpu.memory_space<vmem>>
      %dma_start3A_63 = arith.constant 0 : i32
      %dma_start3A_64 = tpu.memref_slice %arg6[%shift_right_arithmetic3A_55, %and3A_56, %dma_start3A_63] : memref<12500x8x32xf32, #tpu.memory_space<hbm>> -> memref<1x1x32xf32, #tpu.memory_space<hbm>>
      %dma_start3A_65 = tpu.memref_squeeze %dma_start3A_64 : memref<1x1x32xf32, #tpu.memory_space<hbm>> -> memref<32xf32, #tpu.memory_space<hbm>>
      %dma_start3A_66 = arith.constant 0 : i32
      %dma_start3A_67 = tpu.memref_slice %arg12[%add3A_60, %dma_start3A_66] : memref<512x32xf32, #tpu.memory_space<vmem>> -> memref<1x32xf32, #tpu.memory_space<vmem>>
      %dma_start3A_68 = tpu.memref_squeeze %dma_start3A_67 : memref<1x32xf32, #tpu.memory_space<vmem>> -> memref<32xf32, #tpu.memory_space<vmem>>
      %dma_start3A_69 = arith.constant 0 : i32
      %dma_start3A_70 = tpu.memref_slice %arg6[%shift_right_arithmetic3A_55, %and3A_56, %dma_start3A_69] : memref<12500x8x32xf32, #tpu.memory_space<hbm>> -> memref<1x1x32xf32, #tpu.memory_space<hbm>>
      %dma_start3A_71 = tpu.memref_squeeze %dma_start3A_70 : memref<1x1x32xf32, #tpu.memory_space<hbm>> -> memref<32xf32, #tpu.memory_space<hbm>>
      tpu.enqueue_dma source(%dma_start3A_71 : memref<32xf32, #tpu.memory_space<hbm>>) target(%dma_start3A_68 : memref<32xf32, #tpu.memory_space<vmem>>) target_semaphore(%arg13 : memref<!tpu.dma_semaphore, #tpu.memory_space<semaphore_mem>>)
      %eq3A_72 = arith.constant 1 : i32
      %eq3A_73 = vector.broadcast %eq3A_72 : i32 to vector<16xi32>
      %eq3A_74 = arith.cmpi eq, %iota3A, %eq3A_73 : vector<16xi32>
      %select_n3A_75 = arith.select %eq3A_74, %get3A_49, %broadcast_in_dim3A_3 : vector<16xi1>, vector<16xi32>
      %reduce_sum3A_76 = arith.constant true
      %reduce_sum3A_77 = vector.broadcast %reduce_sum3A_76 : i1 to vector<16xi1>
      %reduce_sum3A_78 = tpu.scan <sum>, %select_n3A_75 masked %reduce_sum3A_77 : vector<16xi32>, vector<16xi1> -> vector<16xi32>
      %reduce_sum3A_79 = vector.extract %reduce_sum3A_78[15] : i32 from vector<16xi32>
      %shift_right_arithmetic3A_80 = arith.constant 3 : i32
      %shift_right_arithmetic3A_81 = arith.shrsi %reduce_sum3A_79, %shift_right_arithmetic3A_80 : i32
      %and3A_82 = arith.constant 7 : i32
      %and3A_83 = arith.andi %reduce_sum3A_79, %and3A_82 : i32
      %mul3A_84 = arith.constant 16 : i32
      %mul3A_85 = arith.muli %scan3A_45, %mul3A_84 : i32
      %add3A_86 = arith.constant 1 : i32
      %add3A_87 = arith.addi %mul3A_85, %add3A_86 : i32
      %dma_start3A_88 = arith.constant 0 : i32
      %dma_start3A_89 = tpu.memref_slice %arg12[%add3A_87, %dma_start3A_88] : memref<512x32xf32, #tpu.memory_space<vmem>> -> memref<1x32xf32, #tpu.memory_space<vmem>>
      %dma_start3A_90 = tpu.memref_squeeze %dma_start3A_89 : memref<1x32xf32, #tpu.memory_space<vmem>> -> memref<32xf32, #tpu.memory_space<vmem>>
      %dma_start3A_91 = arith.constant 0 : i32
      %dma_start3A_92 = tpu.memref_slice %arg6[%shift_right_arithmetic3A_81, %and3A_83, %dma_start3A_91] : memref<12500x8x32xf32, #tpu.memory_space<hbm>> -> memref<1x1x32xf32, #tpu.memory_space<hbm>>
      %dma_start3A_93 = tpu.memref_squeeze %dma_start3A_92 : memref<1x1x32xf32, #tpu.memory_space<hbm>> -> memref<32xf32, #tpu.memory_space<hbm>>
      %dma_start3A_94 = arith.constant 0 : i32
      %dma_start3A_95 = tpu.memref_slice %arg12[%add3A_87, %dma_start3A_94] : memref<512x32xf32, #tpu.memory_space<vmem>> -> memref<1x32xf32, #tpu.memory_space<vmem>>
      %dma_start3A_96 = tpu.memref_squeeze %dma_start3A_95 : memref<1x32xf32, #tpu.memory_space<vmem>> -> memref<32xf32, #tpu.memory_space<vmem>>
      %dma_start3A_97 = arith.constant 0 : i32
      %dma_start3A_98 = tpu.memref_slice %arg6[%shift_right_arithmetic3A_81, %and3A_83, %dma_start3A_97] : memref<12500x8x32xf32, #tpu.memory_space<hbm>> -> memref<1x1x32xf32, #tpu.memory_space<hbm>>
      %dma_start3A_99 = tpu.memref_squeeze %dma_start3A_98 : memref<1x1x32xf32, #tpu.memory_space<hbm>> -> memref<32xf32, #tpu.memory_space<hbm>>
      tpu.enqueue_dma source(%dma_start3A_99 : memref<32xf32, #tpu.memory_space<hbm>>) target(%dma_start3A_96 : memref<32xf32, #tpu.memory_space<vmem>>) target_semaphore(%arg13 : memref<!tpu.dma_semaphore, #tpu.memory_space<semaphore_mem>>)
      %eq3A_100 = arith.constant 2 : i32
      %eq3A_101 = vector.broadcast %eq3A_100 : i32 to vector<16xi32>
      %eq3A_102 = arith.cmpi eq, %iota3A, %eq3A_101 : vector<16xi32>
      %select_n3A_103 = arith.select %eq3A_102, %get3A_49, %broadcast_in_dim3A_3 : vector<16xi1>, vector<16xi32>
      %reduce_sum3A_104 = arith.constant true
      %reduce_sum3A_105 = vector.broadcast %reduce_sum3A_104 : i1 to vector<16xi1>
      %reduce_sum3A_106 = tpu.scan <sum>, %select_n3A_103 masked %reduce_sum3A_105 : vector<16xi32>, vector<16xi1> -> vector<16xi32>
      %reduce_sum3A_107 = vector.extract %reduce_sum3A_106[15] : i32 from vector<16xi32>
      %shift_right_arithmetic3A_108 = arith.constant 3 : i32
      %shift_right_arithmetic3A_109 = arith.shrsi %reduce_sum3A_107, %shift_right_arithmetic3A_108 : i32
      %and3A_110 = arith.constant 7 : i32
      %and3A_111 = arith.andi %reduce_sum3A_107, %and3A_110 : i32
      %mul3A_112 = arith.constant 16 : i32
      %mul3A_113 = arith.muli %scan3A_45, %mul3A_112 : i32
      %add3A_114 = arith.constant 2 : i32
      %add3A_115 = arith.addi %mul3A_113, %add3A_114 : i32
      %dma_start3A_116 = arith.constant 0 : i32
      %dma_start3A_117 = tpu.memref_slice %arg12[%add3A_115, %dma_start3A_116] : memref<512x32xf32, #tpu.memory_space<vmem>> -> memref<1x32xf32, #tpu.memory_space<vmem>>
      %dma_start3A_118 = tpu.memref_squeeze %dma_start3A_117 : memref<1x32xf32, #tpu.memory_space<vmem>> -> memref<32xf32, #tpu.memory_space<vmem>>
      %dma_start3A_119 = arith.constant 0 : i32
      %dma_start3A_120 = tpu.memref_slice %arg6[%shift_right_arithmetic3A_109, %and3A_111, %dma_start3A_119] : memref<12500x8x32xf32, #tpu.memory_space<hbm>> -> memref<1x1x32xf32, #tpu.memory_space<hbm>>
      %dma_start3A_121 = tpu.memref_squeeze %dma_start3A_120 : memref<1x1x32xf32, #tpu.memory_space<hbm>> -> memref<32xf32, #tpu.memory_space<hbm>>
      %dma_start3A_122 = arith.constant 0 : i32
      %dma_start3A_123 = tpu.memref_slice %arg12[%add3A_115, %dma_start3A_122] : memref<512x32xf32, #tpu.memory_space<vmem>> -> memref<1x32xf32, #tpu.memory_space<vmem>>
      %dma_start3A_124 = tpu.memref_squeeze %dma_start3A_123 : memref<1x32xf32, #tpu.memory_space<vmem>> -> memref<32xf32, #tpu.memory_space<vmem>>
      %dma_start3A_125 = arith.constant 0 : i32
      %dma_start3A_126 = tpu.memref_slice %arg6[%shift_right_arithmetic3A_109, %and3A_111, %dma_start3A_125] : memref<12500x8x32xf32, #tpu.memory_space<hbm>> -> memref<1x1x32xf32, #tpu.memory_space<hbm>>
      %dma_start3A_127 = tpu.memref_squeeze %dma_start3A_126 : memref<1x1x32xf32, #tpu.memory_space<hbm>> -> memref<32xf32, #tpu.memory_space<hbm>>
      tpu.enqueue_dma source(%dma_start3A_127 : memref<32xf32, #tpu.memory_space<hbm>>) target(%dma_start3A_124 : memref<32xf32, #tpu.memory_space<vmem>>) target_semaphore(%arg13 : memref<!tpu.dma_semaphore, #tpu.memory_space<semaphore_mem>>)
      %eq3A_128 = arith.constant 3 : i32
      %eq3A_129 = vector.broadcast %eq3A_128 : i32 to vector<16xi32>
      %eq3A_130 = arith.cmpi eq, %iota3A, %eq3A_129 : vector<16xi32>
      %select_n3A_131 = arith.select %eq3A_130, %get3A_49, %broadcast_in_dim3A_3 : vector<16xi1>, vector<16xi32>
      %reduce_sum3A_132 = arith.constant true
      %reduce_sum3A_133 = vector.broadcast %reduce_sum3A_132 : i1 to vector<16xi1>
      %reduce_sum3A_134 = tpu.scan <sum>, %select_n3A_131 masked %reduce_sum3A_133 : vector<16xi32>, vector<16xi1> -> vector<16xi32>
      %reduce_sum3A_135 = vector.extract %reduce_sum3A_134[15] : i32 from vector<16xi32>
      %shift_right_arithmetic3A_136 = arith.constant 3 : i32
      %shift_right_arithmetic3A_137 = arith.shrsi %reduce_sum3A_135, %shift_right_arithmetic3A_136 : i32
      %and3A_138 = arith.constant 7 : i32
      %and3A_139 = arith.andi %reduce_sum3A_135, %and3A_138 : i32
      %mul3A_140 = arith.constant 16 : i32
      %mul3A_141 = arith.muli %scan3A_45, %mul3A_140 : i32
      %add3A_142 = arith.constant 3 : i32
      %add3A_143 = arith.addi %mul3A_141, %add3A_142 : i32
      %dma_start3A_144 = arith.constant 0 : i32
      %dma_start3A_145 = tpu.memref_slice %arg12[%add3A_143, %dma_start3A_144] : memref<512x32xf32, #tpu.memory_space<vmem>> -> memref<1x32xf32, #tpu.memory_space<vmem>>
      %dma_start3A_146 = tpu.memref_squeeze %dma_start3A_145 : memref<1x32xf32, #tpu.memory_space<vmem>> -> memref<32xf32, #tpu.memory_space<vmem>>
      %dma_start3A_147 = arith.constant 0 : i32
      %dma_start3A_148 = tpu.memref_slice %arg6[%shift_right_arithmetic3A_137, %and3A_139, %dma_start3A_147] : memref<12500x8x32xf32, #tpu.memory_space<hbm>> -> memref<1x1x32xf32, #tpu.memory_space<hbm>>
      %dma_start3A_149 = tpu.memref_squeeze %dma_start3A_148 : memref<1x1x32xf32, #tpu.memory_space<hbm>> -> memref<32xf32, #tpu.memory_space<hbm>>
      %dma_start3A_150 = arith.constant 0 : i32
      %dma_start3A_151 = tpu.memref_slice %arg12[%add3A_143, %dma_start3A_150] : memref<512x32xf32, #tpu.memory_space<vmem>> -> memref<1x32xf32, #tpu.memory_space<vmem>>
      %dma_start3A_152 = tpu.memref_squeeze %dma_start3A_151 : memref<1x32xf32, #tpu.memory_space<vmem>> -> memref<32xf32, #tpu.memory_space<vmem>>
      %dma_start3A_153 = arith.constant 0 : i32
      %dma_start3A_154 = tpu.memref_slice %arg6[%shift_right_arithmetic3A_137, %and3A_139, %dma_start3A_153] : memref<12500x8x32xf32, #tpu.memory_space<hbm>> -> memref<1x1x32xf32, #tpu.memory_space<hbm>>
      %dma_start3A_155 = tpu.memref_squeeze %dma_start3A_154 : memref<1x1x32xf32, #tpu.memory_space<hbm>> -> memref<32xf32, #tpu.memory_space<hbm>>
      tpu.enqueue_dma source(%dma_start3A_155 : memref<32xf32, #tpu.memory_space<hbm>>) target(%dma_start3A_152 : memref<32xf32, #tpu.memory_space<vmem>>) target_semaphore(%arg13 : memref<!tpu.dma_semaphore, #tpu.memory_space<semaphore_mem>>)
      %eq3A_156 = arith.constant 4 : i32
      %eq3A_157 = vector.broadcast %eq3A_156 : i32 to vector<16xi32>
      %eq3A_158 = arith.cmpi eq, %iota3A, %eq3A_157 : vector<16xi32>
      %select_n3A_159 = arith.select %eq3A_158, %get3A_49, %broadcast_in_dim3A_3 : vector<16xi1>, vector<16xi32>
      %reduce_sum3A_160 = arith.constant true
      %reduce_sum3A_161 = vector.broadcast %reduce_sum3A_160 : i1 to vector<16xi1>
      %reduce_sum3A_162 = tpu.scan <sum>, %select_n3A_159 masked %reduce_sum3A_161 : vector<16xi32>, vector<16xi1> -> vector<16xi32>
      %reduce_sum3A_163 = vector.extract %reduce_sum3A_162[15] : i32 from vector<16xi32>
      %shift_right_arithmetic3A_164 = arith.constant 3 : i32
      %shift_right_arithmetic3A_165 = arith.shrsi %reduce_sum3A_163, %shift_right_arithmetic3A_164 : i32
      %and3A_166 = arith.constant 7 : i32
      %and3A_167 = arith.andi %reduce_sum3A_163, %and3A_166 : i32
      %mul3A_168 = arith.constant 16 : i32
      %mul3A_169 = arith.muli %scan3A_45, %mul3A_168 : i32
      %add3A_170 = arith.constant 4 : i32
      %add3A_171 = arith.addi %mul3A_169, %add3A_170 : i32
      %dma_start3A_172 = arith.constant 0 : i32
      %dma_start3A_173 = tpu.memref_slice %arg12[%add3A_171, %dma_start3A_172] : memref<512x32xf32, #tpu.memory_space<vmem>> -> memref<1x32xf32, #tpu.memory_space<vmem>>
      %dma_start3A_174 = tpu.memref_squeeze %dma_start3A_173 : memref<1x32xf32, #tpu.memory_space<vmem>> -> memref<32xf32, #tpu.memory_space<vmem>>
      %dma_start3A_175 = arith.constant 0 : i32
      %dma_start3A_176 = tpu.memref_slice %arg6[%shift_right_arithmetic3A_165, %and3A_167, %dma_start3A_175] : memref<12500x8x32xf32, #tpu.memory_space<hbm>> -> memref<1x1x32xf32, #tpu.memory_space<hbm>>
      %dma_start3A_177 = tpu.memref_squeeze %dma_start3A_176 : memref<1x1x32xf32, #tpu.memory_space<hbm>> -> memref<32xf32, #tpu.memory_space<hbm>>
      %dma_start3A_178 = arith.constant 0 : i32
      %dma_start3A_179 = tpu.memref_slice %arg12[%add3A_171, %dma_start3A_178] : memref<512x32xf32, #tpu.memory_space<vmem>> -> memref<1x32xf32, #tpu.memory_space<vmem>>
      %dma_start3A_180 = tpu.memref_squeeze %dma_start3A_179 : memref<1x32xf32, #tpu.memory_space<vmem>> -> memref<32xf32, #tpu.memory_space<vmem>>
      %dma_start3A_181 = arith.constant 0 : i32
      %dma_start3A_182 = tpu.memref_slice %arg6[%shift_right_arithmetic3A_165, %and3A_167, %dma_start3A_181] : memref<12500x8x32xf32, #tpu.memory_space<hbm>> -> memref<1x1x32xf32, #tpu.memory_space<hbm>>
      %dma_start3A_183 = tpu.memref_squeeze %dma_start3A_182 : memref<1x1x32xf32, #tpu.memory_space<hbm>> -> memref<32xf32, #tpu.memory_space<hbm>>
      tpu.enqueue_dma source(%dma_start3A_183 : memref<32xf32, #tpu.memory_space<hbm>>) target(%dma_start3A_180 : memref<32xf32, #tpu.memory_space<vmem>>) target_semaphore(%arg13 : memref<!tpu.dma_semaphore, #tpu.memory_space<semaphore_mem>>)
      %eq3A_184 = arith.constant 5 : i32
      %eq3A_185 = vector.broadcast %eq3A_184 : i32 to vector<16xi32>
      %eq3A_186 = arith.cmpi eq, %iota3A, %eq3A_185 : vector<16xi32>
      %select_n3A_187 = arith.select %eq3A_186, %get3A_49, %broadcast_in_dim3A_3 : vector<16xi1>, vector<16xi32>
      %reduce_sum3A_188 = arith.constant true
      %reduce_sum3A_189 = vector.broadcast %reduce_sum3A_188 : i1 to vector<16xi1>
      %reduce_sum3A_190 = tpu.scan <sum>, %select_n3A_187 masked %reduce_sum3A_189 : vector<16xi32>, vector<16xi1> -> vector<16xi32>
      %reduce_sum3A_191 = vector.extract %reduce_sum3A_190[15] : i32 from vector<16xi32>
      %shift_right_arithmetic3A_192 = arith.constant 3 : i32
      %shift_right_arithmetic3A_193 = arith.shrsi %reduce_sum3A_191, %shift_right_arithmetic3A_192 : i32
      %and3A_194 = arith.constant 7 : i32
      %and3A_195 = arith.andi %reduce_sum3A_191, %and3A_194 : i32
      %mul3A_196 = arith.constant 16 : i32
      %mul3A_197 = arith.muli %scan3A_45, %mul3A_196 : i32
      %add3A_198 = arith.constant 5 : i32
      %add3A_199 = arith.addi %mul3A_197, %add3A_198 : i32
      %dma_start3A_200 = arith.constant 0 : i32
      %dma_start3A_201 = tpu.memref_slice %arg12[%add3A_199, %dma_start3A_200] : memref<512x32xf32, #tpu.memory_space<vmem>> -> memref<1x32xf32, #tpu.memory_space<vmem>>
      %dma_start3A_202 = tpu.memref_squeeze %dma_start3A_201 : memref<1x32xf32, #tpu.memory_space<vmem>> -> memref<32xf32, #tpu.memory_space<vmem>>
      %dma_start3A_203 = arith.constant 0 : i32
      %dma_start3A_204 = tpu.memref_slice %arg6[%shift_right_arithmetic3A_193, %and3A_195, %dma_start3A_203] : memref<12500x8x32xf32, #tpu.memory_space<hbm>> -> memref<1x1x32xf32, #tpu.memory_space<hbm>>
      %dma_start3A_205 = tpu.memref_squeeze %dma_start3A_204 : memref<1x1x32xf32, #tpu.memory_space<hbm>> -> memref<32xf32, #tpu.memory_space<hbm>>
      %dma_start3A_206 = arith.constant 0 : i32
      %dma_start3A_207 = tpu.memref_slice %arg12[%add3A_199, %dma_start3A_206] : memref<512x32xf32, #tpu.memory_space<vmem>> -> memref<1x32xf32, #tpu.memory_space<vmem>>
      %dma_start3A_208 = tpu.memref_squeeze %dma_start3A_207 : memref<1x32xf32, #tpu.memory_space<vmem>> -> memref<32xf32, #tpu.memory_space<vmem>>
      %dma_start3A_209 = arith.constant 0 : i32
      %dma_start3A_210 = tpu.memref_slice %arg6[%shift_right_arithmetic3A_193, %and3A_195, %dma_start3A_209] : memref<12500x8x32xf32, #tpu.memory_space<hbm>> -> memref<1x1x32xf32, #tpu.memory_space<hbm>>
      %dma_start3A_211 = tpu.memref_squeeze %dma_start3A_210 : memref<1x1x32xf32, #tpu.memory_space<hbm>> -> memref<32xf32, #tpu.memory_space<hbm>>
      tpu.enqueue_dma source(%dma_start3A_211 : memref<32xf32, #tpu.memory_space<hbm>>) target(%dma_start3A_208 : memref<32xf32, #tpu.memory_space<vmem>>) target_semaphore(%arg13 : memref<!tpu.dma_semaphore, #tpu.memory_space<semaphore_mem>>)
      %eq3A_212 = arith.constant 6 : i32
      %eq3A_213 = vector.broadcast %eq3A_212 : i32 to vector<16xi32>
      %eq3A_214 = arith.cmpi eq, %iota3A, %eq3A_213 : vector<16xi32>
      %select_n3A_215 = arith.select %eq3A_214, %get3A_49, %broadcast_in_dim3A_3 : vector<16xi1>, vector<16xi32>
      %reduce_sum3A_216 = arith.constant true
      %reduce_sum3A_217 = vector.broadcast %reduce_sum3A_216 : i1 to vector<16xi1>
      %reduce_sum3A_218 = tpu.scan <sum>, %select_n3A_215 masked %reduce_sum3A_217 : vector<16xi32>, vector<16xi1> -> vector<16xi32>
      %reduce_sum3A_219 = vector.extract %reduce_sum3A_218[15] : i32 from vector<16xi32>
      %shift_right_arithmetic3A_220 = arith.constant 3 : i32
      %shift_right_arithmetic3A_221 = arith.shrsi %reduce_sum3A_219, %shift_right_arithmetic3A_220 : i32
      %and3A_222 = arith.constant 7 : i32
      %and3A_223 = arith.andi %reduce_sum3A_219, %and3A_222 : i32
      %mul3A_224 = arith.constant 16 : i32
      %mul3A_225 = arith.muli %scan3A_45, %mul3A_224 : i32
      %add3A_226 = arith.constant 6 : i32
      %add3A_227 = arith.addi %mul3A_225, %add3A_226 : i32
      %dma_start3A_228 = arith.constant 0 : i32
      %dma_start3A_229 = tpu.memref_slice %arg12[%add3A_227, %dma_start3A_228] : memref<512x32xf32, #tpu.memory_space<vmem>> -> memref<1x32xf32, #tpu.memory_space<vmem>>
      %dma_start3A_230 = tpu.memref_squeeze %dma_start3A_229 : memref<1x32xf32, #tpu.memory_space<vmem>> -> memref<32xf32, #tpu.memory_space<vmem>>
      %dma_start3A_231 = arith.constant 0 : i32
      %dma_start3A_232 = tpu.memref_slice %arg6[%shift_right_arithmetic3A_221, %and3A_223, %dma_start3A_231] : memref<12500x8x32xf32, #tpu.memory_space<hbm>> -> memref<1x1x32xf32, #tpu.memory_space<hbm>>
      %dma_start3A_233 = tpu.memref_squeeze %dma_start3A_232 : memref<1x1x32xf32, #tpu.memory_space<hbm>> -> memref<32xf32, #tpu.memory_space<hbm>>
      %dma_start3A_234 = arith.constant 0 : i32
      %dma_start3A_235 = tpu.memref_slice %arg12[%add3A_227, %dma_start3A_234] : memref<512x32xf32, #tpu.memory_space<vmem>> -> memref<1x32xf32, #tpu.memory_space<vmem>>
      %dma_start3A_236 = tpu.memref_squeeze %dma_start3A_235 : memref<1x32xf32, #tpu.memory_space<vmem>> -> memref<32xf32, #tpu.memory_space<vmem>>
      %dma_start3A_237 = arith.constant 0 : i32
      %dma_start3A_238 = tpu.memref_slice %arg6[%shift_right_arithmetic3A_221, %and3A_223, %dma_start3A_237] : memref<12500x8x32xf32, #tpu.memory_space<hbm>> -> memref<1x1x32xf32, #tpu.memory_space<hbm>>
      %dma_start3A_239 = tpu.memref_squeeze %dma_start3A_238 : memref<1x1x32xf32, #tpu.memory_space<hbm>> -> memref<32xf32, #tpu.memory_space<hbm>>
      tpu.enqueue_dma source(%dma_start3A_239 : memref<32xf32, #tpu.memory_space<hbm>>) target(%dma_start3A_236 : memref<32xf32, #tpu.memory_space<vmem>>) target_semaphore(%arg13 : memref<!tpu.dma_semaphore, #tpu.memory_space<semaphore_mem>>)
      %eq3A_240 = arith.constant 7 : i32
      %eq3A_241 = vector.broadcast %eq3A_240 : i32 to vector<16xi32>
      %eq3A_242 = arith.cmpi eq, %iota3A, %eq3A_241 : vector<16xi32>
      %select_n3A_243 = arith.select %eq3A_242, %get3A_49, %broadcast_in_dim3A_3 : vector<16xi1>, vector<16xi32>
      %reduce_sum3A_244 = arith.constant true
      %reduce_sum3A_245 = vector.broadcast %reduce_sum3A_244 : i1 to vector<16xi1>
      %reduce_sum3A_246 = tpu.scan <sum>, %select_n3A_243 masked %reduce_sum3A_245 : vector<16xi32>, vector<16xi1> -> vector<16xi32>
      %reduce_sum3A_247 = vector.extract %reduce_sum3A_246[15] : i32 from vector<16xi32>
      %shift_right_arithmetic3A_248 = arith.constant 3 : i32
      %shift_right_arithmetic3A_249 = arith.shrsi %reduce_sum3A_247, %shift_right_arithmetic3A_248 : i32
      %and3A_250 = arith.constant 7 : i32
      %and3A_251 = arith.andi %reduce_sum3A_247, %and3A_250 : i32
      %mul3A_252 = arith.constant 16 : i32
      %mul3A_253 = arith.muli %scan3A_45, %mul3A_252 : i32
      %add3A_254 = arith.constant 7 : i32
      %add3A_255 = arith.addi %mul3A_253, %add3A_254 : i32
      %dma_start3A_256 = arith.constant 0 : i32
      %dma_start3A_257 = tpu.memref_slice %arg12[%add3A_255, %dma_start3A_256] : memref<512x32xf32, #tpu.memory_space<vmem>> -> memref<1x32xf32, #tpu.memory_space<vmem>>
      %dma_start3A_258 = tpu.memref_squeeze %dma_start3A_257 : memref<1x32xf32, #tpu.memory_space<vmem>> -> memref<32xf32, #tpu.memory_space<vmem>>
      %dma_start3A_259 = arith.constant 0 : i32
      %dma_start3A_260 = tpu.memref_slice %arg6[%shift_right_arithmetic3A_249, %and3A_251, %dma_start3A_259] : memref<12500x8x32xf32, #tpu.memory_space<hbm>> -> memref<1x1x32xf32, #tpu.memory_space<hbm>>
      %dma_start3A_261 = tpu.memref_squeeze %dma_start3A_260 : memref<1x1x32xf32, #tpu.memory_space<hbm>> -> memref<32xf32, #tpu.memory_space<hbm>>
      %dma_start3A_262 = arith.constant 0 : i32
      %dma_start3A_263 = tpu.memref_slice %arg12[%add3A_255, %dma_start3A_262] : memref<512x32xf32, #tpu.memory_space<vmem>> -> memref<1x32xf32, #tpu.memory_space<vmem>>
      %dma_start3A_264 = tpu.memref_squeeze %dma_start3A_263 : memref<1x32xf32, #tpu.memory_space<vmem>> -> memref<32xf32, #tpu.memory_space<vmem>>
      %dma_start3A_265 = arith.constant 0 : i32
      %dma_start3A_266 = tpu.memref_slice %arg6[%shift_right_arithmetic3A_249, %and3A_251, %dma_start3A_265] : memref<12500x8x32xf32, #tpu.memory_space<hbm>> -> memref<1x1x32xf32, #tpu.memory_space<hbm>>
      %dma_start3A_267 = tpu.memref_squeeze %dma_start3A_266 : memref<1x1x32xf32, #tpu.memory_space<hbm>> -> memref<32xf32, #tpu.memory_space<hbm>>
      tpu.enqueue_dma source(%dma_start3A_267 : memref<32xf32, #tpu.memory_space<hbm>>) target(%dma_start3A_264 : memref<32xf32, #tpu.memory_space<vmem>>) target_semaphore(%arg13 : memref<!tpu.dma_semaphore, #tpu.memory_space<semaphore_mem>>)
      %eq3A_268 = arith.constant 8 : i32
      %eq3A_269 = vector.broadcast %eq3A_268 : i32 to vector<16xi32>
      %eq3A_270 = arith.cmpi eq, %iota3A, %eq3A_269 : vector<16xi32>
      %select_n3A_271 = arith.select %eq3A_270, %get3A_49, %broadcast_in_dim3A_3 : vector<16xi1>, vector<16xi32>
      %reduce_sum3A_272 = arith.constant true
      %reduce_sum3A_273 = vector.broadcast %reduce_sum3A_272 : i1 to vector<16xi1>
      %reduce_sum3A_274 = tpu.scan <sum>, %select_n3A_271 masked %reduce_sum3A_273 : vector<16xi32>, vector<16xi1> -> vector<16xi32>
      %reduce_sum3A_275 = vector.extract %reduce_sum3A_274[15] : i32 from vector<16xi32>
      %shift_right_arithmetic3A_276 = arith.constant 3 : i32
      %shift_right_arithmetic3A_277 = arith.shrsi %reduce_sum3A_275, %shift_right_arithmetic3A_276 : i32
      %and3A_278 = arith.constant 7 : i32
      %and3A_279 = arith.andi %reduce_sum3A_275, %and3A_278 : i32
      %mul3A_280 = arith.constant 16 : i32
      %mul3A_281 = arith.muli %scan3A_45, %mul3A_280 : i32
      %add3A_282 = arith.constant 8 : i32
      %add3A_283 = arith.addi %mul3A_281, %add3A_282 : i32
      %dma_start3A_284 = arith.constant 0 : i32
      %dma_start3A_285 = tpu.memref_slice %arg12[%add3A_283, %dma_start3A_284] : memref<512x32xf32, #tpu.memory_space<vmem>> -> memref<1x32xf32, #tpu.memory_space<vmem>>
      %dma_start3A_286 = tpu.memref_squeeze %dma_start3A_285 : memref<1x32xf32, #tpu.memory_space<vmem>> -> memref<32xf32, #tpu.memory_space<vmem>>
      %dma_start3A_287 = arith.constant 0 : i32
      %dma_start3A_288 = tpu.memref_slice %arg6[%shift_right_arithmetic3A_277, %and3A_279, %dma_start3A_287] : memref<12500x8x32xf32, #tpu.memory_space<hbm>> -> memref<1x1x32xf32, #tpu.memory_space<hbm>>
      %dma_start3A_289 = tpu.memref_squeeze %dma_start3A_288 : memref<1x1x32xf32, #tpu.memory_space<hbm>> -> memref<32xf32, #tpu.memory_space<hbm>>
      %dma_start3A_290 = arith.constant 0 : i32
      %dma_start3A_291 = tpu.memref_slice %arg12[%add3A_283, %dma_start3A_290] : memref<512x32xf32, #tpu.memory_space<vmem>> -> memref<1x32xf32, #tpu.memory_space<vmem>>
      %dma_start3A_292 = tpu.memref_squeeze %dma_start3A_291 : memref<1x32xf32, #tpu.memory_space<vmem>> -> memref<32xf32, #tpu.memory_space<vmem>>
      %dma_start3A_293 = arith.constant 0 : i32
      %dma_start3A_294 = tpu.memref_slice %arg6[%shift_right_arithmetic3A_277, %and3A_279, %dma_start3A_293] : memref<12500x8x32xf32, #tpu.memory_space<hbm>> -> memref<1x1x32xf32, #tpu.memory_space<hbm>>
      %dma_start3A_295 = tpu.memref_squeeze %dma_start3A_294 : memref<1x1x32xf32, #tpu.memory_space<hbm>> -> memref<32xf32, #tpu.memory_space<hbm>>
      tpu.enqueue_dma source(%dma_start3A_295 : memref<32xf32, #tpu.memory_space<hbm>>) target(%dma_start3A_292 : memref<32xf32, #tpu.memory_space<vmem>>) target_semaphore(%arg13 : memref<!tpu.dma_semaphore, #tpu.memory_space<semaphore_mem>>)
      %eq3A_296 = arith.constant 9 : i32
      %eq3A_297 = vector.broadcast %eq3A_296 : i32 to vector<16xi32>
      %eq3A_298 = arith.cmpi eq, %iota3A, %eq3A_297 : vector<16xi32>
      %select_n3A_299 = arith.select %eq3A_298, %get3A_49, %broadcast_in_dim3A_3 : vector<16xi1>, vector<16xi32>
      %reduce_sum3A_300 = arith.constant true
      %reduce_sum3A_301 = vector.broadcast %reduce_sum3A_300 : i1 to vector<16xi1>
      %reduce_sum3A_302 = tpu.scan <sum>, %select_n3A_299 masked %reduce_sum3A_301 : vector<16xi32>, vector<16xi1> -> vector<16xi32>
      %reduce_sum3A_303 = vector.extract %reduce_sum3A_302[15] : i32 from vector<16xi32>
      %shift_right_arithmetic3A_304 = arith.constant 3 : i32
      %shift_right_arithmetic3A_305 = arith.shrsi %reduce_sum3A_303, %shift_right_arithmetic3A_304 : i32
      %and3A_306 = arith.constant 7 : i32
      %and3A_307 = arith.andi %reduce_sum3A_303, %and3A_306 : i32
      %mul3A_308 = arith.constant 16 : i32
      %mul3A_309 = arith.muli %scan3A_45, %mul3A_308 : i32
      %add3A_310 = arith.constant 9 : i32
      %add3A_311 = arith.addi %mul3A_309, %add3A_310 : i32
      %dma_start3A_312 = arith.constant 0 : i32
      %dma_start3A_313 = tpu.memref_slice %arg12[%add3A_311, %dma_start3A_312] : memref<512x32xf32, #tpu.memory_space<vmem>> -> memref<1x32xf32, #tpu.memory_space<vmem>>
      %dma_start3A_314 = tpu.memref_squeeze %dma_start3A_313 : memref<1x32xf32, #tpu.memory_space<vmem>> -> memref<32xf32, #tpu.memory_space<vmem>>
      %dma_start3A_315 = arith.constant 0 : i32
      %dma_start3A_316 = tpu.memref_slice %arg6[%shift_right_arithmetic3A_305, %and3A_307, %dma_start3A_315] : memref<12500x8x32xf32, #tpu.memory_space<hbm>> -> memref<1x1x32xf32, #tpu.memory_space<hbm>>
      %dma_start3A_317 = tpu.memref_squeeze %dma_start3A_316 : memref<1x1x32xf32, #tpu.memory_space<hbm>> -> memref<32xf32, #tpu.memory_space<hbm>>
      %dma_start3A_318 = arith.constant 0 : i32
      %dma_start3A_319 = tpu.memref_slice %arg12[%add3A_311, %dma_start3A_318] : memref<512x32xf32, #tpu.memory_space<vmem>> -> memref<1x32xf32, #tpu.memory_space<vmem>>
      %dma_start3A_320 = tpu.memref_squeeze %dma_start3A_319 : memref<1x32xf32, #tpu.memory_space<vmem>> -> memref<32xf32, #tpu.memory_space<vmem>>
      %dma_start3A_321 = arith.constant 0 : i32
      %dma_start3A_322 = tpu.memref_slice %arg6[%shift_right_arithmetic3A_305, %and3A_307, %dma_start3A_321] : memref<12500x8x32xf32, #tpu.memory_space<hbm>> -> memref<1x1x32xf32, #tpu.memory_space<hbm>>
      %dma_start3A_323 = tpu.memref_squeeze %dma_start3A_322 : memref<1x1x32xf32, #tpu.memory_space<hbm>> -> memref<32xf32, #tpu.memory_space<hbm>>
      tpu.enqueue_dma source(%dma_start3A_323 : memref<32xf32, #tpu.memory_space<hbm>>) target(%dma_start3A_320 : memref<32xf32, #tpu.memory_space<vmem>>) target_semaphore(%arg13 : memref<!tpu.dma_semaphore, #tpu.memory_space<semaphore_mem>>)
      %eq3A_324 = arith.constant 10 : i32
      %eq3A_325 = vector.broadcast %eq3A_324 : i32 to vector<16xi32>
      %eq3A_326 = arith.cmpi eq, %iota3A, %eq3A_325 : vector<16xi32>
      %select_n3A_327 = arith.select %eq3A_326, %get3A_49, %broadcast_in_dim3A_3 : vector<16xi1>, vector<16xi32>
      %reduce_sum3A_328 = arith.constant true
      %reduce_sum3A_329 = vector.broadcast %reduce_sum3A_328 : i1 to vector<16xi1>
      %reduce_sum3A_330 = tpu.scan <sum>, %select_n3A_327 masked %reduce_sum3A_329 : vector<16xi32>, vector<16xi1> -> vector<16xi32>
      %reduce_sum3A_331 = vector.extract %reduce_sum3A_330[15] : i32 from vector<16xi32>
      %shift_right_arithmetic3A_332 = arith.constant 3 : i32
      %shift_right_arithmetic3A_333 = arith.shrsi %reduce_sum3A_331, %shift_right_arithmetic3A_332 : i32
      %and3A_334 = arith.constant 7 : i32
      %and3A_335 = arith.andi %reduce_sum3A_331, %and3A_334 : i32
      %mul3A_336 = arith.constant 16 : i32
      %mul3A_337 = arith.muli %scan3A_45, %mul3A_336 : i32
      %add3A_338 = arith.constant 10 : i32
      %add3A_339 = arith.addi %mul3A_337, %add3A_338 : i32
      %dma_start3A_340 = arith.constant 0 : i32
      %dma_start3A_341 = tpu.memref_slice %arg12[%add3A_339, %dma_start3A_340] : memref<512x32xf32, #tpu.memory_space<vmem>> -> memref<1x32xf32, #tpu.memory_space<vmem>>
      %dma_start3A_342 = tpu.memref_squeeze %dma_start3A_341 : memref<1x32xf32, #tpu.memory_space<vmem>> -> memref<32xf32, #tpu.memory_space<vmem>>
      %dma_start3A_343 = arith.constant 0 : i32
      %dma_start3A_344 = tpu.memref_slice %arg6[%shift_right_arithmetic3A_333, %and3A_335, %dma_start3A_343] : memref<12500x8x32xf32, #tpu.memory_space<hbm>> -> memref<1x1x32xf32, #tpu.memory_space<hbm>>
      %dma_start3A_345 = tpu.memref_squeeze %dma_start3A_344 : memref<1x1x32xf32, #tpu.memory_space<hbm>> -> memref<32xf32, #tpu.memory_space<hbm>>
      %dma_start3A_346 = arith.constant 0 : i32
      %dma_start3A_347 = tpu.memref_slice %arg12[%add3A_339, %dma_start3A_346] : memref<512x32xf32, #tpu.memory_space<vmem>> -> memref<1x32xf32, #tpu.memory_space<vmem>>
      %dma_start3A_348 = tpu.memref_squeeze %dma_start3A_347 : memref<1x32xf32, #tpu.memory_space<vmem>> -> memref<32xf32, #tpu.memory_space<vmem>>
      %dma_start3A_349 = arith.constant 0 : i32
      %dma_start3A_350 = tpu.memref_slice %arg6[%shift_right_arithmetic3A_333, %and3A_335, %dma_start3A_349] : memref<12500x8x32xf32, #tpu.memory_space<hbm>> -> memref<1x1x32xf32, #tpu.memory_space<hbm>>
      %dma_start3A_351 = tpu.memref_squeeze %dma_start3A_350 : memref<1x1x32xf32, #tpu.memory_space<hbm>> -> memref<32xf32, #tpu.memory_space<hbm>>
      tpu.enqueue_dma source(%dma_start3A_351 : memref<32xf32, #tpu.memory_space<hbm>>) target(%dma_start3A_348 : memref<32xf32, #tpu.memory_space<vmem>>) target_semaphore(%arg13 : memref<!tpu.dma_semaphore, #tpu.memory_space<semaphore_mem>>)
      %eq3A_352 = arith.constant 11 : i32
      %eq3A_353 = vector.broadcast %eq3A_352 : i32 to vector<16xi32>
      %eq3A_354 = arith.cmpi eq, %iota3A, %eq3A_353 : vector<16xi32>
      %select_n3A_355 = arith.select %eq3A_354, %get3A_49, %broadcast_in_dim3A_3 : vector<16xi1>, vector<16xi32>
      %reduce_sum3A_356 = arith.constant true
      %reduce_sum3A_357 = vector.broadcast %reduce_sum3A_356 : i1 to vector<16xi1>
      %reduce_sum3A_358 = tpu.scan <sum>, %select_n3A_355 masked %reduce_sum3A_357 : vector<16xi32>, vector<16xi1> -> vector<16xi32>
      %reduce_sum3A_359 = vector.extract %reduce_sum3A_358[15] : i32 from vector<16xi32>
      %shift_right_arithmetic3A_360 = arith.constant 3 : i32
      %shift_right_arithmetic3A_361 = arith.shrsi %reduce_sum3A_359, %shift_right_arithmetic3A_360 : i32
      %and3A_362 = arith.constant 7 : i32
      %and3A_363 = arith.andi %reduce_sum3A_359, %and3A_362 : i32
      %mul3A_364 = arith.constant 16 : i32
      %mul3A_365 = arith.muli %scan3A_45, %mul3A_364 : i32
      %add3A_366 = arith.constant 11 : i32
      %add3A_367 = arith.addi %mul3A_365, %add3A_366 : i32
      %dma_start3A_368 = arith.constant 0 : i32
      %dma_start3A_369 = tpu.memref_slice %arg12[%add3A_367, %dma_start3A_368] : memref<512x32xf32, #tpu.memory_space<vmem>> -> memref<1x32xf32, #tpu.memory_space<vmem>>
      %dma_start3A_370 = tpu.memref_squeeze %dma_start3A_369 : memref<1x32xf32, #tpu.memory_space<vmem>> -> memref<32xf32, #tpu.memory_space<vmem>>
      %dma_start3A_371 = arith.constant 0 : i32
      %dma_start3A_372 = tpu.memref_slice %arg6[%shift_right_arithmetic3A_361, %and3A_363, %dma_start3A_371] : memref<12500x8x32xf32, #tpu.memory_space<hbm>> -> memref<1x1x32xf32, #tpu.memory_space<hbm>>
      %dma_start3A_373 = tpu.memref_squeeze %dma_start3A_372 : memref<1x1x32xf32, #tpu.memory_space<hbm>> -> memref<32xf32, #tpu.memory_space<hbm>>
      %dma_start3A_374 = arith.constant 0 : i32
      %dma_start3A_375 = tpu.memref_slice %arg12[%add3A_367, %dma_start3A_374] : memref<512x32xf32, #tpu.memory_space<vmem>> -> memref<1x32xf32, #tpu.memory_space<vmem>>
      %dma_start3A_376 = tpu.memref_squeeze %dma_start3A_375 : memref<1x32xf32, #tpu.memory_space<vmem>> -> memref<32xf32, #tpu.memory_space<vmem>>
      %dma_start3A_377 = arith.constant 0 : i32
      %dma_start3A_378 = tpu.memref_slice %arg6[%shift_right_arithmetic3A_361, %and3A_363, %dma_start3A_377] : memref<12500x8x32xf32, #tpu.memory_space<hbm>> -> memref<1x1x32xf32, #tpu.memory_space<hbm>>
      %dma_start3A_379 = tpu.memref_squeeze %dma_start3A_378 : memref<1x1x32xf32, #tpu.memory_space<hbm>> -> memref<32xf32, #tpu.memory_space<hbm>>
      tpu.enqueue_dma source(%dma_start3A_379 : memref<32xf32, #tpu.memory_space<hbm>>) target(%dma_start3A_376 : memref<32xf32, #tpu.memory_space<vmem>>) target_semaphore(%arg13 : memref<!tpu.dma_semaphore, #tpu.memory_space<semaphore_mem>>)
      %eq3A_380 = arith.constant 12 : i32
      %eq3A_381 = vector.broadcast %eq3A_380 : i32 to vector<16xi32>
      %eq3A_382 = arith.cmpi eq, %iota3A, %eq3A_381 : vector<16xi32>
      %select_n3A_383 = arith.select %eq3A_382, %get3A_49, %broadcast_in_dim3A_3 : vector<16xi1>, vector<16xi32>
      %reduce_sum3A_384 = arith.constant true
      %reduce_sum3A_385 = vector.broadcast %reduce_sum3A_384 : i1 to vector<16xi1>
      %reduce_sum3A_386 = tpu.scan <sum>, %select_n3A_383 masked %reduce_sum3A_385 : vector<16xi32>, vector<16xi1> -> vector<16xi32>
      %reduce_sum3A_387 = vector.extract %reduce_sum3A_386[15] : i32 from vector<16xi32>
      %shift_right_arithmetic3A_388 = arith.constant 3 : i32
      %shift_right_arithmetic3A_389 = arith.shrsi %reduce_sum3A_387, %shift_right_arithmetic3A_388 : i32
      %and3A_390 = arith.constant 7 : i32
      %and3A_391 = arith.andi %reduce_sum3A_387, %and3A_390 : i32
      %mul3A_392 = arith.constant 16 : i32
      %mul3A_393 = arith.muli %scan3A_45, %mul3A_392 : i32
      %add3A_394 = arith.constant 12 : i32
      %add3A_395 = arith.addi %mul3A_393, %add3A_394 : i32
      %dma_start3A_396 = arith.constant 0 : i32
      %dma_start3A_397 = tpu.memref_slice %arg12[%add3A_395, %dma_start3A_396] : memref<512x32xf32, #tpu.memory_space<vmem>> -> memref<1x32xf32, #tpu.memory_space<vmem>>
      %dma_start3A_398 = tpu.memref_squeeze %dma_start3A_397 : memref<1x32xf32, #tpu.memory_space<vmem>> -> memref<32xf32, #tpu.memory_space<vmem>>
      %dma_start3A_399 = arith.constant 0 : i32
      %dma_start3A_400 = tpu.memref_slice %arg6[%shift_right_arithmetic3A_389, %and3A_391, %dma_start3A_399] : memref<12500x8x32xf32, #tpu.memory_space<hbm>> -> memref<1x1x32xf32, #tpu.memory_space<hbm>>
      %dma_start3A_401 = tpu.memref_squeeze %dma_start3A_400 : memref<1x1x32xf32, #tpu.memory_space<hbm>> -> memref<32xf32, #tpu.memory_space<hbm>>
      %dma_start3A_402 = arith.constant 0 : i32
      %dma_start3A_403 = tpu.memref_slice %arg12[%add3A_395, %dma_start3A_402] : memref<512x32xf32, #tpu.memory_space<vmem>> -> memref<1x32xf32, #tpu.memory_space<vmem>>
      %dma_start3A_404 = tpu.memref_squeeze %dma_start3A_403 : memref<1x32xf32, #tpu.memory_space<vmem>> -> memref<32xf32, #tpu.memory_space<vmem>>
      %dma_start3A_405 = arith.constant 0 : i32
      %dma_start3A_406 = tpu.memref_slice %arg6[%shift_right_arithmetic3A_389, %and3A_391, %dma_start3A_405] : memref<12500x8x32xf32, #tpu.memory_space<hbm>> -> memref<1x1x32xf32, #tpu.memory_space<hbm>>
      %dma_start3A_407 = tpu.memref_squeeze %dma_start3A_406 : memref<1x1x32xf32, #tpu.memory_space<hbm>> -> memref<32xf32, #tpu.memory_space<hbm>>
      tpu.enqueue_dma source(%dma_start3A_407 : memref<32xf32, #tpu.memory_space<hbm>>) target(%dma_start3A_404 : memref<32xf32, #tpu.memory_space<vmem>>) target_semaphore(%arg13 : memref<!tpu.dma_semaphore, #tpu.memory_space<semaphore_mem>>)
      %eq3A_408 = arith.constant 13 : i32
      %eq3A_409 = vector.broadcast %eq3A_408 : i32 to vector<16xi32>
      %eq3A_410 = arith.cmpi eq, %iota3A, %eq3A_409 : vector<16xi32>
      %select_n3A_411 = arith.select %eq3A_410, %get3A_49, %broadcast_in_dim3A_3 : vector<16xi1>, vector<16xi32>
      %reduce_sum3A_412 = arith.constant true
      %reduce_sum3A_413 = vector.broadcast %reduce_sum3A_412 : i1 to vector<16xi1>
      %reduce_sum3A_414 = tpu.scan <sum>, %select_n3A_411 masked %reduce_sum3A_413 : vector<16xi32>, vector<16xi1> -> vector<16xi32>
      %reduce_sum3A_415 = vector.extract %reduce_sum3A_414[15] : i32 from vector<16xi32>
      %shift_right_arithmetic3A_416 = arith.constant 3 : i32
      %shift_right_arithmetic3A_417 = arith.shrsi %reduce_sum3A_415, %shift_right_arithmetic3A_416 : i32
      %and3A_418 = arith.constant 7 : i32
      %and3A_419 = arith.andi %reduce_sum3A_415, %and3A_418 : i32
      %mul3A_420 = arith.constant 16 : i32
      %mul3A_421 = arith.muli %scan3A_45, %mul3A_420 : i32
      %add3A_422 = arith.constant 13 : i32
      %add3A_423 = arith.addi %mul3A_421, %add3A_422 : i32
      %dma_start3A_424 = arith.constant 0 : i32
      %dma_start3A_425 = tpu.memref_slice %arg12[%add3A_423, %dma_start3A_424] : memref<512x32xf32, #tpu.memory_space<vmem>> -> memref<1x32xf32, #tpu.memory_space<vmem>>
      %dma_start3A_426 = tpu.memref_squeeze %dma_start3A_425 : memref<1x32xf32, #tpu.memory_space<vmem>> -> memref<32xf32, #tpu.memory_space<vmem>>
      %dma_start3A_427 = arith.constant 0 : i32
      %dma_start3A_428 = tpu.memref_slice %arg6[%shift_right_arithmetic3A_417, %and3A_419, %dma_start3A_427] : memref<12500x8x32xf32, #tpu.memory_space<hbm>> -> memref<1x1x32xf32, #tpu.memory_space<hbm>>
      %dma_start3A_429 = tpu.memref_squeeze %dma_start3A_428 : memref<1x1x32xf32, #tpu.memory_space<hbm>> -> memref<32xf32, #tpu.memory_space<hbm>>
      %dma_start3A_430 = arith.constant 0 : i32
      %dma_start3A_431 = tpu.memref_slice %arg12[%add3A_423, %dma_start3A_430] : memref<512x32xf32, #tpu.memory_space<vmem>> -> memref<1x32xf32, #tpu.memory_space<vmem>>
      %dma_start3A_432 = tpu.memref_squeeze %dma_start3A_431 : memref<1x32xf32, #tpu.memory_space<vmem>> -> memref<32xf32, #tpu.memory_space<vmem>>
      %dma_start3A_433 = arith.constant 0 : i32
      %dma_start3A_434 = tpu.memref_slice %arg6[%shift_right_arithmetic3A_417, %and3A_419, %dma_start3A_433] : memref<12500x8x32xf32, #tpu.memory_space<hbm>> -> memref<1x1x32xf32, #tpu.memory_space<hbm>>
      %dma_start3A_435 = tpu.memref_squeeze %dma_start3A_434 : memref<1x1x32xf32, #tpu.memory_space<hbm>> -> memref<32xf32, #tpu.memory_space<hbm>>
      tpu.enqueue_dma source(%dma_start3A_435 : memref<32xf32, #tpu.memory_space<hbm>>) target(%dma_start3A_432 : memref<32xf32, #tpu.memory_space<vmem>>) target_semaphore(%arg13 : memref<!tpu.dma_semaphore, #tpu.memory_space<semaphore_mem>>)
      %eq3A_436 = arith.constant 14 : i32
      %eq3A_437 = vector.broadcast %eq3A_436 : i32 to vector<16xi32>
      %eq3A_438 = arith.cmpi eq, %iota3A, %eq3A_437 : vector<16xi32>
      %select_n3A_439 = arith.select %eq3A_438, %get3A_49, %broadcast_in_dim3A_3 : vector<16xi1>, vector<16xi32>
      %reduce_sum3A_440 = arith.constant true
      %reduce_sum3A_441 = vector.broadcast %reduce_sum3A_440 : i1 to vector<16xi1>
      %reduce_sum3A_442 = tpu.scan <sum>, %select_n3A_439 masked %reduce_sum3A_441 : vector<16xi32>, vector<16xi1> -> vector<16xi32>
      %reduce_sum3A_443 = vector.extract %reduce_sum3A_442[15] : i32 from vector<16xi32>
      %shift_right_arithmetic3A_444 = arith.constant 3 : i32
      %shift_right_arithmetic3A_445 = arith.shrsi %reduce_sum3A_443, %shift_right_arithmetic3A_444 : i32
      %and3A_446 = arith.constant 7 : i32
      %and3A_447 = arith.andi %reduce_sum3A_443, %and3A_446 : i32
      %mul3A_448 = arith.constant 16 : i32
      %mul3A_449 = arith.muli %scan3A_45, %mul3A_448 : i32
      %add3A_450 = arith.constant 14 : i32
      %add3A_451 = arith.addi %mul3A_449, %add3A_450 : i32
      %dma_start3A_452 = arith.constant 0 : i32
      %dma_start3A_453 = tpu.memref_slice %arg12[%add3A_451, %dma_start3A_452] : memref<512x32xf32, #tpu.memory_space<vmem>> -> memref<1x32xf32, #tpu.memory_space<vmem>>
      %dma_start3A_454 = tpu.memref_squeeze %dma_start3A_453 : memref<1x32xf32, #tpu.memory_space<vmem>> -> memref<32xf32, #tpu.memory_space<vmem>>
      %dma_start3A_455 = arith.constant 0 : i32
      %dma_start3A_456 = tpu.memref_slice %arg6[%shift_right_arithmetic3A_445, %and3A_447, %dma_start3A_455] : memref<12500x8x32xf32, #tpu.memory_space<hbm>> -> memref<1x1x32xf32, #tpu.memory_space<hbm>>
      %dma_start3A_457 = tpu.memref_squeeze %dma_start3A_456 : memref<1x1x32xf32, #tpu.memory_space<hbm>> -> memref<32xf32, #tpu.memory_space<hbm>>
      %dma_start3A_458 = arith.constant 0 : i32
      %dma_start3A_459 = tpu.memref_slice %arg12[%add3A_451, %dma_start3A_458] : memref<512x32xf32, #tpu.memory_space<vmem>> -> memref<1x32xf32, #tpu.memory_space<vmem>>
      %dma_start3A_460 = tpu.memref_squeeze %dma_start3A_459 : memref<1x32xf32, #tpu.memory_space<vmem>> -> memref<32xf32, #tpu.memory_space<vmem>>
      %dma_start3A_461 = arith.constant 0 : i32
      %dma_start3A_462 = tpu.memref_slice %arg6[%shift_right_arithmetic3A_445, %and3A_447, %dma_start3A_461] : memref<12500x8x32xf32, #tpu.memory_space<hbm>> -> memref<1x1x32xf32, #tpu.memory_space<hbm>>
      %dma_start3A_463 = tpu.memref_squeeze %dma_start3A_462 : memref<1x1x32xf32, #tpu.memory_space<hbm>> -> memref<32xf32, #tpu.memory_space<hbm>>
      tpu.enqueue_dma source(%dma_start3A_463 : memref<32xf32, #tpu.memory_space<hbm>>) target(%dma_start3A_460 : memref<32xf32, #tpu.memory_space<vmem>>) target_semaphore(%arg13 : memref<!tpu.dma_semaphore, #tpu.memory_space<semaphore_mem>>)
      %eq3A_464 = arith.constant 15 : i32
      %eq3A_465 = vector.broadcast %eq3A_464 : i32 to vector<16xi32>
      %eq3A_466 = arith.cmpi eq, %iota3A, %eq3A_465 : vector<16xi32>
      %select_n3A_467 = arith.select %eq3A_466, %get3A_49, %broadcast_in_dim3A_3 : vector<16xi1>, vector<16xi32>
      %reduce_sum3A_468 = arith.constant true
      %reduce_sum3A_469 = vector.broadcast %reduce_sum3A_468 : i1 to vector<16xi1>
      %reduce_sum3A_470 = tpu.scan <sum>, %select_n3A_467 masked %reduce_sum3A_469 : vector<16xi32>, vector<16xi1> -> vector<16xi32>
      %reduce_sum3A_471 = vector.extract %reduce_sum3A_470[15] : i32 from vector<16xi32>
      %shift_right_arithmetic3A_472 = arith.constant 3 : i32
      %shift_right_arithmetic3A_473 = arith.shrsi %reduce_sum3A_471, %shift_right_arithmetic3A_472 : i32
      %and3A_474 = arith.constant 7 : i32
      %and3A_475 = arith.andi %reduce_sum3A_471, %and3A_474 : i32
      %mul3A_476 = arith.constant 16 : i32
      %mul3A_477 = arith.muli %scan3A_45, %mul3A_476 : i32
      %add3A_478 = arith.constant 15 : i32
      %add3A_479 = arith.addi %mul3A_477, %add3A_478 : i32
      %dma_start3A_480 = arith.constant 0 : i32
      %dma_start3A_481 = tpu.memref_slice %arg12[%add3A_479, %dma_start3A_480] : memref<512x32xf32, #tpu.memory_space<vmem>> -> memref<1x32xf32, #tpu.memory_space<vmem>>
      %dma_start3A_482 = tpu.memref_squeeze %dma_start3A_481 : memref<1x32xf32, #tpu.memory_space<vmem>> -> memref<32xf32, #tpu.memory_space<vmem>>
      %dma_start3A_483 = arith.constant 0 : i32
      %dma_start3A_484 = tpu.memref_slice %arg6[%shift_right_arithmetic3A_473, %and3A_475, %dma_start3A_483] : memref<12500x8x32xf32, #tpu.memory_space<hbm>> -> memref<1x1x32xf32, #tpu.memory_space<hbm>>
      %dma_start3A_485 = tpu.memref_squeeze %dma_start3A_484 : memref<1x1x32xf32, #tpu.memory_space<hbm>> -> memref<32xf32, #tpu.memory_space<hbm>>
      %dma_start3A_486 = arith.constant 0 : i32
      %dma_start3A_487 = tpu.memref_slice %arg12[%add3A_479, %dma_start3A_486] : memref<512x32xf32, #tpu.memory_space<vmem>> -> memref<1x32xf32, #tpu.memory_space<vmem>>
      %dma_start3A_488 = tpu.memref_squeeze %dma_start3A_487 : memref<1x32xf32, #tpu.memory_space<vmem>> -> memref<32xf32, #tpu.memory_space<vmem>>
      %dma_start3A_489 = arith.constant 0 : i32
      %dma_start3A_490 = tpu.memref_slice %arg6[%shift_right_arithmetic3A_473, %and3A_475, %dma_start3A_489] : memref<12500x8x32xf32, #tpu.memory_space<hbm>> -> memref<1x1x32xf32, #tpu.memory_space<hbm>>
      %dma_start3A_491 = tpu.memref_squeeze %dma_start3A_490 : memref<1x1x32xf32, #tpu.memory_space<hbm>> -> memref<32xf32, #tpu.memory_space<hbm>>
      tpu.enqueue_dma source(%dma_start3A_491 : memref<32xf32, #tpu.memory_space<hbm>>) target(%dma_start3A_488 : memref<32xf32, #tpu.memory_space<vmem>>) target_semaphore(%arg13 : memref<!tpu.dma_semaphore, #tpu.memory_space<semaphore_mem>>)
      %scan3A_492 = arith.constant 0 : i32
      scf.yield %scan3A_492 : i32
    }
    %scan3A_23 = arith.constant 32 : i32
    %scan3A_24 = arith.constant 0 : i32
    %scan3A_25 = arith.constant 0 : i32
    %scan3A_26 = arith.constant 32 : i32
    %scan3A_27 = arith.addi %scan3A_25, %scan3A_26 : i32
    %scan3A_28 = arith.constant 1 : i32
    %scan3A_29 = scf.for %scan3A_45 = %scan3A_25 to %scan3A_27 step %scan3A_28 iter_args(%scan3A_46 = %scan3A_24) -> (i32)  : i32 {
      %mul3A_47 = arith.constant 16 : i32
      %mul3A_48 = arith.muli %scan3A_45, %mul3A_47 : i32
      %dma_wait3A = arith.constant 0 : i32
      %dma_wait3A_49 = tpu.memref_slice %arg12[%mul3A_48, %dma_wait3A] : memref<512x32xf32, #tpu.memory_space<vmem>> -> memref<16x32xf32, #tpu.memory_space<vmem>>
      %dma_wait3A_50 = arith.constant 0 : i32
      %dma_wait3A_51 = tpu.memref_slice %arg9[%mul3A_2, %dma_wait3A_50] : memref<16384x32xf32, #tpu.memory_space<hbm>> -> memref<16x32xf32, #tpu.memory_space<hbm>>
      %dma_wait3A_52 = arith.constant 0 : i32
      %dma_wait3A_53 = tpu.memref_slice %arg12[%mul3A_48, %dma_wait3A_52] : memref<512x32xf32, #tpu.memory_space<vmem>> -> memref<16x32xf32, #tpu.memory_space<vmem>>
      %dma_wait3A_54 = arith.constant 0 : i32
      %dma_wait3A_55 = tpu.memref_slice %arg9[%mul3A_2, %dma_wait3A_54] : memref<16384x32xf32, #tpu.memory_space<hbm>> -> memref<16x32xf32, #tpu.memory_space<hbm>>
      tpu.wait_dma2 semaphore(%arg13 : memref<!tpu.dma_semaphore, #tpu.memory_space<semaphore_mem>>) src(%dma_wait3A_55 : memref<16x32xf32, #tpu.memory_space<hbm>>) dst(%dma_wait3A_53 : memref<16x32xf32, #tpu.memory_space<vmem>>)
      %scan3A_56 = arith.constant 0 : i32
      scf.yield %scan3A_56 : i32
    }
    %scan3A_30 = arith.constant 32 : i32
    "tpu.region"() ({
      %run_scoped3A = tpu.sem_alloc : memref<!tpu.dma_semaphore, #tpu.memory_space<semaphore_mem>>
      %dma_start3A = arith.constant 0 : i32
      %dma_start3A_45 = tpu.memref_slice %arg9[%mul3A_2, %dma_start3A] : memref<16384x32xf32, #tpu.memory_space<hbm>> -> memref<512x32xf32, #tpu.memory_space<hbm>>
      %dma_start3A_46 = arith.constant 0 : i32
      %dma_start3A_47 = tpu.memref_slice %arg9[%mul3A_2, %dma_start3A_46] : memref<16384x32xf32, #tpu.memory_space<hbm>> -> memref<512x32xf32, #tpu.memory_space<hbm>>
      tpu.enqueue_dma source(%arg12 : memref<512x32xf32, #tpu.memory_space<vmem>>) target(%dma_start3A_47 : memref<512x32xf32, #tpu.memory_space<hbm>>) target_semaphore(%run_scoped3A : memref<!tpu.dma_semaphore, #tpu.memory_space<semaphore_mem>>)
      %dma_wait3A = arith.constant 0 : i32
      %dma_wait3A_48 = tpu.memref_slice %arg9[%mul3A_2, %dma_wait3A] : memref<16384x32xf32, #tpu.memory_space<hbm>> -> memref<512x32xf32, #tpu.memory_space<hbm>>
      %dma_wait3A_49 = arith.constant 0 : i32
      %dma_wait3A_50 = tpu.memref_slice %arg9[%mul3A_2, %dma_wait3A_49] : memref<16384x32xf32, #tpu.memory_space<hbm>> -> memref<512x32xf32, #tpu.memory_space<hbm>>
      tpu.wait_dma2 semaphore(%run_scoped3A : memref<!tpu.dma_semaphore, #tpu.memory_space<semaphore_mem>>) src(%arg12 : memref<512x32xf32, #tpu.memory_space<vmem>>) dst(%dma_wait3A_50 : memref<512x32xf32, #tpu.memory_space<hbm>>)
      tpu.yield
    }) : () -> ()
    "tpu.region"() ({
      %run_scoped3A = tpu.sem_alloc : memref<!tpu.dma_semaphore, #tpu.memory_space<semaphore_mem>>
      %dma_start3A = tpu.memref_slice %arg4[%mul3A_2] : memref<16384xi32, #tpu.memory_space<hbm>> -> memref<512xi32, #tpu.memory_space<hbm>>
      %dma_start3A_45 = tpu.memref_slice %arg4[%mul3A_2] : memref<16384xi32, #tpu.memory_space<hbm>> -> memref<512xi32, #tpu.memory_space<hbm>>
      tpu.enqueue_dma source(%dma_start3A_45 : memref<512xi32, #tpu.memory_space<hbm>>) target(%arg11 : memref<512xi32, #tpu.memory_space<vmem>>) target_semaphore(%run_scoped3A : memref<!tpu.dma_semaphore, #tpu.memory_space<semaphore_mem>>)
      %dma_wait3A = tpu.memref_slice %arg4[%mul3A_2] : memref<16384xi32, #tpu.memory_space<hbm>> -> memref<512xi32, #tpu.memory_space<hbm>>
      %dma_wait3A_46 = tpu.memref_slice %arg4[%mul3A_2] : memref<16384xi32, #tpu.memory_space<hbm>> -> memref<512xi32, #tpu.memory_space<hbm>>
      tpu.wait_dma2 semaphore(%run_scoped3A : memref<!tpu.dma_semaphore, #tpu.memory_space<semaphore_mem>>) src(%dma_wait3A_46 : memref<512xi32, #tpu.memory_space<hbm>>) dst(%arg11 : memref<512xi32, #tpu.memory_space<vmem>>)
      tpu.yield
    }) : () -> ()
    %scan3A_31 = arith.constant 0 : i32
    %scan3A_32 = arith.constant 0 : i32
    %scan3A_33 = arith.constant 32 : i32
    %scan3A_34 = arith.addi %scan3A_32, %scan3A_33 : i32
    %scan3A_35 = arith.constant 1 : i32
    %scan3A_36 = scf.for %scan3A_45 = %scan3A_32 to %scan3A_34 step %scan3A_35 iter_args(%scan3A_46 = %scan3A_31) -> (i32)  : i32 {
      %mul3A_47 = arith.constant 16 : i32
      %mul3A_48 = arith.muli %scan3A_45, %mul3A_47 : i32
      %get3A = arith.index_cast %mul3A_48 : i32 to index
      %get3A_49 = tpu.vector_load %arg11[%get3A] {strides = array<i32>} : memref<512xi32, #tpu.memory_space<vmem>>, vector<16xi32>,
      %eq3A = arith.constant 0 : i32
      %eq3A_50 = vector.broadcast %eq3A : i32 to vector<16xi32>
      %eq3A_51 = arith.cmpi eq, %iota3A, %eq3A_50 : vector<16xi32>
      %select_n3A = arith.select %eq3A_51, %get3A_49, %broadcast_in_dim3A_3 : vector<16xi1>, vector<16xi32>
      %reduce_sum3A = arith.constant true
      %reduce_sum3A_52 = vector.broadcast %reduce_sum3A : i1 to vector<16xi1>
      %reduce_sum3A_53 = tpu.scan <sum>, %select_n3A masked %reduce_sum3A_52 : vector<16xi32>, vector<16xi1> -> vector<16xi32>
      %reduce_sum3A_54 = vector.extract %reduce_sum3A_53[15] : i32 from vector<16xi32>
      %shift_right_arithmetic3A = arith.constant 3 : i32
      %shift_right_arithmetic3A_55 = arith.shrsi %reduce_sum3A_54, %shift_right_arithmetic3A : i32
      %and3A = arith.constant 7 : i32
      %and3A_56 = arith.andi %reduce_sum3A_54, %and3A : i32
      %mul3A_57 = arith.constant 16 : i32
      %mul3A_58 = arith.muli %scan3A_45, %mul3A_57 : i32
      %add3A_59 = arith.constant 0 : i32
      %add3A_60 = arith.addi %mul3A_58, %add3A_59 : i32
      %dma_start3A = arith.constant 0 : i32
      %dma_start3A_61 = tpu.memref_slice %arg12[%add3A_60, %dma_start3A] : memref<512x32xf32, #tpu.memory_space<vmem>> -> memref<1x32xf32, #tpu.memory_space<vmem>>
      %dma_start3A_62 = tpu.memref_squeeze %dma_start3A_61 : memref<1x32xf32, #tpu.memory_space<vmem>> -> memref<32xf32, #tpu.memory_space<vmem>>
      %dma_start3A_63 = arith.constant 0 : i32
      %dma_start3A_64 = tpu.memref_slice %arg7[%shift_right_arithmetic3A_55, %and3A_56, %dma_start3A_63] : memref<125x8x32xf32, #tpu.memory_space<hbm>> -> memref<1x1x32xf32, #tpu.memory_space<hbm>>
      %dma_start3A_65 = tpu.memref_squeeze %dma_start3A_64 : memref<1x1x32xf32, #tpu.memory_space<hbm>> -> memref<32xf32, #tpu.memory_space<hbm>>
      %dma_start3A_66 = arith.constant 0 : i32
      %dma_start3A_67 = tpu.memref_slice %arg12[%add3A_60, %dma_start3A_66] : memref<512x32xf32, #tpu.memory_space<vmem>> -> memref<1x32xf32, #tpu.memory_space<vmem>>
      %dma_start3A_68 = tpu.memref_squeeze %dma_start3A_67 : memref<1x32xf32, #tpu.memory_space<vmem>> -> memref<32xf32, #tpu.memory_space<vmem>>
      %dma_start3A_69 = arith.constant 0 : i32
      %dma_start3A_70 = tpu.memref_slice %arg7[%shift_right_arithmetic3A_55, %and3A_56, %dma_start3A_69] : memref<125x8x32xf32, #tpu.memory_space<hbm>> -> memref<1x1x32xf32, #tpu.memory_space<hbm>>
      %dma_start3A_71 = tpu.memref_squeeze %dma_start3A_70 : memref<1x1x32xf32, #tpu.memory_space<hbm>> -> memref<32xf32, #tpu.memory_space<hbm>>
      tpu.enqueue_dma source(%dma_start3A_71 : memref<32xf32, #tpu.memory_space<hbm>>) target(%dma_start3A_68 : memref<32xf32, #tpu.memory_space<vmem>>) target_semaphore(%arg13 : memref<!tpu.dma_semaphore, #tpu.memory_space<semaphore_mem>>)
      %eq3A_72 = arith.constant 1 : i32
      %eq3A_73 = vector.broadcast %eq3A_72 : i32 to vector<16xi32>
      %eq3A_74 = arith.cmpi eq, %iota3A, %eq3A_73 : vector<16xi32>
      %select_n3A_75 = arith.select %eq3A_74, %get3A_49, %broadcast_in_dim3A_3 : vector<16xi1>, vector<16xi32>
      %reduce_sum3A_76 = arith.constant true
      %reduce_sum3A_77 = vector.broadcast %reduce_sum3A_76 : i1 to vector<16xi1>
      %reduce_sum3A_78 = tpu.scan <sum>, %select_n3A_75 masked %reduce_sum3A_77 : vector<16xi32>, vector<16xi1> -> vector<16xi32>
      %reduce_sum3A_79 = vector.extract %reduce_sum3A_78[15] : i32 from vector<16xi32>
      %shift_right_arithmetic3A_80 = arith.constant 3 : i32
      %shift_right_arithmetic3A_81 = arith.shrsi %reduce_sum3A_79, %shift_right_arithmetic3A_80 : i32
      %and3A_82 = arith.constant 7 : i32
      %and3A_83 = arith.andi %reduce_sum3A_79, %and3A_82 : i32
      %mul3A_84 = arith.constant 16 : i32
      %mul3A_85 = arith.muli %scan3A_45, %mul3A_84 : i32
      %add3A_86 = arith.constant 1 : i32
      %add3A_87 = arith.addi %mul3A_85, %add3A_86 : i32
      %dma_start3A_88 = arith.constant 0 : i32
      %dma_start3A_89 = tpu.memref_slice %arg12[%add3A_87, %dma_start3A_88] : memref<512x32xf32, #tpu.memory_space<vmem>> -> memref<1x32xf32, #tpu.memory_space<vmem>>
      %dma_start3A_90 = tpu.memref_squeeze %dma_start3A_89 : memref<1x32xf32, #tpu.memory_space<vmem>> -> memref<32xf32, #tpu.memory_space<vmem>>
      %dma_start3A_91 = arith.constant 0 : i32
      %dma_start3A_92 = tpu.memref_slice %arg7[%shift_right_arithmetic3A_81, %and3A_83, %dma_start3A_91] : memref<125x8x32xf32, #tpu.memory_space<hbm>> -> memref<1x1x32xf32, #tpu.memory_space<hbm>>
      %dma_start3A_93 = tpu.memref_squeeze %dma_start3A_92 : memref<1x1x32xf32, #tpu.memory_space<hbm>> -> memref<32xf32, #tpu.memory_space<hbm>>
      %dma_start3A_94 = arith.constant 0 : i32
      %dma_start3A_95 = tpu.memref_slice %arg12[%add3A_87, %dma_start3A_94] : memref<512x32xf32, #tpu.memory_space<vmem>> -> memref<1x32xf32, #tpu.memory_space<vmem>>
      %dma_start3A_96 = tpu.memref_squeeze %dma_start3A_95 : memref<1x32xf32, #tpu.memory_space<vmem>> -> memref<32xf32, #tpu.memory_space<vmem>>
      %dma_start3A_97 = arith.constant 0 : i32
      %dma_start3A_98 = tpu.memref_slice %arg7[%shift_right_arithmetic3A_81, %and3A_83, %dma_start3A_97] : memref<125x8x32xf32, #tpu.memory_space<hbm>> -> memref<1x1x32xf32, #tpu.memory_space<hbm>>
      %dma_start3A_99 = tpu.memref_squeeze %dma_start3A_98 : memref<1x1x32xf32, #tpu.memory_space<hbm>> -> memref<32xf32, #tpu.memory_space<hbm>>
      tpu.enqueue_dma source(%dma_start3A_99 : memref<32xf32, #tpu.memory_space<hbm>>) target(%dma_start3A_96 : memref<32xf32, #tpu.memory_space<vmem>>) target_semaphore(%arg13 : memref<!tpu.dma_semaphore, #tpu.memory_space<semaphore_mem>>)
      %eq3A_100 = arith.constant 2 : i32
      %eq3A_101 = vector.broadcast %eq3A_100 : i32 to vector<16xi32>
      %eq3A_102 = arith.cmpi eq, %iota3A, %eq3A_101 : vector<16xi32>
      %select_n3A_103 = arith.select %eq3A_102, %get3A_49, %broadcast_in_dim3A_3 : vector<16xi1>, vector<16xi32>
      %reduce_sum3A_104 = arith.constant true
      %reduce_sum3A_105 = vector.broadcast %reduce_sum3A_104 : i1 to vector<16xi1>
      %reduce_sum3A_106 = tpu.scan <sum>, %select_n3A_103 masked %reduce_sum3A_105 : vector<16xi32>, vector<16xi1> -> vector<16xi32>
      %reduce_sum3A_107 = vector.extract %reduce_sum3A_106[15] : i32 from vector<16xi32>
      %shift_right_arithmetic3A_108 = arith.constant 3 : i32
      %shift_right_arithmetic3A_109 = arith.shrsi %reduce_sum3A_107, %shift_right_arithmetic3A_108 : i32
      %and3A_110 = arith.constant 7 : i32
      %and3A_111 = arith.andi %reduce_sum3A_107, %and3A_110 : i32
      %mul3A_112 = arith.constant 16 : i32
      %mul3A_113 = arith.muli %scan3A_45, %mul3A_112 : i32
      %add3A_114 = arith.constant 2 : i32
      %add3A_115 = arith.addi %mul3A_113, %add3A_114 : i32
      %dma_start3A_116 = arith.constant 0 : i32
      %dma_start3A_117 = tpu.memref_slice %arg12[%add3A_115, %dma_start3A_116] : memref<512x32xf32, #tpu.memory_space<vmem>> -> memref<1x32xf32, #tpu.memory_space<vmem>>
      %dma_start3A_118 = tpu.memref_squeeze %dma_start3A_117 : memref<1x32xf32, #tpu.memory_space<vmem>> -> memref<32xf32, #tpu.memory_space<vmem>>
      %dma_start3A_119 = arith.constant 0 : i32
      %dma_start3A_120 = tpu.memref_slice %arg7[%shift_right_arithmetic3A_109, %and3A_111, %dma_start3A_119] : memref<125x8x32xf32, #tpu.memory_space<hbm>> -> memref<1x1x32xf32, #tpu.memory_space<hbm>>
      %dma_start3A_121 = tpu.memref_squeeze %dma_start3A_120 : memref<1x1x32xf32, #tpu.memory_space<hbm>> -> memref<32xf32, #tpu.memory_space<hbm>>
      %dma_start3A_122 = arith.constant 0 : i32
      %dma_start3A_123 = tpu.memref_slice %arg12[%add3A_115, %dma_start3A_122] : memref<512x32xf32, #tpu.memory_space<vmem>> -> memref<1x32xf32, #tpu.memory_space<vmem>>
      %dma_start3A_124 = tpu.memref_squeeze %dma_start3A_123 : memref<1x32xf32, #tpu.memory_space<vmem>> -> memref<32xf32, #tpu.memory_space<vmem>>
      %dma_start3A_125 = arith.constant 0 : i32
      %dma_start3A_126 = tpu.memref_slice %arg7[%shift_right_arithmetic3A_109, %and3A_111, %dma_start3A_125] : memref<125x8x32xf32, #tpu.memory_space<hbm>> -> memref<1x1x32xf32, #tpu.memory_space<hbm>>
      %dma_start3A_127 = tpu.memref_squeeze %dma_start3A_126 : memref<1x1x32xf32, #tpu.memory_space<hbm>> -> memref<32xf32, #tpu.memory_space<hbm>>
      tpu.enqueue_dma source(%dma_start3A_127 : memref<32xf32, #tpu.memory_space<hbm>>) target(%dma_start3A_124 : memref<32xf32, #tpu.memory_space<vmem>>) target_semaphore(%arg13 : memref<!tpu.dma_semaphore, #tpu.memory_space<semaphore_mem>>)
      %eq3A_128 = arith.constant 3 : i32
      %eq3A_129 = vector.broadcast %eq3A_128 : i32 to vector<16xi32>
      %eq3A_130 = arith.cmpi eq, %iota3A, %eq3A_129 : vector<16xi32>
      %select_n3A_131 = arith.select %eq3A_130, %get3A_49, %broadcast_in_dim3A_3 : vector<16xi1>, vector<16xi32>
      %reduce_sum3A_132 = arith.constant true
      %reduce_sum3A_133 = vector.broadcast %reduce_sum3A_132 : i1 to vector<16xi1>
      %reduce_sum3A_134 = tpu.scan <sum>, %select_n3A_131 masked %reduce_sum3A_133 : vector<16xi32>, vector<16xi1> -> vector<16xi32>
      %reduce_sum3A_135 = vector.extract %reduce_sum3A_134[15] : i32 from vector<16xi32>
      %shift_right_arithmetic3A_136 = arith.constant 3 : i32
      %shift_right_arithmetic3A_137 = arith.shrsi %reduce_sum3A_135, %shift_right_arithmetic3A_136 : i32
      %and3A_138 = arith.constant 7 : i32
      %and3A_139 = arith.andi %reduce_sum3A_135, %and3A_138 : i32
      %mul3A_140 = arith.constant 16 : i32
      %mul3A_141 = arith.muli %scan3A_45, %mul3A_140 : i32
      %add3A_142 = arith.constant 3 : i32
      %add3A_143 = arith.addi %mul3A_141, %add3A_142 : i32
      %dma_start3A_144 = arith.constant 0 : i32
      %dma_start3A_145 = tpu.memref_slice %arg12[%add3A_143, %dma_start3A_144] : memref<512x32xf32, #tpu.memory_space<vmem>> -> memref<1x32xf32, #tpu.memory_space<vmem>>
      %dma_start3A_146 = tpu.memref_squeeze %dma_start3A_145 : memref<1x32xf32, #tpu.memory_space<vmem>> -> memref<32xf32, #tpu.memory_space<vmem>>
      %dma_start3A_147 = arith.constant 0 : i32
      %dma_start3A_148 = tpu.memref_slice %arg7[%shift_right_arithmetic3A_137, %and3A_139, %dma_start3A_147] : memref<125x8x32xf32, #tpu.memory_space<hbm>> -> memref<1x1x32xf32, #tpu.memory_space<hbm>>
      %dma_start3A_149 = tpu.memref_squeeze %dma_start3A_148 : memref<1x1x32xf32, #tpu.memory_space<hbm>> -> memref<32xf32, #tpu.memory_space<hbm>>
      %dma_start3A_150 = arith.constant 0 : i32
      %dma_start3A_151 = tpu.memref_slice %arg12[%add3A_143, %dma_start3A_150] : memref<512x32xf32, #tpu.memory_space<vmem>> -> memref<1x32xf32, #tpu.memory_space<vmem>>
      %dma_start3A_152 = tpu.memref_squeeze %dma_start3A_151 : memref<1x32xf32, #tpu.memory_space<vmem>> -> memref<32xf32, #tpu.memory_space<vmem>>
      %dma_start3A_153 = arith.constant 0 : i32
      %dma_start3A_154 = tpu.memref_slice %arg7[%shift_right_arithmetic3A_137, %and3A_139, %dma_start3A_153] : memref<125x8x32xf32, #tpu.memory_space<hbm>> -> memref<1x1x32xf32, #tpu.memory_space<hbm>>
      %dma_start3A_155 = tpu.memref_squeeze %dma_start3A_154 : memref<1x1x32xf32, #tpu.memory_space<hbm>> -> memref<32xf32, #tpu.memory_space<hbm>>
      tpu.enqueue_dma source(%dma_start3A_155 : memref<32xf32, #tpu.memory_space<hbm>>) target(%dma_start3A_152 : memref<32xf32, #tpu.memory_space<vmem>>) target_semaphore(%arg13 : memref<!tpu.dma_semaphore, #tpu.memory_space<semaphore_mem>>)
      %eq3A_156 = arith.constant 4 : i32
      %eq3A_157 = vector.broadcast %eq3A_156 : i32 to vector<16xi32>
      %eq3A_158 = arith.cmpi eq, %iota3A, %eq3A_157 : vector<16xi32>
      %select_n3A_159 = arith.select %eq3A_158, %get3A_49, %broadcast_in_dim3A_3 : vector<16xi1>, vector<16xi32>
      %reduce_sum3A_160 = arith.constant true
      %reduce_sum3A_161 = vector.broadcast %reduce_sum3A_160 : i1 to vector<16xi1>
      %reduce_sum3A_162 = tpu.scan <sum>, %select_n3A_159 masked %reduce_sum3A_161 : vector<16xi32>, vector<16xi1> -> vector<16xi32>
      %reduce_sum3A_163 = vector.extract %reduce_sum3A_162[15] : i32 from vector<16xi32>
      %shift_right_arithmetic3A_164 = arith.constant 3 : i32
      %shift_right_arithmetic3A_165 = arith.shrsi %reduce_sum3A_163, %shift_right_arithmetic3A_164 : i32
      %and3A_166 = arith.constant 7 : i32
      %and3A_167 = arith.andi %reduce_sum3A_163, %and3A_166 : i32
      %mul3A_168 = arith.constant 16 : i32
      %mul3A_169 = arith.muli %scan3A_45, %mul3A_168 : i32
      %add3A_170 = arith.constant 4 : i32
      %add3A_171 = arith.addi %mul3A_169, %add3A_170 : i32
      %dma_start3A_172 = arith.constant 0 : i32
      %dma_start3A_173 = tpu.memref_slice %arg12[%add3A_171, %dma_start3A_172] : memref<512x32xf32, #tpu.memory_space<vmem>> -> memref<1x32xf32, #tpu.memory_space<vmem>>
      %dma_start3A_174 = tpu.memref_squeeze %dma_start3A_173 : memref<1x32xf32, #tpu.memory_space<vmem>> -> memref<32xf32, #tpu.memory_space<vmem>>
      %dma_start3A_175 = arith.constant 0 : i32
      %dma_start3A_176 = tpu.memref_slice %arg7[%shift_right_arithmetic3A_165, %and3A_167, %dma_start3A_175] : memref<125x8x32xf32, #tpu.memory_space<hbm>> -> memref<1x1x32xf32, #tpu.memory_space<hbm>>
      %dma_start3A_177 = tpu.memref_squeeze %dma_start3A_176 : memref<1x1x32xf32, #tpu.memory_space<hbm>> -> memref<32xf32, #tpu.memory_space<hbm>>
      %dma_start3A_178 = arith.constant 0 : i32
      %dma_start3A_179 = tpu.memref_slice %arg12[%add3A_171, %dma_start3A_178] : memref<512x32xf32, #tpu.memory_space<vmem>> -> memref<1x32xf32, #tpu.memory_space<vmem>>
      %dma_start3A_180 = tpu.memref_squeeze %dma_start3A_179 : memref<1x32xf32, #tpu.memory_space<vmem>> -> memref<32xf32, #tpu.memory_space<vmem>>
      %dma_start3A_181 = arith.constant 0 : i32
      %dma_start3A_182 = tpu.memref_slice %arg7[%shift_right_arithmetic3A_165, %and3A_167, %dma_start3A_181] : memref<125x8x32xf32, #tpu.memory_space<hbm>> -> memref<1x1x32xf32, #tpu.memory_space<hbm>>
      %dma_start3A_183 = tpu.memref_squeeze %dma_start3A_182 : memref<1x1x32xf32, #tpu.memory_space<hbm>> -> memref<32xf32, #tpu.memory_space<hbm>>
      tpu.enqueue_dma source(%dma_start3A_183 : memref<32xf32, #tpu.memory_space<hbm>>) target(%dma_start3A_180 : memref<32xf32, #tpu.memory_space<vmem>>) target_semaphore(%arg13 : memref<!tpu.dma_semaphore, #tpu.memory_space<semaphore_mem>>)
      %eq3A_184 = arith.constant 5 : i32
      %eq3A_185 = vector.broadcast %eq3A_184 : i32 to vector<16xi32>
      %eq3A_186 = arith.cmpi eq, %iota3A, %eq3A_185 : vector<16xi32>
      %select_n3A_187 = arith.select %eq3A_186, %get3A_49, %broadcast_in_dim3A_3 : vector<16xi1>, vector<16xi32>
      %reduce_sum3A_188 = arith.constant true
      %reduce_sum3A_189 = vector.broadcast %reduce_sum3A_188 : i1 to vector<16xi1>
      %reduce_sum3A_190 = tpu.scan <sum>, %select_n3A_187 masked %reduce_sum3A_189 : vector<16xi32>, vector<16xi1> -> vector<16xi32>
      %reduce_sum3A_191 = vector.extract %reduce_sum3A_190[15] : i32 from vector<16xi32>
      %shift_right_arithmetic3A_192 = arith.constant 3 : i32
      %shift_right_arithmetic3A_193 = arith.shrsi %reduce_sum3A_191, %shift_right_arithmetic3A_192 : i32
      %and3A_194 = arith.constant 7 : i32
      %and3A_195 = arith.andi %reduce_sum3A_191, %and3A_194 : i32
      %mul3A_196 = arith.constant 16 : i32
      %mul3A_197 = arith.muli %scan3A_45, %mul3A_196 : i32
      %add3A_198 = arith.constant 5 : i32
      %add3A_199 = arith.addi %mul3A_197, %add3A_198 : i32
      %dma_start3A_200 = arith.constant 0 : i32
      %dma_start3A_201 = tpu.memref_slice %arg12[%add3A_199, %dma_start3A_200] : memref<512x32xf32, #tpu.memory_space<vmem>> -> memref<1x32xf32, #tpu.memory_space<vmem>>
      %dma_start3A_202 = tpu.memref_squeeze %dma_start3A_201 : memref<1x32xf32, #tpu.memory_space<vmem>> -> memref<32xf32, #tpu.memory_space<vmem>>
      %dma_start3A_203 = arith.constant 0 : i32
      %dma_start3A_204 = tpu.memref_slice %arg7[%shift_right_arithmetic3A_193, %and3A_195, %dma_start3A_203] : memref<125x8x32xf32, #tpu.memory_space<hbm>> -> memref<1x1x32xf32, #tpu.memory_space<hbm>>
      %dma_start3A_205 = tpu.memref_squeeze %dma_start3A_204 : memref<1x1x32xf32, #tpu.memory_space<hbm>> -> memref<32xf32, #tpu.memory_space<hbm>>
      %dma_start3A_206 = arith.constant 0 : i32
      %dma_start3A_207 = tpu.memref_slice %arg12[%add3A_199, %dma_start3A_206] : memref<512x32xf32, #tpu.memory_space<vmem>> -> memref<1x32xf32, #tpu.memory_space<vmem>>
      %dma_start3A_208 = tpu.memref_squeeze %dma_start3A_207 : memref<1x32xf32, #tpu.memory_space<vmem>> -> memref<32xf32, #tpu.memory_space<vmem>>
      %dma_start3A_209 = arith.constant 0 : i32
      %dma_start3A_210 = tpu.memref_slice %arg7[%shift_right_arithmetic3A_193, %and3A_195, %dma_start3A_209] : memref<125x8x32xf32, #tpu.memory_space<hbm>> -> memref<1x1x32xf32, #tpu.memory_space<hbm>>
      %dma_start3A_211 = tpu.memref_squeeze %dma_start3A_210 : memref<1x1x32xf32, #tpu.memory_space<hbm>> -> memref<32xf32, #tpu.memory_space<hbm>>
      tpu.enqueue_dma source(%dma_start3A_211 : memref<32xf32, #tpu.memory_space<hbm>>) target(%dma_start3A_208 : memref<32xf32, #tpu.memory_space<vmem>>) target_semaphore(%arg13 : memref<!tpu.dma_semaphore, #tpu.memory_space<semaphore_mem>>)
      %eq3A_212 = arith.constant 6 : i32
      %eq3A_213 = vector.broadcast %eq3A_212 : i32 to vector<16xi32>
      %eq3A_214 = arith.cmpi eq, %iota3A, %eq3A_213 : vector<16xi32>
      %select_n3A_215 = arith.select %eq3A_214, %get3A_49, %broadcast_in_dim3A_3 : vector<16xi1>, vector<16xi32>
      %reduce_sum3A_216 = arith.constant true
      %reduce_sum3A_217 = vector.broadcast %reduce_sum3A_216 : i1 to vector<16xi1>
      %reduce_sum3A_218 = tpu.scan <sum>, %select_n3A_215 masked %reduce_sum3A_217 : vector<16xi32>, vector<16xi1> -> vector<16xi32>
      %reduce_sum3A_219 = vector.extract %reduce_sum3A_218[15] : i32 from vector<16xi32>
      %shift_right_arithmetic3A_220 = arith.constant 3 : i32
      %shift_right_arithmetic3A_221 = arith.shrsi %reduce_sum3A_219, %shift_right_arithmetic3A_220 : i32
      %and3A_222 = arith.constant 7 : i32
      %and3A_223 = arith.andi %reduce_sum3A_219, %and3A_222 : i32
      %mul3A_224 = arith.constant 16 : i32
      %mul3A_225 = arith.muli %scan3A_45, %mul3A_224 : i32
      %add3A_226 = arith.constant 6 : i32
      %add3A_227 = arith.addi %mul3A_225, %add3A_226 : i32
      %dma_start3A_228 = arith.constant 0 : i32
      %dma_start3A_229 = tpu.memref_slice %arg12[%add3A_227, %dma_start3A_228] : memref<512x32xf32, #tpu.memory_space<vmem>> -> memref<1x32xf32, #tpu.memory_space<vmem>>
      %dma_start3A_230 = tpu.memref_squeeze %dma_start3A_229 : memref<1x32xf32, #tpu.memory_space<vmem>> -> memref<32xf32, #tpu.memory_space<vmem>>
      %dma_start3A_231 = arith.constant 0 : i32
      %dma_start3A_232 = tpu.memref_slice %arg7[%shift_right_arithmetic3A_221, %and3A_223, %dma_start3A_231] : memref<125x8x32xf32, #tpu.memory_space<hbm>> -> memref<1x1x32xf32, #tpu.memory_space<hbm>>
      %dma_start3A_233 = tpu.memref_squeeze %dma_start3A_232 : memref<1x1x32xf32, #tpu.memory_space<hbm>> -> memref<32xf32, #tpu.memory_space<hbm>>
      %dma_start3A_234 = arith.constant 0 : i32
      %dma_start3A_235 = tpu.memref_slice %arg12[%add3A_227, %dma_start3A_234] : memref<512x32xf32, #tpu.memory_space<vmem>> -> memref<1x32xf32, #tpu.memory_space<vmem>>
      %dma_start3A_236 = tpu.memref_squeeze %dma_start3A_235 : memref<1x32xf32, #tpu.memory_space<vmem>> -> memref<32xf32, #tpu.memory_space<vmem>>
      %dma_start3A_237 = arith.constant 0 : i32
      %dma_start3A_238 = tpu.memref_slice %arg7[%shift_right_arithmetic3A_221, %and3A_223, %dma_start3A_237] : memref<125x8x32xf32, #tpu.memory_space<hbm>> -> memref<1x1x32xf32, #tpu.memory_space<hbm>>
      %dma_start3A_239 = tpu.memref_squeeze %dma_start3A_238 : memref<1x1x32xf32, #tpu.memory_space<hbm>> -> memref<32xf32, #tpu.memory_space<hbm>>
      tpu.enqueue_dma source(%dma_start3A_239 : memref<32xf32, #tpu.memory_space<hbm>>) target(%dma_start3A_236 : memref<32xf32, #tpu.memory_space<vmem>>) target_semaphore(%arg13 : memref<!tpu.dma_semaphore, #tpu.memory_space<semaphore_mem>>)
      %eq3A_240 = arith.constant 7 : i32
      %eq3A_241 = vector.broadcast %eq3A_240 : i32 to vector<16xi32>
      %eq3A_242 = arith.cmpi eq, %iota3A, %eq3A_241 : vector<16xi32>
      %select_n3A_243 = arith.select %eq3A_242, %get3A_49, %broadcast_in_dim3A_3 : vector<16xi1>, vector<16xi32>
      %reduce_sum3A_244 = arith.constant true
      %reduce_sum3A_245 = vector.broadcast %reduce_sum3A_244 : i1 to vector<16xi1>
      %reduce_sum3A_246 = tpu.scan <sum>, %select_n3A_243 masked %reduce_sum3A_245 : vector<16xi32>, vector<16xi1> -> vector<16xi32>
      %reduce_sum3A_247 = vector.extract %reduce_sum3A_246[15] : i32 from vector<16xi32>
      %shift_right_arithmetic3A_248 = arith.constant 3 : i32
      %shift_right_arithmetic3A_249 = arith.shrsi %reduce_sum3A_247, %shift_right_arithmetic3A_248 : i32
      %and3A_250 = arith.constant 7 : i32
      %and3A_251 = arith.andi %reduce_sum3A_247, %and3A_250 : i32
      %mul3A_252 = arith.constant 16 : i32
      %mul3A_253 = arith.muli %scan3A_45, %mul3A_252 : i32
      %add3A_254 = arith.constant 7 : i32
      %add3A_255 = arith.addi %mul3A_253, %add3A_254 : i32
      %dma_start3A_256 = arith.constant 0 : i32
      %dma_start3A_257 = tpu.memref_slice %arg12[%add3A_255, %dma_start3A_256] : memref<512x32xf32, #tpu.memory_space<vmem>> -> memref<1x32xf32, #tpu.memory_space<vmem>>
      %dma_start3A_258 = tpu.memref_squeeze %dma_start3A_257 : memref<1x32xf32, #tpu.memory_space<vmem>> -> memref<32xf32, #tpu.memory_space<vmem>>
      %dma_start3A_259 = arith.constant 0 : i32
      %dma_start3A_260 = tpu.memref_slice %arg7[%shift_right_arithmetic3A_249, %and3A_251, %dma_start3A_259] : memref<125x8x32xf32, #tpu.memory_space<hbm>> -> memref<1x1x32xf32, #tpu.memory_space<hbm>>
      %dma_start3A_261 = tpu.memref_squeeze %dma_start3A_260 : memref<1x1x32xf32, #tpu.memory_space<hbm>> -> memref<32xf32, #tpu.memory_space<hbm>>
      %dma_start3A_262 = arith.constant 0 : i32
      %dma_start3A_263 = tpu.memref_slice %arg12[%add3A_255, %dma_start3A_262] : memref<512x32xf32, #tpu.memory_space<vmem>> -> memref<1x32xf32, #tpu.memory_space<vmem>>
      %dma_start3A_264 = tpu.memref_squeeze %dma_start3A_263 : memref<1x32xf32, #tpu.memory_space<vmem>> -> memref<32xf32, #tpu.memory_space<vmem>>
      %dma_start3A_265 = arith.constant 0 : i32
      %dma_start3A_266 = tpu.memref_slice %arg7[%shift_right_arithmetic3A_249, %and3A_251, %dma_start3A_265] : memref<125x8x32xf32, #tpu.memory_space<hbm>> -> memref<1x1x32xf32, #tpu.memory_space<hbm>>
      %dma_start3A_267 = tpu.memref_squeeze %dma_start3A_266 : memref<1x1x32xf32, #tpu.memory_space<hbm>> -> memref<32xf32, #tpu.memory_space<hbm>>
      tpu.enqueue_dma source(%dma_start3A_267 : memref<32xf32, #tpu.memory_space<hbm>>) target(%dma_start3A_264 : memref<32xf32, #tpu.memory_space<vmem>>) target_semaphore(%arg13 : memref<!tpu.dma_semaphore, #tpu.memory_space<semaphore_mem>>)
      %eq3A_268 = arith.constant 8 : i32
      %eq3A_269 = vector.broadcast %eq3A_268 : i32 to vector<16xi32>
      %eq3A_270 = arith.cmpi eq, %iota3A, %eq3A_269 : vector<16xi32>
      %select_n3A_271 = arith.select %eq3A_270, %get3A_49, %broadcast_in_dim3A_3 : vector<16xi1>, vector<16xi32>
      %reduce_sum3A_272 = arith.constant true
      %reduce_sum3A_273 = vector.broadcast %reduce_sum3A_272 : i1 to vector<16xi1>
      %reduce_sum3A_274 = tpu.scan <sum>, %select_n3A_271 masked %reduce_sum3A_273 : vector<16xi32>, vector<16xi1> -> vector<16xi32>
      %reduce_sum3A_275 = vector.extract %reduce_sum3A_274[15] : i32 from vector<16xi32>
      %shift_right_arithmetic3A_276 = arith.constant 3 : i32
      %shift_right_arithmetic3A_277 = arith.shrsi %reduce_sum3A_275, %shift_right_arithmetic3A_276 : i32
      %and3A_278 = arith.constant 7 : i32
      %and3A_279 = arith.andi %reduce_sum3A_275, %and3A_278 : i32
      %mul3A_280 = arith.constant 16 : i32
      %mul3A_281 = arith.muli %scan3A_45, %mul3A_280 : i32
      %add3A_282 = arith.constant 8 : i32
      %add3A_283 = arith.addi %mul3A_281, %add3A_282 : i32
      %dma_start3A_284 = arith.constant 0 : i32
      %dma_start3A_285 = tpu.memref_slice %arg12[%add3A_283, %dma_start3A_284] : memref<512x32xf32, #tpu.memory_space<vmem>> -> memref<1x32xf32, #tpu.memory_space<vmem>>
      %dma_start3A_286 = tpu.memref_squeeze %dma_start3A_285 : memref<1x32xf32, #tpu.memory_space<vmem>> -> memref<32xf32, #tpu.memory_space<vmem>>
      %dma_start3A_287 = arith.constant 0 : i32
      %dma_start3A_288 = tpu.memref_slice %arg7[%shift_right_arithmetic3A_277, %and3A_279, %dma_start3A_287] : memref<125x8x32xf32, #tpu.memory_space<hbm>> -> memref<1x1x32xf32, #tpu.memory_space<hbm>>
      %dma_start3A_289 = tpu.memref_squeeze %dma_start3A_288 : memref<1x1x32xf32, #tpu.memory_space<hbm>> -> memref<32xf32, #tpu.memory_space<hbm>>
      %dma_start3A_290 = arith.constant 0 : i32
      %dma_start3A_291 = tpu.memref_slice %arg12[%add3A_283, %dma_start3A_290] : memref<512x32xf32, #tpu.memory_space<vmem>> -> memref<1x32xf32, #tpu.memory_space<vmem>>
      %dma_start3A_292 = tpu.memref_squeeze %dma_start3A_291 : memref<1x32xf32, #tpu.memory_space<vmem>> -> memref<32xf32, #tpu.memory_space<vmem>>
      %dma_start3A_293 = arith.constant 0 : i32
      %dma_start3A_294 = tpu.memref_slice %arg7[%shift_right_arithmetic3A_277, %and3A_279, %dma_start3A_293] : memref<125x8x32xf32, #tpu.memory_space<hbm>> -> memref<1x1x32xf32, #tpu.memory_space<hbm>>
      %dma_start3A_295 = tpu.memref_squeeze %dma_start3A_294 : memref<1x1x32xf32, #tpu.memory_space<hbm>> -> memref<32xf32, #tpu.memory_space<hbm>>
      tpu.enqueue_dma source(%dma_start3A_295 : memref<32xf32, #tpu.memory_space<hbm>>) target(%dma_start3A_292 : memref<32xf32, #tpu.memory_space<vmem>>) target_semaphore(%arg13 : memref<!tpu.dma_semaphore, #tpu.memory_space<semaphore_mem>>)
      %eq3A_296 = arith.constant 9 : i32
      %eq3A_297 = vector.broadcast %eq3A_296 : i32 to vector<16xi32>
      %eq3A_298 = arith.cmpi eq, %iota3A, %eq3A_297 : vector<16xi32>
      %select_n3A_299 = arith.select %eq3A_298, %get3A_49, %broadcast_in_dim3A_3 : vector<16xi1>, vector<16xi32>
      %reduce_sum3A_300 = arith.constant true
      %reduce_sum3A_301 = vector.broadcast %reduce_sum3A_300 : i1 to vector<16xi1>
      %reduce_sum3A_302 = tpu.scan <sum>, %select_n3A_299 masked %reduce_sum3A_301 : vector<16xi32>, vector<16xi1> -> vector<16xi32>
      %reduce_sum3A_303 = vector.extract %reduce_sum3A_302[15] : i32 from vector<16xi32>
      %shift_right_arithmetic3A_304 = arith.constant 3 : i32
      %shift_right_arithmetic3A_305 = arith.shrsi %reduce_sum3A_303, %shift_right_arithmetic3A_304 : i32
      %and3A_306 = arith.constant 7 : i32
      %and3A_307 = arith.andi %reduce_sum3A_303, %and3A_306 : i32
      %mul3A_308 = arith.constant 16 : i32
      %mul3A_309 = arith.muli %scan3A_45, %mul3A_308 : i32
      %add3A_310 = arith.constant 9 : i32
      %add3A_311 = arith.addi %mul3A_309, %add3A_310 : i32
      %dma_start3A_312 = arith.constant 0 : i32
      %dma_start3A_313 = tpu.memref_slice %arg12[%add3A_311, %dma_start3A_312] : memref<512x32xf32, #tpu.memory_space<vmem>> -> memref<1x32xf32, #tpu.memory_space<vmem>>
      %dma_start3A_314 = tpu.memref_squeeze %dma_start3A_313 : memref<1x32xf32, #tpu.memory_space<vmem>> -> memref<32xf32, #tpu.memory_space<vmem>>
      %dma_start3A_315 = arith.constant 0 : i32
      %dma_start3A_316 = tpu.memref_slice %arg7[%shift_right_arithmetic3A_305, %and3A_307, %dma_start3A_315] : memref<125x8x32xf32, #tpu.memory_space<hbm>> -> memref<1x1x32xf32, #tpu.memory_space<hbm>>
      %dma_start3A_317 = tpu.memref_squeeze %dma_start3A_316 : memref<1x1x32xf32, #tpu.memory_space<hbm>> -> memref<32xf32, #tpu.memory_space<hbm>>
      %dma_start3A_318 = arith.constant 0 : i32
      %dma_start3A_319 = tpu.memref_slice %arg12[%add3A_311, %dma_start3A_318] : memref<512x32xf32, #tpu.memory_space<vmem>> -> memref<1x32xf32, #tpu.memory_space<vmem>>
      %dma_start3A_320 = tpu.memref_squeeze %dma_start3A_319 : memref<1x32xf32, #tpu.memory_space<vmem>> -> memref<32xf32, #tpu.memory_space<vmem>>
      %dma_start3A_321 = arith.constant 0 : i32
      %dma_start3A_322 = tpu.memref_slice %arg7[%shift_right_arithmetic3A_305, %and3A_307, %dma_start3A_321] : memref<125x8x32xf32, #tpu.memory_space<hbm>> -> memref<1x1x32xf32, #tpu.memory_space<hbm>>
      %dma_start3A_323 = tpu.memref_squeeze %dma_start3A_322 : memref<1x1x32xf32, #tpu.memory_space<hbm>> -> memref<32xf32, #tpu.memory_space<hbm>>
      tpu.enqueue_dma source(%dma_start3A_323 : memref<32xf32, #tpu.memory_space<hbm>>) target(%dma_start3A_320 : memref<32xf32, #tpu.memory_space<vmem>>) target_semaphore(%arg13 : memref<!tpu.dma_semaphore, #tpu.memory_space<semaphore_mem>>)
      %eq3A_324 = arith.constant 10 : i32
      %eq3A_325 = vector.broadcast %eq3A_324 : i32 to vector<16xi32>
      %eq3A_326 = arith.cmpi eq, %iota3A, %eq3A_325 : vector<16xi32>
      %select_n3A_327 = arith.select %eq3A_326, %get3A_49, %broadcast_in_dim3A_3 : vector<16xi1>, vector<16xi32>
      %reduce_sum3A_328 = arith.constant true
      %reduce_sum3A_329 = vector.broadcast %reduce_sum3A_328 : i1 to vector<16xi1>
      %reduce_sum3A_330 = tpu.scan <sum>, %select_n3A_327 masked %reduce_sum3A_329 : vector<16xi32>, vector<16xi1> -> vector<16xi32>
      %reduce_sum3A_331 = vector.extract %reduce_sum3A_330[15] : i32 from vector<16xi32>
      %shift_right_arithmetic3A_332 = arith.constant 3 : i32
      %shift_right_arithmetic3A_333 = arith.shrsi %reduce_sum3A_331, %shift_right_arithmetic3A_332 : i32
      %and3A_334 = arith.constant 7 : i32
      %and3A_335 = arith.andi %reduce_sum3A_331, %and3A_334 : i32
      %mul3A_336 = arith.constant 16 : i32
      %mul3A_337 = arith.muli %scan3A_45, %mul3A_336 : i32
      %add3A_338 = arith.constant 10 : i32
      %add3A_339 = arith.addi %mul3A_337, %add3A_338 : i32
      %dma_start3A_340 = arith.constant 0 : i32
      %dma_start3A_341 = tpu.memref_slice %arg12[%add3A_339, %dma_start3A_340] : memref<512x32xf32, #tpu.memory_space<vmem>> -> memref<1x32xf32, #tpu.memory_space<vmem>>
      %dma_start3A_342 = tpu.memref_squeeze %dma_start3A_341 : memref<1x32xf32, #tpu.memory_space<vmem>> -> memref<32xf32, #tpu.memory_space<vmem>>
      %dma_start3A_343 = arith.constant 0 : i32
      %dma_start3A_344 = tpu.memref_slice %arg7[%shift_right_arithmetic3A_333, %and3A_335, %dma_start3A_343] : memref<125x8x32xf32, #tpu.memory_space<hbm>> -> memref<1x1x32xf32, #tpu.memory_space<hbm>>
      %dma_start3A_345 = tpu.memref_squeeze %dma_start3A_344 : memref<1x1x32xf32, #tpu.memory_space<hbm>> -> memref<32xf32, #tpu.memory_space<hbm>>
      %dma_start3A_346 = arith.constant 0 : i32
      %dma_start3A_347 = tpu.memref_slice %arg12[%add3A_339, %dma_start3A_346] : memref<512x32xf32, #tpu.memory_space<vmem>> -> memref<1x32xf32, #tpu.memory_space<vmem>>
      %dma_start3A_348 = tpu.memref_squeeze %dma_start3A_347 : memref<1x32xf32, #tpu.memory_space<vmem>> -> memref<32xf32, #tpu.memory_space<vmem>>
      %dma_start3A_349 = arith.constant 0 : i32
      %dma_start3A_350 = tpu.memref_slice %arg7[%shift_right_arithmetic3A_333, %and3A_335, %dma_start3A_349] : memref<125x8x32xf32, #tpu.memory_space<hbm>> -> memref<1x1x32xf32, #tpu.memory_space<hbm>>
      %dma_start3A_351 = tpu.memref_squeeze %dma_start3A_350 : memref<1x1x32xf32, #tpu.memory_space<hbm>> -> memref<32xf32, #tpu.memory_space<hbm>>
      tpu.enqueue_dma source(%dma_start3A_351 : memref<32xf32, #tpu.memory_space<hbm>>) target(%dma_start3A_348 : memref<32xf32, #tpu.memory_space<vmem>>) target_semaphore(%arg13 : memref<!tpu.dma_semaphore, #tpu.memory_space<semaphore_mem>>)
      %eq3A_352 = arith.constant 11 : i32
      %eq3A_353 = vector.broadcast %eq3A_352 : i32 to vector<16xi32>
      %eq3A_354 = arith.cmpi eq, %iota3A, %eq3A_353 : vector<16xi32>
      %select_n3A_355 = arith.select %eq3A_354, %get3A_49, %broadcast_in_dim3A_3 : vector<16xi1>, vector<16xi32>
      %reduce_sum3A_356 = arith.constant true
      %reduce_sum3A_357 = vector.broadcast %reduce_sum3A_356 : i1 to vector<16xi1>
      %reduce_sum3A_358 = tpu.scan <sum>, %select_n3A_355 masked %reduce_sum3A_357 : vector<16xi32>, vector<16xi1> -> vector<16xi32>
      %reduce_sum3A_359 = vector.extract %reduce_sum3A_358[15] : i32 from vector<16xi32>
      %shift_right_arithmetic3A_360 = arith.constant 3 : i32
      %shift_right_arithmetic3A_361 = arith.shrsi %reduce_sum3A_359, %shift_right_arithmetic3A_360 : i32
      %and3A_362 = arith.constant 7 : i32
      %and3A_363 = arith.andi %reduce_sum3A_359, %and3A_362 : i32
      %mul3A_364 = arith.constant 16 : i32
      %mul3A_365 = arith.muli %scan3A_45, %mul3A_364 : i32
      %add3A_366 = arith.constant 11 : i32
      %add3A_367 = arith.addi %mul3A_365, %add3A_366 : i32
      %dma_start3A_368 = arith.constant 0 : i32
      %dma_start3A_369 = tpu.memref_slice %arg12[%add3A_367, %dma_start3A_368] : memref<512x32xf32, #tpu.memory_space<vmem>> -> memref<1x32xf32, #tpu.memory_space<vmem>>
      %dma_start3A_370 = tpu.memref_squeeze %dma_start3A_369 : memref<1x32xf32, #tpu.memory_space<vmem>> -> memref<32xf32, #tpu.memory_space<vmem>>
      %dma_start3A_371 = arith.constant 0 : i32
      %dma_start3A_372 = tpu.memref_slice %arg7[%shift_right_arithmetic3A_361, %and3A_363, %dma_start3A_371] : memref<125x8x32xf32, #tpu.memory_space<hbm>> -> memref<1x1x32xf32, #tpu.memory_space<hbm>>
      %dma_start3A_373 = tpu.memref_squeeze %dma_start3A_372 : memref<1x1x32xf32, #tpu.memory_space<hbm>> -> memref<32xf32, #tpu.memory_space<hbm>>
      %dma_start3A_374 = arith.constant 0 : i32
      %dma_start3A_375 = tpu.memref_slice %arg12[%add3A_367, %dma_start3A_374] : memref<512x32xf32, #tpu.memory_space<vmem>> -> memref<1x32xf32, #tpu.memory_space<vmem>>
      %dma_start3A_376 = tpu.memref_squeeze %dma_start3A_375 : memref<1x32xf32, #tpu.memory_space<vmem>> -> memref<32xf32, #tpu.memory_space<vmem>>
      %dma_start3A_377 = arith.constant 0 : i32
      %dma_start3A_378 = tpu.memref_slice %arg7[%shift_right_arithmetic3A_361, %and3A_363, %dma_start3A_377] : memref<125x8x32xf32, #tpu.memory_space<hbm>> -> memref<1x1x32xf32, #tpu.memory_space<hbm>>
      %dma_start3A_379 = tpu.memref_squeeze %dma_start3A_378 : memref<1x1x32xf32, #tpu.memory_space<hbm>> -> memref<32xf32, #tpu.memory_space<hbm>>
      tpu.enqueue_dma source(%dma_start3A_379 : memref<32xf32, #tpu.memory_space<hbm>>) target(%dma_start3A_376 : memref<32xf32, #tpu.memory_space<vmem>>) target_semaphore(%arg13 : memref<!tpu.dma_semaphore, #tpu.memory_space<semaphore_mem>>)
      %eq3A_380 = arith.constant 12 : i32
      %eq3A_381 = vector.broadcast %eq3A_380 : i32 to vector<16xi32>
      %eq3A_382 = arith.cmpi eq, %iota3A, %eq3A_381 : vector<16xi32>
      %select_n3A_383 = arith.select %eq3A_382, %get3A_49, %broadcast_in_dim3A_3 : vector<16xi1>, vector<16xi32>
      %reduce_sum3A_384 = arith.constant true
      %reduce_sum3A_385 = vector.broadcast %reduce_sum3A_384 : i1 to vector<16xi1>
      %reduce_sum3A_386 = tpu.scan <sum>, %select_n3A_383 masked %reduce_sum3A_385 : vector<16xi32>, vector<16xi1> -> vector<16xi32>
      %reduce_sum3A_387 = vector.extract %reduce_sum3A_386[15] : i32 from vector<16xi32>
      %shift_right_arithmetic3A_388 = arith.constant 3 : i32
      %shift_right_arithmetic3A_389 = arith.shrsi %reduce_sum3A_387, %shift_right_arithmetic3A_388 : i32
      %and3A_390 = arith.constant 7 : i32
      %and3A_391 = arith.andi %reduce_sum3A_387, %and3A_390 : i32
      %mul3A_392 = arith.constant 16 : i32
      %mul3A_393 = arith.muli %scan3A_45, %mul3A_392 : i32
      %add3A_394 = arith.constant 12 : i32
      %add3A_395 = arith.addi %mul3A_393, %add3A_394 : i32
      %dma_start3A_396 = arith.constant 0 : i32
      %dma_start3A_397 = tpu.memref_slice %arg12[%add3A_395, %dma_start3A_396] : memref<512x32xf32, #tpu.memory_space<vmem>> -> memref<1x32xf32, #tpu.memory_space<vmem>>
      %dma_start3A_398 = tpu.memref_squeeze %dma_start3A_397 : memref<1x32xf32, #tpu.memory_space<vmem>> -> memref<32xf32, #tpu.memory_space<vmem>>
      %dma_start3A_399 = arith.constant 0 : i32
      %dma_start3A_400 = tpu.memref_slice %arg7[%shift_right_arithmetic3A_389, %and3A_391, %dma_start3A_399] : memref<125x8x32xf32, #tpu.memory_space<hbm>> -> memref<1x1x32xf32, #tpu.memory_space<hbm>>
      %dma_start3A_401 = tpu.memref_squeeze %dma_start3A_400 : memref<1x1x32xf32, #tpu.memory_space<hbm>> -> memref<32xf32, #tpu.memory_space<hbm>>
      %dma_start3A_402 = arith.constant 0 : i32
      %dma_start3A_403 = tpu.memref_slice %arg12[%add3A_395, %dma_start3A_402] : memref<512x32xf32, #tpu.memory_space<vmem>> -> memref<1x32xf32, #tpu.memory_space<vmem>>
      %dma_start3A_404 = tpu.memref_squeeze %dma_start3A_403 : memref<1x32xf32, #tpu.memory_space<vmem>> -> memref<32xf32, #tpu.memory_space<vmem>>
      %dma_start3A_405 = arith.constant 0 : i32
      %dma_start3A_406 = tpu.memref_slice %arg7[%shift_right_arithmetic3A_389, %and3A_391, %dma_start3A_405] : memref<125x8x32xf32, #tpu.memory_space<hbm>> -> memref<1x1x32xf32, #tpu.memory_space<hbm>>
      %dma_start3A_407 = tpu.memref_squeeze %dma_start3A_406 : memref<1x1x32xf32, #tpu.memory_space<hbm>> -> memref<32xf32, #tpu.memory_space<hbm>>
      tpu.enqueue_dma source(%dma_start3A_407 : memref<32xf32, #tpu.memory_space<hbm>>) target(%dma_start3A_404 : memref<32xf32, #tpu.memory_space<vmem>>) target_semaphore(%arg13 : memref<!tpu.dma_semaphore, #tpu.memory_space<semaphore_mem>>)
      %eq3A_408 = arith.constant 13 : i32
      %eq3A_409 = vector.broadcast %eq3A_408 : i32 to vector<16xi32>
      %eq3A_410 = arith.cmpi eq, %iota3A, %eq3A_409 : vector<16xi32>
      %select_n3A_411 = arith.select %eq3A_410, %get3A_49, %broadcast_in_dim3A_3 : vector<16xi1>, vector<16xi32>
      %reduce_sum3A_412 = arith.constant true
      %reduce_sum3A_413 = vector.broadcast %reduce_sum3A_412 : i1 to vector<16xi1>
      %reduce_sum3A_414 = tpu.scan <sum>, %select_n3A_411 masked %reduce_sum3A_413 : vector<16xi32>, vector<16xi1> -> vector<16xi32>
      %reduce_sum3A_415 = vector.extract %reduce_sum3A_414[15] : i32 from vector<16xi32>
      %shift_right_arithmetic3A_416 = arith.constant 3 : i32
      %shift_right_arithmetic3A_417 = arith.shrsi %reduce_sum3A_415, %shift_right_arithmetic3A_416 : i32
      %and3A_418 = arith.constant 7 : i32
      %and3A_419 = arith.andi %reduce_sum3A_415, %and3A_418 : i32
      %mul3A_420 = arith.constant 16 : i32
      %mul3A_421 = arith.muli %scan3A_45, %mul3A_420 : i32
      %add3A_422 = arith.constant 13 : i32
      %add3A_423 = arith.addi %mul3A_421, %add3A_422 : i32
      %dma_start3A_424 = arith.constant 0 : i32
      %dma_start3A_425 = tpu.memref_slice %arg12[%add3A_423, %dma_start3A_424] : memref<512x32xf32, #tpu.memory_space<vmem>> -> memref<1x32xf32, #tpu.memory_space<vmem>>
      %dma_start3A_426 = tpu.memref_squeeze %dma_start3A_425 : memref<1x32xf32, #tpu.memory_space<vmem>> -> memref<32xf32, #tpu.memory_space<vmem>>
      %dma_start3A_427 = arith.constant 0 : i32
      %dma_start3A_428 = tpu.memref_slice %arg7[%shift_right_arithmetic3A_417, %and3A_419, %dma_start3A_427] : memref<125x8x32xf32, #tpu.memory_space<hbm>> -> memref<1x1x32xf32, #tpu.memory_space<hbm>>
      %dma_start3A_429 = tpu.memref_squeeze %dma_start3A_428 : memref<1x1x32xf32, #tpu.memory_space<hbm>> -> memref<32xf32, #tpu.memory_space<hbm>>
      %dma_start3A_430 = arith.constant 0 : i32
      %dma_start3A_431 = tpu.memref_slice %arg12[%add3A_423, %dma_start3A_430] : memref<512x32xf32, #tpu.memory_space<vmem>> -> memref<1x32xf32, #tpu.memory_space<vmem>>
      %dma_start3A_432 = tpu.memref_squeeze %dma_start3A_431 : memref<1x32xf32, #tpu.memory_space<vmem>> -> memref<32xf32, #tpu.memory_space<vmem>>
      %dma_start3A_433 = arith.constant 0 : i32
      %dma_start3A_434 = tpu.memref_slice %arg7[%shift_right_arithmetic3A_417, %and3A_419, %dma_start3A_433] : memref<125x8x32xf32, #tpu.memory_space<hbm>> -> memref<1x1x32xf32, #tpu.memory_space<hbm>>
      %dma_start3A_435 = tpu.memref_squeeze %dma_start3A_434 : memref<1x1x32xf32, #tpu.memory_space<hbm>> -> memref<32xf32, #tpu.memory_space<hbm>>
      tpu.enqueue_dma source(%dma_start3A_435 : memref<32xf32, #tpu.memory_space<hbm>>) target(%dma_start3A_432 : memref<32xf32, #tpu.memory_space<vmem>>) target_semaphore(%arg13 : memref<!tpu.dma_semaphore, #tpu.memory_space<semaphore_mem>>)
      %eq3A_436 = arith.constant 14 : i32
      %eq3A_437 = vector.broadcast %eq3A_436 : i32 to vector<16xi32>
      %eq3A_438 = arith.cmpi eq, %iota3A, %eq3A_437 : vector<16xi32>
      %select_n3A_439 = arith.select %eq3A_438, %get3A_49, %broadcast_in_dim3A_3 : vector<16xi1>, vector<16xi32>
      %reduce_sum3A_440 = arith.constant true
      %reduce_sum3A_441 = vector.broadcast %reduce_sum3A_440 : i1 to vector<16xi1>
      %reduce_sum3A_442 = tpu.scan <sum>, %select_n3A_439 masked %reduce_sum3A_441 : vector<16xi32>, vector<16xi1> -> vector<16xi32>
      %reduce_sum3A_443 = vector.extract %reduce_sum3A_442[15] : i32 from vector<16xi32>
      %shift_right_arithmetic3A_444 = arith.constant 3 : i32
      %shift_right_arithmetic3A_445 = arith.shrsi %reduce_sum3A_443, %shift_right_arithmetic3A_444 : i32
      %and3A_446 = arith.constant 7 : i32
      %and3A_447 = arith.andi %reduce_sum3A_443, %and3A_446 : i32
      %mul3A_448 = arith.constant 16 : i32
      %mul3A_449 = arith.muli %scan3A_45, %mul3A_448 : i32
      %add3A_450 = arith.constant 14 : i32
      %add3A_451 = arith.addi %mul3A_449, %add3A_450 : i32
      %dma_start3A_452 = arith.constant 0 : i32
      %dma_start3A_453 = tpu.memref_slice %arg12[%add3A_451, %dma_start3A_452] : memref<512x32xf32, #tpu.memory_space<vmem>> -> memref<1x32xf32, #tpu.memory_space<vmem>>
      %dma_start3A_454 = tpu.memref_squeeze %dma_start3A_453 : memref<1x32xf32, #tpu.memory_space<vmem>> -> memref<32xf32, #tpu.memory_space<vmem>>
      %dma_start3A_455 = arith.constant 0 : i32
      %dma_start3A_456 = tpu.memref_slice %arg7[%shift_right_arithmetic3A_445, %and3A_447, %dma_start3A_455] : memref<125x8x32xf32, #tpu.memory_space<hbm>> -> memref<1x1x32xf32, #tpu.memory_space<hbm>>
      %dma_start3A_457 = tpu.memref_squeeze %dma_start3A_456 : memref<1x1x32xf32, #tpu.memory_space<hbm>> -> memref<32xf32, #tpu.memory_space<hbm>>
      %dma_start3A_458 = arith.constant 0 : i32
      %dma_start3A_459 = tpu.memref_slice %arg12[%add3A_451, %dma_start3A_458] : memref<512x32xf32, #tpu.memory_space<vmem>> -> memref<1x32xf32, #tpu.memory_space<vmem>>
      %dma_start3A_460 = tpu.memref_squeeze %dma_start3A_459 : memref<1x32xf32, #tpu.memory_space<vmem>> -> memref<32xf32, #tpu.memory_space<vmem>>
      %dma_start3A_461 = arith.constant 0 : i32
      %dma_start3A_462 = tpu.memref_slice %arg7[%shift_right_arithmetic3A_445, %and3A_447, %dma_start3A_461] : memref<125x8x32xf32, #tpu.memory_space<hbm>> -> memref<1x1x32xf32, #tpu.memory_space<hbm>>
      %dma_start3A_463 = tpu.memref_squeeze %dma_start3A_462 : memref<1x1x32xf32, #tpu.memory_space<hbm>> -> memref<32xf32, #tpu.memory_space<hbm>>
      tpu.enqueue_dma source(%dma_start3A_463 : memref<32xf32, #tpu.memory_space<hbm>>) target(%dma_start3A_460 : memref<32xf32, #tpu.memory_space<vmem>>) target_semaphore(%arg13 : memref<!tpu.dma_semaphore, #tpu.memory_space<semaphore_mem>>)
      %eq3A_464 = arith.constant 15 : i32
      %eq3A_465 = vector.broadcast %eq3A_464 : i32 to vector<16xi32>
      %eq3A_466 = arith.cmpi eq, %iota3A, %eq3A_465 : vector<16xi32>
      %select_n3A_467 = arith.select %eq3A_466, %get3A_49, %broadcast_in_dim3A_3 : vector<16xi1>, vector<16xi32>
      %reduce_sum3A_468 = arith.constant true
      %reduce_sum3A_469 = vector.broadcast %reduce_sum3A_468 : i1 to vector<16xi1>
      %reduce_sum3A_470 = tpu.scan <sum>, %select_n3A_467 masked %reduce_sum3A_469 : vector<16xi32>, vector<16xi1> -> vector<16xi32>
      %reduce_sum3A_471 = vector.extract %reduce_sum3A_470[15] : i32 from vector<16xi32>
      %shift_right_arithmetic3A_472 = arith.constant 3 : i32
      %shift_right_arithmetic3A_473 = arith.shrsi %reduce_sum3A_471, %shift_right_arithmetic3A_472 : i32
      %and3A_474 = arith.constant 7 : i32
      %and3A_475 = arith.andi %reduce_sum3A_471, %and3A_474 : i32
      %mul3A_476 = arith.constant 16 : i32
      %mul3A_477 = arith.muli %scan3A_45, %mul3A_476 : i32
      %add3A_478 = arith.constant 15 : i32
      %add3A_479 = arith.addi %mul3A_477, %add3A_478 : i32
      %dma_start3A_480 = arith.constant 0 : i32
      %dma_start3A_481 = tpu.memref_slice %arg12[%add3A_479, %dma_start3A_480] : memref<512x32xf32, #tpu.memory_space<vmem>> -> memref<1x32xf32, #tpu.memory_space<vmem>>
      %dma_start3A_482 = tpu.memref_squeeze %dma_start3A_481 : memref<1x32xf32, #tpu.memory_space<vmem>> -> memref<32xf32, #tpu.memory_space<vmem>>
      %dma_start3A_483 = arith.constant 0 : i32
      %dma_start3A_484 = tpu.memref_slice %arg7[%shift_right_arithmetic3A_473, %and3A_475, %dma_start3A_483] : memref<125x8x32xf32, #tpu.memory_space<hbm>> -> memref<1x1x32xf32, #tpu.memory_space<hbm>>
      %dma_start3A_485 = tpu.memref_squeeze %dma_start3A_484 : memref<1x1x32xf32, #tpu.memory_space<hbm>> -> memref<32xf32, #tpu.memory_space<hbm>>
      %dma_start3A_486 = arith.constant 0 : i32
      %dma_start3A_487 = tpu.memref_slice %arg12[%add3A_479, %dma_start3A_486] : memref<512x32xf32, #tpu.memory_space<vmem>> -> memref<1x32xf32, #tpu.memory_space<vmem>>
      %dma_start3A_488 = tpu.memref_squeeze %dma_start3A_487 : memref<1x32xf32, #tpu.memory_space<vmem>> -> memref<32xf32, #tpu.memory_space<vmem>>
      %dma_start3A_489 = arith.constant 0 : i32
      %dma_start3A_490 = tpu.memref_slice %arg7[%shift_right_arithmetic3A_473, %and3A_475, %dma_start3A_489] : memref<125x8x32xf32, #tpu.memory_space<hbm>> -> memref<1x1x32xf32, #tpu.memory_space<hbm>>
      %dma_start3A_491 = tpu.memref_squeeze %dma_start3A_490 : memref<1x1x32xf32, #tpu.memory_space<hbm>> -> memref<32xf32, #tpu.memory_space<hbm>>
      tpu.enqueue_dma source(%dma_start3A_491 : memref<32xf32, #tpu.memory_space<hbm>>) target(%dma_start3A_488 : memref<32xf32, #tpu.memory_space<vmem>>) target_semaphore(%arg13 : memref<!tpu.dma_semaphore, #tpu.memory_space<semaphore_mem>>)
      %scan3A_492 = arith.constant 0 : i32
      scf.yield %scan3A_492 : i32
    }
    %scan3A_37 = arith.constant 32 : i32
    %scan3A_38 = arith.constant 0 : i32
    %scan3A_39 = arith.constant 0 : i32
    %scan3A_40 = arith.constant 32 : i32
    %scan3A_41 = arith.addi %scan3A_39, %scan3A_40 : i32
    %scan3A_42 = arith.constant 1 : i32
    %scan3A_43 = scf.for %scan3A_45 = %scan3A_39 to %scan3A_41 step %scan3A_42 iter_args(%scan3A_46 = %scan3A_38) -> (i32)  : i32 {
      %mul3A_47 = arith.constant 16 : i32
      %mul3A_48 = arith.muli %scan3A_45, %mul3A_47 : i32
      %dma_wait3A = arith.constant 0 : i32
      %dma_wait3A_49 = tpu.memref_slice %arg12[%mul3A_48, %dma_wait3A] : memref<512x32xf32, #tpu.memory_space<vmem>> -> memref<16x32xf32, #tpu.memory_space<vmem>>
      %dma_wait3A_50 = arith.constant 0 : i32
      %dma_wait3A_51 = tpu.memref_slice %arg10[%mul3A_2, %dma_wait3A_50] : memref<16384x32xf32, #tpu.memory_space<hbm>> -> memref<16x32xf32, #tpu.memory_space<hbm>>
      %dma_wait3A_52 = arith.constant 0 : i32
      %dma_wait3A_53 = tpu.memref_slice %arg12[%mul3A_48, %dma_wait3A_52] : memref<512x32xf32, #tpu.memory_space<vmem>> -> memref<16x32xf32, #tpu.memory_space<vmem>>
      %dma_wait3A_54 = arith.constant 0 : i32
      %dma_wait3A_55 = tpu.memref_slice %arg10[%mul3A_2, %dma_wait3A_54] : memref<16384x32xf32, #tpu.memory_space<hbm>> -> memref<16x32xf32, #tpu.memory_space<hbm>>
      tpu.wait_dma2 semaphore(%arg13 : memref<!tpu.dma_semaphore, #tpu.memory_space<semaphore_mem>>) src(%dma_wait3A_55 : memref<16x32xf32, #tpu.memory_space<hbm>>) dst(%dma_wait3A_53 : memref<16x32xf32, #tpu.memory_space<vmem>>)
      %scan3A_56 = arith.constant 0 : i32
      scf.yield %scan3A_56 : i32
    }
    %scan3A_44 = arith.constant 32 : i32
    "tpu.region"() ({
      %run_scoped3A = tpu.sem_alloc : memref<!tpu.dma_semaphore, #tpu.memory_space<semaphore_mem>>
      %dma_start3A = arith.constant 0 : i32
      %dma_start3A_45 = tpu.memref_slice %arg10[%mul3A_2, %dma_start3A] : memref<16384x32xf32, #tpu.memory_space<hbm>> -> memref<512x32xf32, #tpu.memory_space<hbm>>
      %dma_start3A_46 = arith.constant 0 : i32
      %dma_start3A_47 = tpu.memref_slice %arg10[%mul3A_2, %dma_start3A_46] : memref<16384x32xf32, #tpu.memory_space<hbm>> -> memref<512x32xf32, #tpu.memory_space<hbm>>
      tpu.enqueue_dma source(%arg12 : memref<512x32xf32, #tpu.memory_space<vmem>>) target(%dma_start3A_47 : memref<512x32xf32, #tpu.memory_space<hbm>>) target_semaphore(%run_scoped3A : memref<!tpu.dma_semaphore, #tpu.memory_space<semaphore_mem>>)
      %dma_wait3A = arith.constant 0 : i32
      %dma_wait3A_48 = tpu.memref_slice %arg10[%mul3A_2, %dma_wait3A] : memref<16384x32xf32, #tpu.memory_space<hbm>> -> memref<512x32xf32, #tpu.memory_space<hbm>>
      %dma_wait3A_49 = arith.constant 0 : i32
      %dma_wait3A_50 = tpu.memref_slice %arg10[%mul3A_2, %dma_wait3A_49] : memref<16384x32xf32, #tpu.memory_space<hbm>> -> memref<512x32xf32, #tpu.memory_space<hbm>>
      tpu.wait_dma2 semaphore(%run_scoped3A : memref<!tpu.dma_semaphore, #tpu.memory_space<semaphore_mem>>) src(%arg12 : memref<512x32xf32, #tpu.memory_space<vmem>>) dst(%dma_wait3A_50 : memref<512x32xf32, #tpu.memory_space<hbm>>)
      tpu.yield
    }) : () -> ()
    return
  }
}

module attributes {stable_mosaic.version = 14 : i64} {
  func.func @_mlp_body(%arg0: i32, %arg1: memref<8192x32xf32, #tpu.memory_space<vmem>>, %arg2: memref<8192x32xf32, #tpu.memory_space<vmem>>, %arg3: memref<8192x32xf32, #tpu.memory_space<vmem>>, %arg4: memref<96x256xf32, #tpu.memory_space<vmem>>, %arg5: memref<1x256xf32, #tpu.memory_space<vmem>>, %arg6: memref<256x256xf32, #tpu.memory_space<vmem>>, %arg7: memref<1x256xf32, #tpu.memory_space<vmem>>, %arg8: memref<256x10xf32, #tpu.memory_space<vmem>>, %arg9: memref<1x10xf32, #tpu.memory_space<vmem>>, %arg10: memref<8192x10xf32, #tpu.memory_space<vmem>>) attributes {dimension_semantics = [#tpu.dimension_semantics<arbitrary>], iteration_bounds = array<i64: 2>, scalar_prefetch = 0 : i64, scratch_operands = 0 : i64, tpu.core_type = #tpu.core_type<tc>, window_params = [{transform_indices = @transform_0, window_bounds = array<i64: 8192, 32>}, {transform_indices = @transform_1, window_bounds = array<i64: 8192, 32>}, {transform_indices = @transform_2, window_bounds = array<i64: 8192, 32>}, {pipeline_mode = #tpu.pipeline_mode<synchronous>, transform_indices = @transform_3, window_bounds = array<i64: 96, 256>}, {pipeline_mode = #tpu.pipeline_mode<synchronous>, transform_indices = @transform_4, window_bounds = array<i64: 1, 256>}, {pipeline_mode = #tpu.pipeline_mode<synchronous>, transform_indices = @transform_5, window_bounds = array<i64: 256, 256>}, {pipeline_mode = #tpu.pipeline_mode<synchronous>, transform_indices = @transform_6, window_bounds = array<i64: 1, 256>}, {pipeline_mode = #tpu.pipeline_mode<synchronous>, transform_indices = @transform_7, window_bounds = array<i64: 256, 10>}, {pipeline_mode = #tpu.pipeline_mode<synchronous>, transform_indices = @transform_8, window_bounds = array<i64: 1, 10>}, {transform_indices = @transform_9, window_bounds = array<i64: 8192, 10>}]} {
    %get3A = arith.constant 0 : index
    %get3A_0 = arith.constant 0 : index
    %get3A_1 = vector.load %arg1[%get3A, %get3A_0] : memref<8192x32xf32, #tpu.memory_space<vmem>>, vector<8192x32xf32>
    %get3A_2 = arith.constant 0 : index
    %get3A_3 = arith.constant 0 : index
    %get3A_4 = vector.load %arg2[%get3A_2, %get3A_3] : memref<8192x32xf32, #tpu.memory_space<vmem>>, vector<8192x32xf32>
    %get3A_5 = arith.constant 0 : index
    %get3A_6 = arith.constant 0 : index
    %get3A_7 = vector.load %arg3[%get3A_5, %get3A_6] : memref<8192x32xf32, #tpu.memory_space<vmem>>, vector<8192x32xf32>
    %concatenate3A = tpu.concatenate %get3A_1, %get3A_4, %get3A_7 in 1 : vector<8192x32xf32>, vector<8192x32xf32>, vector<8192x32xf32> -> vector<8192x96xf32>
    %get3A_8 = arith.constant 0 : index
    %get3A_9 = arith.constant 0 : index
    %get3A_10 = vector.load %arg4[%get3A_8, %get3A_9] : memref<96x256xf32, #tpu.memory_space<vmem>>, vector<96x256xf32>
    %dot_general3A = arith.constant dense<0.000000e+00> : vector<8192x256xf32>
    %dot_general3A_11 = tpu.matmul %concatenate3A, %get3A_10, %dot_general3A {dimension_numbers = #tpu.dot_dimension_numbers<[1], [0], [0], [1], [0, 0, 1, 1], [], []>, transpose_lhs_hint = false} : vector<8192x96xf32>, vector<96x256xf32>, vector<8192x256xf32> -> vector<8192x256xf32>
    %get3A_12 = arith.constant 0 : index
    %get3A_13 = arith.constant 0 : index
    %get3A_14 = vector.load %arg5[%get3A_12, %get3A_13] : memref<1x256xf32, #tpu.memory_space<vmem>>, vector<1x256xf32>
    %add3A = vector.broadcast %get3A_14 : vector<1x256xf32> to vector<8192x256xf32>
    %add3A_15 = arith.addf %dot_general3A_11, %add3A : vector<8192x256xf32>
    %max3A = arith.constant 0.000000e+00 : f32
    %max3A_16 = vector.broadcast %max3A : f32 to vector<8192x256xf32>
    %max3A_17 = arith.maximumf %add3A_15, %max3A_16 : vector<8192x256xf32>
    %get3A_18 = arith.constant 0 : index
    %get3A_19 = arith.constant 0 : index
    %get3A_20 = vector.load %arg6[%get3A_18, %get3A_19] : memref<256x256xf32, #tpu.memory_space<vmem>>, vector<256x256xf32>
    %dot_general3A_21 = arith.constant dense<0.000000e+00> : vector<8192x256xf32>
    %dot_general3A_22 = tpu.matmul %max3A_17, %get3A_20, %dot_general3A_21 {dimension_numbers = #tpu.dot_dimension_numbers<[1], [0], [0], [1], [0, 0, 1, 1], [], []>, transpose_lhs_hint = false} : vector<8192x256xf32>, vector<256x256xf32>, vector<8192x256xf32> -> vector<8192x256xf32>
    %get3A_23 = arith.constant 0 : index
    %get3A_24 = arith.constant 0 : index
    %get3A_25 = vector.load %arg7[%get3A_23, %get3A_24] : memref<1x256xf32, #tpu.memory_space<vmem>>, vector<1x256xf32>
    %add3A_26 = vector.broadcast %get3A_25 : vector<1x256xf32> to vector<8192x256xf32>
    %add3A_27 = arith.addf %dot_general3A_22, %add3A_26 : vector<8192x256xf32>
    %max3A_28 = arith.constant 0.000000e+00 : f32
    %max3A_29 = vector.broadcast %max3A_28 : f32 to vector<8192x256xf32>
    %max3A_30 = arith.maximumf %add3A_27, %max3A_29 : vector<8192x256xf32>
    %get3A_31 = arith.constant 0 : index
    %get3A_32 = arith.constant 0 : index
    %get3A_33 = vector.load %arg8[%get3A_31, %get3A_32] : memref<256x10xf32, #tpu.memory_space<vmem>>, vector<256x10xf32>
    %dot_general3A_34 = arith.constant dense<0.000000e+00> : vector<8192x10xf32>
    %dot_general3A_35 = tpu.matmul %max3A_30, %get3A_33, %dot_general3A_34 {dimension_numbers = #tpu.dot_dimension_numbers<[1], [0], [0], [1], [0, 0, 1, 1], [], []>, transpose_lhs_hint = false} : vector<8192x256xf32>, vector<256x10xf32>, vector<8192x10xf32> -> vector<8192x10xf32>
    %get3A_36 = arith.constant 0 : index
    %get3A_37 = arith.constant 0 : index
    %get3A_38 = vector.load %arg9[%get3A_36, %get3A_37] : memref<1x10xf32, #tpu.memory_space<vmem>>, vector<1x10xf32>
    %add3A_39 = vector.broadcast %get3A_38 : vector<1x10xf32> to vector<8192x10xf32>
    %add3A_40 = arith.addf %dot_general3A_35, %add3A_39 : vector<8192x10xf32>
    %swap3A = arith.constant 0 : index
    %swap3A_41 = arith.constant 0 : index
    %swap3A_42 = vector.load %arg10[%swap3A, %swap3A_41] : memref<8192x10xf32, #tpu.memory_space<vmem>>, vector<8192x10xf32>
    tpu.vector_store %arg10[%swap3A, %swap3A_41], %add3A_40 {strides = array<i32>} : memref<8192x10xf32, #tpu.memory_space<vmem>>, vector<8192x10xf32>,
    return
  }
  func.func @transform_0(%arg0: i32) -> (i32, i32) {
    %c0_i32 = arith.constant 0 : i32
    %c0_i32_0 = arith.constant 0 : i32
    return %arg0, %c0_i32 : i32, i32
  }
  func.func @transform_1(%arg0: i32) -> (i32, i32) {
    %c0_i32 = arith.constant 0 : i32
    %c0_i32_0 = arith.constant 0 : i32
    return %arg0, %c0_i32 : i32, i32
  }
  func.func @transform_2(%arg0: i32) -> (i32, i32) {
    %c0_i32 = arith.constant 0 : i32
    %c0_i32_0 = arith.constant 0 : i32
    return %arg0, %c0_i32 : i32, i32
  }
  func.func @transform_3(%arg0: i32) -> (i32, i32) {
    %c0_i32 = arith.constant 0 : i32
    %c0_i32_0 = arith.constant 0 : i32
    %c0_i32_1 = arith.constant 0 : i32
    return %c0_i32, %c0_i32_0 : i32, i32
  }
  func.func @transform_4(%arg0: i32) -> (i32, i32) {
    %c0_i32 = arith.constant 0 : i32
    %c0_i32_0 = arith.constant 0 : i32
    %c0_i32_1 = arith.constant 0 : i32
    return %c0_i32, %c0_i32_0 : i32, i32
  }
  func.func @transform_5(%arg0: i32) -> (i32, i32) {
    %c0_i32 = arith.constant 0 : i32
    %c0_i32_0 = arith.constant 0 : i32
    %c0_i32_1 = arith.constant 0 : i32
    return %c0_i32, %c0_i32_0 : i32, i32
  }
  func.func @transform_6(%arg0: i32) -> (i32, i32) {
    %c0_i32 = arith.constant 0 : i32
    %c0_i32_0 = arith.constant 0 : i32
    %c0_i32_1 = arith.constant 0 : i32
    return %c0_i32, %c0_i32_0 : i32, i32
  }
  func.func @transform_7(%arg0: i32) -> (i32, i32) {
    %c0_i32 = arith.constant 0 : i32
    %c0_i32_0 = arith.constant 0 : i32
    %c0_i32_1 = arith.constant 0 : i32
    return %c0_i32, %c0_i32_0 : i32, i32
  }
  func.func @transform_8(%arg0: i32) -> (i32, i32) {
    %c0_i32 = arith.constant 0 : i32
    %c0_i32_0 = arith.constant 0 : i32
    %c0_i32_1 = arith.constant 0 : i32
    return %c0_i32, %c0_i32_0 : i32, i32
  }
  func.func @transform_9(%arg0: i32) -> (i32, i32) {
    %c0_i32 = arith.constant 0 : i32
    %c0_i32_0 = arith.constant 0 : i32
    return %arg0, %c0_i32 : i32, i32
  }
}

</mosaic_0001>

<sc_bundles>
// kernel: kernel.4.cloned.1.call-start
scs
__scs_entry_jumppad:
0x0: {  	(pc) =	sbr.rel $0x88, $3  }
0x1: {  	(tag) =	ssettag $0x0;
	lr =	simm.s32 $0x1  }
0x2: {  	[smem:$0x3F95] =	sst lr;
	_ =	strace $0xD0000000  }
0x3: {  	_ = 	snop  }
0x4: {  	_ = 	snop  }
0x5: {  	_ = 	snop  }
0x6: {  	_ = 	snop  }
0x7: {  	_ = 	snop  }
__scs_overlays_trampoline_lowered:
0x8: {  	[smem:$0x3FA4] =	sst s0  }
0x9: {  	[smem:$0x3FA5] =	sst s1  }
0xa: {  	[smem:$0x3FA6] =	sst s2  }
0xb: {  	[smem:$0x3FA7] =	sst s3  }
0xc: {  	[smem:$0x3FA8] =	sst s4  }
0xd: {  	[smem:$0x3FA9] =	sst s5  }
0xe: {  	[smem:$0x3FAA] =	sst s6  }
0xf: {  	[smem:$0x3FAB] =	sst s7  }
0x10: {  	[smem:$0x3FAC] =	sst s8  }
0x11: {  	[smem:$0x3FAD] =	sst s9;
	s0 =	simm.s32 @!p0 $0x0  }
0x12: {  	s1 =	sld [smem:$0x3F93];
	s0 =	simm.s32 @p0 $0x1  }
0x13: {  	[smem:$0x3FAE] =	sst s0;
	s0 =	simm.s32 @!p1 $0x0  }
0x14: {  	s2 =	sld [smem:$0x3F92];
	s0 =	simm.s32 @p1 $0x1  }
0x15: {  	[smem:$0x3FAF] =	sst s0;
	s0 =	simm.s32 @!p2 $0x0  }
0x16: {  	s3 =	sld [smem:$0x3FDB];
	s0 =	simm.s32 @p2 $0x1  }
0x17: {  	s4 =	simm.s32 $0x1BF5;
	[smem:$0x3FB1] =	sst s0  }
0x18: {  	s0 =	sld [smem:$0x3F94];
	_ =	swait.ge [sflag:s4], $0x0  }
0x19: {  	s7 =	sld [smem:$0x3F95]  }
0x1a: {  	s8 =	sadd.s32 $0xFFFFE003, lr  }
0x1b: {  	s9 =	sadd.s32 $0xFFFFFEF7, lr;
	s5 =	simm.s32 $0xFFFFFFFF;
	p2 =	slt.u32 s8, $0xFFFFF086  }
0x1c: {  	p1 =	slt.u32 s9, $0xF7A;
	s5 =	simm.s32 @!p2 $0x0  }
0x1d: {  	s5 =	simm.s32 @p1 $0x1;
	p0 =	seq.s32 s7, s2  }
0x1e: {  	s7 =	smul.u32 @!p0 $0xF7A, s2;
	p2 =	seq.s32 @!p0 s5, $0x0  }
0x1f: {  	s9 =	smul.u32 $0xF7A, s1;
	s8 =	simm.s32 @!p0 $0x1BF5;
	p2 =	por !p2, p0  }
0x20: {  	[sflag:s8] =	ssyncset.s32 @!p0 $0xFFFFF086;
	s6 =	sadd.s32 @!p0 s3, s7;
	s7 =	simm.s32 @!p0 $0x108  }
0x21: {  	s3 =	sadd.s32 s3, s9;
	s6 =	sadd.s32 @!p0 $0x88, s6;
	s7 =	simm.s32 @p2 $0x1082  }
0x22: {  	[simem:s7], [sflag:s8] =	dma.local @!p0 [hbm:s6], $0xF7A  }
0x23: {  	s9 =	sor.u32 $0xD0000000, s2;
	s6 =	simm.s32 $0x108;
	_ =	swait.ge @!p0 [sflag:s8], $0x0  }
0x24: {  	s3 =	sadd.s32 $0x88, s3;
	s6 =	simm.s32 @!p1 $0x1082;
	[sflag:s4] =	ssyncset.s32 $0xFFFFF086  }
0x25: {  	[simem:s6], [sflag:s4] =	dma.local [hbm:s3], $0xF7A  }
0x26: {  	[smem:$0x3F95] =	sst s1;
	(tag) =	ssettag s2;
	_ =	strace s9  }
0x27: {  	s1 =	sld [smem:$0x3FA5]  }
0x28: {  	s2 =	sld [smem:$0x3FA6]  }
0x29: {  	s4 =	sld [smem:$0x3FA8]  }
0x2a: {  	p0 =	seq.s32 s5, $0x0;
	s5 =	sld [smem:$0x3FA9]  }
0x2b: {  	s6 =	sld [smem:$0x3FAA]  }
0x2c: {  	s7 =	sld [smem:$0x3FAB]  }
0x2d: {  	s3 =	simm.s32 $0x108;
	s8 =	sld [smem:$0x3FAC]  }
0x2e: {  	s3 =	simm.s32 @!p0 $0x1082;
	s9 =	sld [smem:$0x3FAD]  }
0x2f: {  	lr =	sadd.s32 s0, s3;
	s0 =	sld [smem:$0x3FA4]  }
0x30: {  	s3 =	sld [smem:$0x3FA7]  }
0x31: {  	[smem:$0x3FB0] =	sst s10  }
0x32: {  	s10 =	sld [smem:$0x3FAE];
	_ =	sdelay $0x3  }
0x33: {  	p0 =	seq.s32 s10, $0x1;
	s10 =	sld [smem:$0x3FB0];
	_ =	sdelay $0x3  }
0x34: {  	[smem:$0x3FB0] =	sst s10  }
0x35: {  	s10 =	sld [smem:$0x3FAF];
	_ =	sdelay $0x3  }
0x36: {  	p1 =	seq.s32 s10, $0x1;
	s10 =	sld [smem:$0x3FB0];
	_ =	sdelay $0x3  }
0x37: {  	[smem:$0x3FB0] =	sst s10  }
0x38: {  	s10 =	sld [smem:$0x3FB1]  }
0x39: {  	_ = 	snop;
	(pc) =	sbr.ind lr, $3  }
0x3a: {  	_ = 	snop  }
0x3b: {  	_ = 	snop  }
0x3c: {  	p2 =	seq.s32 s10, $0x1;
	s10 =	sld [smem:$0x3FB0]  }
0x3d: {  	_ =	shalt  }
0x3e: {  	_ =	shalt  }
0x3f: {  	_ =	shalt  }
0x40: {  	_ =	shalt  }
0x41: {  	_ =	shalt  }
0x42: {  	_ =	shalt  }
0x43: {  	_ =	shalt  }
0x44: {  	_ =	shalt  }
0x45: {  	_ =	shalt  }
0x46: {  	_ =	shalt  }
0x47: {  	_ =	shalt  }
0x48: {  	_ =	shalt  }
0x49: {  	_ =	shalt  }
0x4a: {  	_ =	shalt  }
0x4b: {  	_ =	shalt  }
0x4c: {  	_ =	shalt  }
0x4d: {  	_ =	shalt  }
0x4e: {  	_ =	shalt  }
0x4f: {  	_ =	shalt  }
0x50: {  	_ =	shalt  }
0x51: {  	_ =	shalt  }
0x52: {  	_ =	shalt  }
0x53: {  	_ =	shalt  }
0x54: {  	_ =	shalt  }
0x55: {  	_ =	shalt  }
0x56: {  	_ =	shalt  }
0x57: {  	_ =	shalt  }
0x58: {  	_ =	shalt  }
0x59: {  	_ =	shalt  }
0x5a: {  	_ =	shalt  }
0x5b: {  	_ =	shalt  }
0x5c: {  	_ =	shalt  }
0x5d: {  	_ =	shalt  }
0x5e: {  	_ =	shalt  }
0x5f: {  	_ =	shalt  }
0x60: {  	_ =	shalt  }
0x61: {  	_ =	shalt  }
0x62: {  	_ =	shalt  }
0x63: {  	_ =	shalt  }
0x64: {  	_ =	shalt  }
0x65: {  	_ =	shalt  }
0x66: {  	_ =	shalt  }
0x67: {  	_ =	shalt  }
0x68: {  	_ =	shalt  }
0x69: {  	_ =	shalt  }
0x6a: {  	_ =	shalt  }
0x6b: {  	_ =	shalt  }
0x6c: {  	_ =	shalt  }
0x6d: {  	_ =	shalt  }
0x6e: {  	_ =	shalt  }
0x6f: {  	_ =	shalt  }
0x70: {  	_ =	shalt  }
0x71: {  	_ =	shalt  }
0x72: {  	_ =	shalt  }
0x73: {  	_ =	shalt  }
0x74: {  	_ =	shalt  }
0x75: {  	_ =	shalt  }
0x76: {  	_ =	shalt  }
0x77: {  	_ =	shalt  }
0x78: {  	_ =	shalt  }
0x79: {  	_ =	shalt  }
0x7a: {  	_ =	shalt  }
0x7b: {  	_ =	shalt  }
0x7c: {  	_ =	shalt  }
0x7d: {  	_ =	shalt  }
0x7e: {  	_ =	shalt  }
0x7f: {  	_ =	shalt  }
0x80: {  	_ =	shalt  }
0x81: {  	_ =	shalt  }
0x82: {  	_ =	shalt  }
0x83: {  	_ =	shalt  }
0x84: {  	_ =	shalt  }
0x85: {  	_ =	shalt  }
0x86: {  	_ =	shalt  }
0x87: {  	_ =	shalt  }
.Lfunc_end0:
.L_simem_size_0:
called_computation_lowered:
.L_overlay_start_0:
0x88: {  	s2 =	sld [smem:$0x3FD9]  }
0x89: {  	s3 =	sld [smem:$0x3FFE];
	_ =	sdelay $0x1  }
0x8a: {  	s1 =	srdreg.scid  }
0x8b: {  	s0 =	sand.u32 $0x1, s1  }
0x8c: {  	s17 =	sshll.u32 s0, $0xA;
	s2 =	sadd.s32 s3, s2  }
0x8d: {  	s2 =	sadd.s32 s2, s17  }
0x8e: {  	[smem:$0x3FBC] =	sst s2  }
0x8f: {  	_ = 	snop  }
0x90: {  	s2 =	sld [smem:$0x3FC9]  }
0x91: {  	s18 =	sld [smem:$0x3FC8]  }
0x92: {  	s4 =	sld [smem:$0x3FC7]  }
0x93: {  	s5 =	sld [smem:$0x3FD0];
	(tm) =	ssettm $0x1  }
0x94: {  	s6 =	sld [smem:$0x3FFB];
	_ =	sdelay $0x3  }
0x95: {  	_ =	strace s6  }
0x96: {  	s6 =	sld [smem:$0x3FFC];
	_ =	sdelay $0x3  }
0x97: {  	_ =	strace s6  }
0x98: {  	s6 =	sld [smem:$0x3FFD];
	_ =	sdelay $0x3  }
0x99: {  	_ =	strace s6  }
0x9a: {  	_ =	strace $0x8FFFFFFF  }
0x9b: {  	s19 =	sld [smem:$0x3FDB];
	_ =	sdelay $0x1  }
0x9c: {  	s7 =	simm.s32 $_scs_section_size  }
0x9d: {  	s8 =	simm.s32 $_size__tile_overlayer_lowered;
	s9 =	simm.s32 $_tile_overlayer_lowered  }
0x9e: {  	s22 =	simm.s32 $0x1BFF;
	s21 =	sshll.u32 s9, $0x1;
	s6 =	sadd.s32 s7, s19  }
0x9f: {  	s10 =	simm.s32 $0x0;
	s20 =	sshll.u32 s8, $0x1;
	s8 =	sadd.s32 s21, s6  }
0xa0: {  	[timem:s10], [sflag:s22] =	dma.local [hbm:s8], s20  }
0xa1: {  	_ =	swait.ge [sflag:s22], s20  }
0xa2: {  	s7 =	ssub.s32 $0x0, s20;
	[sflag:s22] =	ssyncset.done $0x0  }
0xa3: {  	[sflag:s22] =	ssyncadd.s32 s7;
	_ =	sdelay $0x1  }
0xa4: {  	s23 =	simm.s32 $0x1B8B  }
0xa5: {  	_ =	swait.ge [sflag:s23], $0x1  }
0xa6: {  	[sflag:s23] =	ssyncset.done $0x0  }
0xa7: {  	s25 =	simm.s32 $0x1B8E;
	s24 =	sld [smem:$0x3FFE];
	[sflag:s23] =	ssyncadd.s32 $0xFFFFFFFF  }
0xa8: {  	s26 =	simm.s32 $execute0_lowered;
	[smem:$0x3FD2] =	sst s25  }
0xa9: {  	s8 =	sshll.u32 s26, $0x1;
	_ =	strace $0x80000046;
	[dreg:$0x1] =	wrdreg $0xFFFFFFFF  }
0xaa: {  	s28 =	simm.s32 $_size_execute0_lowered;
	s6 =	sadd.s32 s6, s8;
	[dreg:$0x0] =	wrdreg $0x0  }
0xab: {  	s8 =	sshll.u32 s28, $0x1;
	[dreg:$0x2] =	wrdreg s6  }
0xac: {  	[dreg:$0x3] =	wrdreg s8  }
0xad: {  	[dreg:$0x4] =	wrdreg $0xC0  }
0xae: {  	_ =	task [dreg:s10], $0x5FFFF  }
0xaf: {  	[dreg:$0x1] =	wrdreg $0xFFFFFFFF  }
0xb0: {  	[dreg:$0x0] =	wrdreg $0x60  }
0xb1: {  	[dreg:$0x2] =	wrdreg s2  }
0xb2: {  	[dreg:$0x3] =	wrdreg s18  }
0xb3: {  	[dreg:$0x4] =	wrdreg s4  }
0xb4: {  	[dreg:$0x5] =	wrdreg s24  }
0xb5: {  	[dreg:$0x6] =	wrdreg s5  }
0xb6: {  	[dreg:$0x7] =	wrdreg $0x9  }
0xb7: {  	_ =	task.clear_ibuf [dreg:s10], $0x8FFFF;
	_ =	strace $0x90000046  }
0xb8: {  	s29 =	simm.s32 $0x9;
	_ =	strace $0x80000048  }
0xb9: {  	_ =	swait.ge [sflag:s29], $0x1  }
0xba: {  	[sflag:s29] =	ssyncadd.s32 $0xFFFFFFFF  }
0xbb: {  	_ =	strace $0x90000048  }
0xbc: {  	_ =	sfence  }
0xbd: {  	s30 =	sld [smem:$0x0];
	_ =	sdelay $0x2  }
0xbe: {  	s31 =	sshll.u32 s1, $0xD;
	s1 =	sshrl.u32 s1, $0x2  }
0xbf: {  	s3 =	sand.u32 $0x4000, s31;
	s1 =	sadd.s32 s1, s30  }
0xc0: {  	s0 =	sor.u32 s3, s0;
	s1 =	sshll.u32 s1, $0x11  }
0xc1: {  	s0 =	sor.u32 s1, s0  }
0xc2: {  	s0 =	sadd.s32 $0x8F2B, s0  }
0xc3: {  	[sflag:s0] =	ssyncadd.remote.s32 $0x1  }
0xc4: {  	_ =	sfence.sel $0xFFFF  }
0xc5: {  	[dreg:$0x0] =	wrdreg $0xFFFFFFFF;
	(pc) =	sbr.abs _section_cstart, $3  }
0xc6: {  	[dreg:$0x1] =	wrdreg $0xFFFFFFFF  }
0xc7: {  	_ =	task.clear_ibuf [dreg:s10], $0x2FFFF;
	_ =	strace $0x9FFFFFFF  }
0xc8: {  	(tm) =	ssettm $0x7FFFFFFF  }
0xc9: {  	_ =	shalt  }
tec
execute0_lowered:
.L_overlay_start_1:
0x0: {  	(tag) =	ssettag $0x1  }
0x1: {  	s0 =	rddreg [dreg:$0x0]  }
0x2: {  	s1 =	rddreg [dreg:$0x1]  }
0x3: {  	s6 =	rddreg [dreg:$0x2];
	s4 =	srdreg.scid  }
0x4: {  	s7 =	rddreg [dreg:$0x3];
	s5 =	stileid.u32;
	s8 =	sand.u32 $0x1, s4  }
0x5: {  	s2 =	rddreg [dreg:$0x4];
	s5 =	sshll.u32 s5, $0xA;
	s9 =	sshll.u32 s8, $0x9  }
0x6: {  	s3 =	simm.s32 $0x0;
	s13 =	simm.s32 $0x2;
	s9 =	sor.u32 s9, s5  }
0x7: {  	[smem:$0x7FF] =	sst s3;
	s8 =	ssub.s32 $0x2, s8;
	s24 =	sshrl.u32 s9, $0x3  }
0x8: {  	_ =	strace $0x80000047;
	s23 =	sshrl.u32 s8, $0x1;
	s0 =	sadd.s32 s0, s24  }
0x9: {  	s10 =	sshll.u32 s9, $0x4;
	s26 =	sadd.s32 s1, s24;
	[dreg:$0x6] =	wrdreg s0  }
0xa: {  	vm0 =	vmmov $0x1;
	s12 =	ssub.s32 s8, s23;
	s29 =	sadd.s32 s6, s24;
	[dreg:$0x8] =	wrdreg s26  }
0xb: {  	vm1 =	vcmask $0x308;
	vm2 =	vcmask $0x70C;
	vm3 =	vcmask $0xB10;
	s11 =	sadd.s32 s10, s7;
	s31 =	smax.u32 s12, $0x1;
	[dreg:$0xa] =	wrdreg s29  }
0xc: {  	vm4 =	vcmask $0xF14;
	vm5 =	vcmask $0x1318;
	vm6 =	vcmask $0x171C;
	s14 =	simm.s32 $0x1;
	s25 =	sadd.s32 $0x10CA800, s11;
	[dreg:$0xc] =	wrdreg s31  }
0xd: {  	vm7 =	vcmask $0x1B20;
	vm8 =	vcmask $0x1F24;
	vm9 =	vcmask $0x2328;
	s15 =	simm.s32 $0x200;
	s28 =	sadd.s32 $0x110A800, s11;
	[dreg:$0x7] =	wrdreg s25  }
0xe: {  	vm10 =	vcmask $0x272C;
	vm11 =	vcmask $0x2B30;
	vm12 =	vcmask $0x2F34;
	s16 =	simm.s32 $0x0;
	s30 =	sadd.s32 $0x114A800, s11;
	[dreg:$0x9] =	wrdreg s28  }
0xf: {  	vm13 =	vcmask $0x3338;
	vm14 =	vcmask $0x373C;
	vm15 =	vmmov $0x7fff;
	s4 =	sadd.s32 $0x1A00, s7;
	s5 =	sadd.s32 $0xF43E00, s7;
	[dreg:$0xb] =	wrdreg s30  }
.LBB2_1:
0x10: {  	s0 =	rddreg [dreg:$0x6]  }
0x11: {  	[tilespmem:s3], [sflag:$0x2] =	stream.linear.gather [hbm4b:s0+s3], $0x200, $0x38;
	[tilespmem:$0x10200] =	vst v63  }
0x12: {  	_ =	swait.ge [sflag:s13], $0x200  }
0x13: {  	[sflag:s13] =	ssyncset.done $0x0  }
0x14: {  	[sflag:s13] =	ssyncadd.s32 $0xFFFFFE00  }
0x15: {  	v0 =	vld [tilespmem:s3+$0x0];
	_ =	sdelay $0x4  }
0x16: {  	v1 =	vnsel vm0, $0x0, v0  }
0x17: {  	v2 =	vsel vm2, $0x0, v0;
	(xrf0) =	vadd.scan.msk.s32 $0xffff, v1  }
0x18: {  	v40 =	vsel vm3, $0x0, v0;
	(xrf0) =	vadd.scan.msk.s32 $0xffff, v2  }
0x19: {  	v41 =	vsel vm1, $0x0, v0;
	(xrf0) =	vadd.scan.msk.s32 $0xffff, v40  }
0x1a: {  	(xrf0) =	vadd.scan.msk.s32 $0xffff, v41;
	_ =	sdelay $0x2  }
0x1b: {  	v42, _, _ =	vpop (xrf0)  }
0x1c: {  	v43 =	vsel vm8, $0x0, v0;
	(v2sf) =	vpush v42, $0xF;
	v44, _, _ =	vpop (xrf0)  }
0x1d: {  	v3 =	vsel vm9, $0x0, v0;
	(xrf0) =	vadd.scan.msk.s32 $0xffff, v43;
	(v2sf) =	vpush v44, $0xF;
	v45, _, _ =	vpop (xrf0)  }
0x1e: {  	v46 =	vsel vm5, $0x0, v0;
	(xrf0) =	vadd.scan.msk.s32 $0xffff, v3;
	v47, _, _ =	vpop (xrf0);
	(v2sf) =	vpush v45, $0xF  }
0x1f: {  	v48 =	vsel vm4, $0x0, v0;
	(xrf0) =	vadd.scan.msk.s32 $0xffff, v46;
	(v2sf) =	vpush v47, $0xF  }
0x20: {  	(xrf0) =	vadd.scan.msk.s32 $0xffff, v48;
	_ =	sdelay $0x1  }
0x21: {  	v49 =	vsel vm10, $0x0, v0  }
0x22: {  	v50 =	vsel vm11, $0x0, v0;
	(xrf0) =	vadd.scan.msk.s32 $0xffff, v49;
	v51, _, _ =	vpop (xrf0)  }
0x23: {  	v52 =	vsel vm12, $0x0, v0;
	(xrf0) =	vadd.scan.msk.s32 $0xffff, v50;
	v53, _, _ =	vpop (xrf0)  }
0x24: {  	v4 =	vsel vm13, $0x0, v0;
	(xrf0) =	vadd.scan.msk.s32 $0xffff, v52;
	(v2sf) =	vpush v51, $0xF;
	v54, _, _ =	vpop (xrf0)  }
0x25: {  	v55 =	vsel vm14, $0x0, v0;
	(xrf0) =	vadd.scan.msk.s32 $0xffff, v4;
	v56, _, _ =	vpop (xrf0)  }
0x26: {  	v5 =	vsel vm6, $0x0, v0;
	(xrf0) =	vadd.scan.msk.s32 $0xffff, v55;
	(v2sf) =	vpush v56, $0xF  }
0x27: {  	v57 =	vsel vm7, $0x0, v0;
	(xrf0) =	vadd.scan.msk.s32 $0xffff, v5  }
0x28: {  	s17 =	simm.s32 $0x2000;
	s18 =	simm.s32 $0x0;
	s10 =	simm.s32 $0x300;
	(xrf0) =	vadd.scan.msk.s32 $0xffff, v57;
	v58, _, _ =	vpop (xrf0);
	(v2sf) =	vpush v54, $0xF  }
0x29: {  	s1 =	simm.s32 $0x400;
	s22 =	simm.s32 $0x580;
	s6 =	simm.s32 $0x200;
	v59, _, _ =	vpop (xrf0)  }
0x2a: {  	s26 =	simm.s32 $0x280;
	s23 =	simm.s32 $0x500;
	(v2sf) =	vpush v58, $0xF;
	v60, _, _ =	vpop (xrf0);
	s19 =	spop (v2sf)  }
0x2b: {  	s28 =	simm.s32 $0x480;
	v61, _, _ =	vpop (xrf0);
	s19 =	sshll.u32 s19, $0x4;
	s29 =	spop (v2sf)  }
0x2c: {  	s21 =	simm.s32 $0x800;
	v62, _, _ =	vpop (xrf0);
	(v2sf) =	vpush v53, $0xF;
	s19 =	sand.u32 $0x1FFFFFF0, s19;
	s30 =	spop (v2sf)  }
0x2d: {  	s20 =	simm.s32 $0x880;
	v63, _, _ =	vpop (xrf0);
	s19 =	sadd.s32 s4, s19;
	s24 =	spop (v2sf)  }
0x2e: {  	v6, _, _ =	vpop (xrf0);
	(v2sf) =	vpush v63, $0xF;
	[tilespmem:s6], [sflag:$0x1] =	stream.linear.gather [hbm4b:s19+s3], $0x80, $0x38;
	[tilespmem:$0x10200] =	vst v63  }
0x2f: {  	s25 =	simm.s32 $0x700;
	(v2sf) =	vpush v6, $0xF;
	s29 =	sshll.u32 s29, $0x4;
	s11 =	sshll.u32 s24, $0x4  }
0x30: {  	s31 =	simm.s32 $0x600;
	s29 =	sand.u32 $0x1FFFFFF0, s29;
	s6 =	sand.u32 $0x1FFFFFF0, s11  }
0x31: {  	s30 =	sshll.u32 s30, $0x4;
	(v2sf) =	vpush v59, $0xF;
	s19 =	simm.s32 $0x10;
	s6 =	sadd.s32 s4, s6  }
0x32: {  	[tilespmem:s26], [sflag:$0x1] =	stream.linear.gather [hbm4b:s6+s3], $0x80, $0x38;
	[tilespmem:$0x10200] =	vst v63  }
0x33: {  	s30 =	sand.u32 $0x1FFFFFF0, s30;
	s29 =	sadd.s32 s4, s29;
	s12 =	spop (v2sf)  }
0x34: {  	v0 =	vsel vm15, $0x0, v0;
	[tilespmem:s10], [sflag:$0x1] =	stream.linear.gather [hbm4b:s29+s3], $0x80, $0x38;
	[tilespmem:$0x10200] =	vst v63  }
0x35: {  	(xrf0) =	vadd.scan.msk.s32 $0xffff, v0;
	(v2sf) =	vpush v60, $0xF;
	s26 =	sadd.s32 s4, s30;
	s29 =	simm.s32 $0x380;
	s7 =	spop (v2sf)  }
0x36: {  	[tilespmem:s29], [sflag:$0x1] =	stream.linear.gather [hbm4b:s26+s3], $0x80, $0x38;
	[tilespmem:$0x10200] =	vst v63  }
0x37: {  	s24 =	simm.s32 $0x780;
	(v2sf) =	vpush v61, $0xF;
	s0 =	sshll.u32 s7, $0x4;
	s29 =	spop (v2sf)  }
0x38: {  	s6 =	sshll.u32 s12, $0x4;
	s0 =	sand.u32 $0x1FFFFFF0, s0;
	s29 =	sshll.u32 s29, $0x4  }
0x39: {  	s8 =	spop (v2sf);
	s29 =	sand.u32 $0x1FFFFFF0, s29;
	s0 =	sadd.s32 s4, s0  }
0x3a: {  	[tilespmem:s1], [sflag:$0x1] =	stream.linear.gather [hbm4b:s0+s3], $0x80, $0x38;
	[tilespmem:$0x10200] =	vst v63  }
0x3b: {  	s26 =	simm.s32 $0x680;
	s9 =	sadd.s32 s4, s29;
	s7 =	spop (v2sf);
	(v2sf) =	vpush v62, $0xF  }
0x3c: {  	v0, _, _ =	vpop (xrf0);
	[tilespmem:s28], [sflag:$0x1] =	stream.linear.gather [hbm4b:s9+s3], $0x80, $0x38;
	[tilespmem:$0x10200] =	vst v63  }
0x3d: {  	s10 =	sshll.u32 s8, $0x4;
	s0 =	sand.u32 $0x1FFFFFF0, s6;
	s11 =	spop (v2sf);
	(v2sf) =	vpush v0, $0xF  }
0x3e: {  	s1 =	sand.u32 $0x1FFFFFF0, s10;
	s6 =	sshll.u32 s11, $0x4;
	s12 =	spop (v2sf)  }
0x3f: {  	s29 =	sshll.u32 s7, $0x4;
	s28 =	sand.u32 $0x1FFFFFF0, s6;
	s6 =	sshll.u32 s12, $0x4  }
.LBB2_2:
0x40: {  	s7 =	sadd.s32 s4, s28;
	s6 =	sand.u32 $0x1FFFFFF0, s6;
	s28 =	spop (v2sf)  }
0x41: {  	[tilespmem:s23], [sflag:$0x1] =	stream.linear.gather [hbm4b:s7+s3], $0x80, $0x38;
	[tilespmem:$0x10200] =	vst v63  }
0x42: {  	s6 =	sadd.s32 s4, s6;
	s7 =	sand.u32 $0x1FFFFFF0, s29;
	s23 =	sshll.u32 s28, $0x4  }
0x43: {  	[tilespmem:s22], [sflag:$0x1] =	stream.linear.gather [hbm4b:s6+s3], $0x80, $0x38;
	[tilespmem:$0x10200] =	vst v63  }
0x44: {  	s0 =	sadd.s32 s4, s0;
	s6 =	sand.u32 $0x1FFFFFF0, s23;
	s22 =	spop (v2sf)  }
0x45: {  	[tilespmem:s31], [sflag:$0x1] =	stream.linear.gather [hbm4b:s0+s3], $0x80, $0x38;
	[tilespmem:$0x10200] =	vst v63  }
0x46: {  	s0 =	sadd.s32 s4, s7;
	s7 =	sshll.u32 s22, $0x4;
	s22 =	spop (v2sf)  }
0x47: {  	[tilespmem:s26], [sflag:$0x1] =	stream.linear.gather [hbm4b:s0+s3], $0x80, $0x38;
	[tilespmem:$0x10200] =	vst v63  }
0x48: {  	s0 =	sadd.s32 s4, s1;
	s1 =	sand.u32 $0x1FFFFFF0, s7;
	s7 =	sshll.u32 s22, $0x4  }
0x49: {  	[tilespmem:s25], [sflag:$0x1] =	stream.linear.gather [hbm4b:s0+s3], $0x80, $0x38;
	[tilespmem:$0x10200] =	vst v63  }
0x4a: {  	s0 =	sadd.s32 s4, s6;
	s6 =	sand.u32 $0x1FFFFFF0, s7;
	s7 =	spop (v2sf)  }
0x4b: {  	[tilespmem:s24], [sflag:$0x1] =	stream.linear.gather [hbm4b:s0+s3], $0x80, $0x38;
	[tilespmem:$0x10200] =	vst v63  }
0x4c: {  	s0 =	sadd.s32 s4, s1;
	s1 =	sshll.u32 s7, $0x4;
	s7 =	spop (v2sf)  }
0x4d: {  	[tilespmem:s21], [sflag:$0x1] =	stream.linear.gather [hbm4b:s0+s3], $0x80, $0x38;
	[tilespmem:$0x10200] =	vst v63  }
0x4e: {  	s1 =	sand.u32 $0x1FFFFFF0, s1;
	s0 =	sadd.s32 s4, s6;
	s6 =	sshll.u32 s7, $0x4  }
0x4f: {  	[tilespmem:s20], [sflag:$0x1] =	stream.linear.gather [hbm4b:s0+s3], $0x80, $0x38;
	[tilespmem:$0x10200] =	vst v63  }
0x50: {  	s1 =	sadd.s32 s4, s1;
	s6 =	sand.u32 $0x1FFFFFF0, s6;
	s0 =	sadd.s32 $0x900, s18  }
0x51: {  	[tilespmem:s0], [sflag:$0x1] =	stream.linear.gather [hbm4b:s1+s3], $0x80, $0x38;
	[tilespmem:$0x10200] =	vst v63  }
0x52: {  	p0 =	sne.s32 s17, $0x3E000;
	s0 =	sadd.s32 $0x980, s18;
	s1 =	sadd.s32 s4, s6  }
0x53: {  	[tilespmem:s0], [sflag:$0x1] =	stream.linear.gather [hbm4b:s1+s3], $0x80, $0x38;
	[tilespmem:$0x10200] =	vst v63  }
0x54: {  	s0 =	smov.u32 s17;
	s17 =	sadd.s32 $0x2000, s17;
	v0 =	vld [tilespmem:s19+$0x0];
	_ =	sdelay $0x4  }
0x55: {  	v1 =	vnsel vm0, $0x0, v0;
	v2 =	vsel vm3, $0x0, v0;
	v3 =	vsel vm14, $0x0, v0  }
0x56: {  	v4 =	vsel vm2, $0x0, v0;
	v5 =	vsel vm15, $0x0, v0;
	(xrf0) =	vadd.scan.msk.s32 $0xffff, v1  }
0x57: {  	v6 =	vsel vm6, $0x0, v0;
	v1 =	vsel vm1, $0x0, v0;
	(xrf0) =	vadd.scan.msk.s32 $0xffff, v4  }
0x58: {  	v4 =	vsel vm7, $0x0, v0;
	(xrf0) =	vadd.scan.msk.s32 $0xffff, v2  }
0x59: {  	v2 =	vsel vm8, $0x0, v0;
	(xrf0) =	vadd.scan.msk.s32 $0xffff, v1  }
0x5a: {  	v1 =	vsel vm9, $0x0, v0;
	(xrf0) =	vadd.scan.msk.s32 $0xffff, v2  }
0x5b: {  	v2 =	vsel vm5, $0x0, v0;
	(xrf0) =	vadd.scan.msk.s32 $0xffff, v1  }
0x5c: {  	v1 =	vsel vm4, $0x0, v0;
	v7, _, _ =	vpop (xrf0);
	(xrf0) =	vadd.scan.msk.s32 $0xffff, v2  }
0x5d: {  	v2 =	vsel vm10, $0x0, v0;
	(v2sf) =	vpush v7, $0xF;
	v7, _, _ =	vpop (xrf0);
	(xrf0) =	vadd.scan.msk.s32 $0xffff, v1  }
0x5e: {  	v9 =	vsel vm11, $0x0, v0;
	(v2sf) =	vpush v7, $0xF;
	v7, _, _ =	vpop (xrf0);
	(xrf0) =	vadd.scan.msk.s32 $0xffff, v2  }
0x5f: {  	s18 =	sshra.s32 s0, $0x2;
	v2 =	vsel vm12, $0x0, v0;
	v8, _, _ =	vpop (xrf0);
	(v2sf) =	vpush v7, $0xF;
	(xrf0) =	vadd.scan.msk.s32 $0xffff, v9  }
0x60: {  	s29 =	sadd.s32 $0x300, s18;
	v7 =	vsel vm13, $0x0, v0;
	(v2sf) =	vpush v8, $0xF;
	v1, _, _ =	vpop (xrf0);
	(xrf0) =	vadd.scan.msk.s32 $0xffff, v2  }
0x61: {  	s28 =	sadd.s32 $0x400, s18;
	s22 =	sadd.s32 $0x580, s18;
	(v2sf) =	vpush v1, $0xF;
	v1, _, _ =	vpop (xrf0);
	(xrf0) =	vadd.scan.msk.s32 $0xffff, v7  }
0x62: {  	s0 =	sadd.s32 $0x200, s18;
	s1 =	sadd.s32 $0x280, s18;
	v0, _, _ =	vpop (xrf0);
	(xrf0) =	vadd.scan.msk.s32 $0xffff, v3  }
0x63: {  	s23 =	sadd.s32 $0x500, s18;
	v2, _, _ =	vpop (xrf0);
	(xrf0) =	vadd.scan.msk.s32 $0xffff, v6  }
0x64: {  	s30 =	sadd.s32 $0x480, s18;
	(v2sf) =	vpush v2, $0xF;
	(xrf0) =	vadd.scan.msk.s32 $0xffff, v4;
	v2, _, _ =	vpop (xrf0)  }
0x65: {  	(v2sf) =	vpush v0, $0xF;
	v0, _, _ =	vpop (xrf0);
	(xrf0) =	vadd.scan.msk.s32 $0xffff, v5  }
0x66: {  	(v2sf) =	vpush v2, $0xF;
	v2, _, _ =	vpop (xrf0)  }
0x67: {  	v3, _, _ =	vpop (xrf0)  }
0x68: {  	v4, _, _ =	vpop (xrf0)  }
0x69: {  	v5, _, _ =	vpop (xrf0);
	(v2sf) =	vpush v1, $0xF  }
0x6a: {  	v1, _, _ =	vpop (xrf0)  }
0x6b: {  	s19 =	sadd.s32 $0x10, s19;
	s21 =	sadd.s32 $0x800, s18;
	s20 =	sadd.s32 $0x880, s18;
	(v2sf) =	vpush v5, $0xF;
	v5, _, _ =	vpop (xrf0)  }
0x6c: {  	s25 =	sadd.s32 $0x700, s18;
	s24 =	sadd.s32 $0x780, s18;
	s6 =	spop (v2sf)  }
0x6d: {  	s26 =	sadd.s32 $0x680, s18;
	s6 =	sshll.u32 s6, $0x4;
	s7 =	spop (v2sf);
	(v2sf) =	vpush v1, $0xF  }
0x6e: {  	s6 =	sand.u32 $0x1FFFFFF0, s6;
	s7 =	sshll.u32 s7, $0x4;
	s31 =	spop (v2sf)  }
0x6f: {  	s6 =	sadd.s32 s4, s6;
	s7 =	sand.u32 $0x1FFFFFF0, s7;
	s8 =	spop (v2sf)  }
0x70: {  	s31 =	sshll.u32 s31, $0x4;
	s8 =	sshll.u32 s8, $0x4;
	s9 =	spop (v2sf)  }
0x71: {  	s10 =	sand.u32 $0x1FFFFFF0, s31;
	s8 =	sand.u32 $0x1FFFFFF0, s8;
	s9 =	sshll.u32 s9, $0x4;
	(v2sf) =	vpush v0, $0xF  }
0x72: {  	[tilespmem:s0], [sflag:$0x1] =	stream.linear.gather [hbm4b:s6+s3], $0x80, $0x38;
	[tilespmem:$0x10200] =	vst v63  }
0x73: {  	s31 =	sadd.s32 $0x600, s18;
	s0 =	sand.u32 $0x1FFFFFF0, s9;
	s6 =	spop (v2sf)  }
0x74: {  	s9 =	sadd.s32 $0x380, s18;
	s6 =	sshll.u32 s6, $0x4;
	s11 =	spop (v2sf)  }
0x75: {  	s6 =	sand.u32 $0x1FFFFFF0, s6;
	s11 =	sshll.u32 s11, $0x4;
	s12 =	spop (v2sf);
	(v2sf) =	vpush v2, $0xF  }
0x76: {  	s8 =	sadd.s32 s4, s8;
	s11 =	sand.u32 $0x1FFFFFF0, s11;
	s12 =	sshll.u32 s12, $0x4  }
0x77: {  	[tilespmem:s1], [sflag:$0x1] =	stream.linear.gather [hbm4b:s8+s3], $0x80, $0x38;
	(v2sf) =	vpush v3, $0xF;
	[tilespmem:$0x10200] =	vst v63  }
0x78: {  	s7 =	sadd.s32 s4, s7;
	s1 =	sand.u32 $0x1FFFFFF0, s12;
	s8 =	spop (v2sf)  }
0x79: {  	[tilespmem:s29], [sflag:$0x1] =	stream.linear.gather [hbm4b:s7+s3], $0x80, $0x38;
	[tilespmem:$0x10200] =	vst v63  }
0x7a: {  	s7 =	sadd.s32 s4, s10;
	s29 =	sshll.u32 s8, $0x4;
	s8 =	spop (v2sf)  }
0x7b: {  	[tilespmem:s9], [sflag:$0x1] =	stream.linear.gather [hbm4b:s7+s3], $0x80, $0x38;
	[tilespmem:$0x10200] =	vst v63  }
.Ltmp0:
0x7c: {  	(v2sf) =	vpush v4, $0xF;
	(pc) =	sbr.rel @p0 .LBB2_2-.Ltmp0, $4  }
0x7d: {  	s6 =	sadd.s32 s4, s6;
	s7 =	sshll.u32 s8, $0x4;
	s8 =	spop (v2sf)  }
0x7e: {  	[tilespmem:s28], [sflag:$0x1] =	stream.linear.gather [hbm4b:s6+s3], $0x80, $0x38;
	(v2sf) =	vpush v5, $0xF;
	[tilespmem:$0x10200] =	vst v63  }
0x7f: {  	s9 =	sadd.s32 s4, s11;
	s28 =	sand.u32 $0x1FFFFFF0, s7;
	s6 =	sshll.u32 s8, $0x4  }
0x80: {  	[tilespmem:s30], [sflag:$0x1] =	stream.linear.gather [hbm4b:s9+s3], $0x80, $0x38;
	[tilespmem:$0x10200] =	vst v63  }
0x81: {  	s7 =	sadd.s32 s4, s28;
	s6 =	sand.u32 $0x1FFFFFF0, s6;
	s8 =	spop (v2sf)  }
0x82: {  	[tilespmem:s23], [sflag:$0x1] =	stream.linear.gather [hbm4b:s7+s3], $0x80, $0x38;
	[tilespmem:$0x10200] =	vst v63  }
0x83: {  	s10 =	sand.u32 $0x1FFFFFF0, s29;
	s0 =	sadd.s32 s4, s0;
	s6 =	sadd.s32 s4, s6  }
0x84: {  	[tilespmem:s22], [sflag:$0x1] =	stream.linear.gather [hbm4b:s6+s3], $0x80, $0x38;
	[tilespmem:$0x10200] =	vst v63  }
0x85: {  	s8 =	sshll.u32 s8, $0x4;
	s17 =	sadd.s32 s4, s10;
	s12 =	spop (v2sf)  }
0x86: {  	[tilespmem:s31], [sflag:$0x1] =	stream.linear.gather [hbm4b:s0+s3], $0x80, $0x38;
	[tilespmem:$0x10200] =	vst v63  }
0x87: {  	s23 =	sadd.s32 s4, s1;
	s11 =	sand.u32 $0x1FFFFFF0, s8;
	s22 =	spop (v2sf)  }
0x88: {  	[tilespmem:s26], [sflag:$0x1] =	stream.linear.gather [hbm4b:s17+s3], $0x80, $0x38;
	[tilespmem:$0x10200] =	vst v63  }
0x89: {  	s6 =	sadd.s32 s4, s11;
	s19 =	sshll.u32 s12, $0x4;
	s30 =	sshll.u32 s22, $0x4  }
0x8a: {  	[tilespmem:s25], [sflag:$0x1] =	stream.linear.gather [hbm4b:s23+s3], $0x80, $0x38;
	[tilespmem:$0x10200] =	vst v63  }
0x8b: {  	s26 =	sand.u32 $0x1FFFFFF0, s19;
	s8 =	sand.u32 $0x1FFFFFF0, s30;
	s9 =	spop (v2sf)  }
0x8c: {  	[tilespmem:s24], [sflag:$0x1] =	stream.linear.gather [hbm4b:s6+s3], $0x80, $0x38;
	[tilespmem:$0x10200] =	vst v63  }
0x8d: {  	s10 =	sadd.s32 s4, s26;
	s11 =	sshll.u32 s9, $0x4;
	s12 =	spop (v2sf)  }
0x8e: {  	[tilespmem:s21], [sflag:$0x1] =	stream.linear.gather [hbm4b:s10+s3], $0x80, $0x38;
	[tilespmem:$0x10200] =	vst v63  }
0x8f: {  	s17 =	sadd.s32 s4, s8;
	s1 =	sand.u32 $0x1FFFFFF0, s11;
	s19 =	sshll.u32 s12, $0x4  }
0x90: {  	[tilespmem:s20], [sflag:$0x1] =	stream.linear.gather [hbm4b:s17+s3], $0x80, $0x38;
	[tilespmem:$0x10200] =	vst v63  }
0x91: {  	s1 =	sadd.s32 s4, s1;
	s6 =	sand.u32 $0x1FFFFFF0, s19;
	s20 =	sadd.s32 $0x900, s18  }
0x92: {  	[tilespmem:s20], [sflag:$0x1] =	stream.linear.gather [hbm4b:s1+s3], $0x80, $0x38;
	[tilespmem:$0x10200] =	vst v63  }
0x93: {  	s21 =	sadd.s32 $0x980, s18;
	s22 =	sadd.s32 s4, s6  }
0x94: {  	[tilespmem:s21], [sflag:$0x1] =	stream.linear.gather [hbm4b:s22+s3], $0x80, $0x38;
	[tilespmem:$0x10200] =	vst v63  }
0x95: {  	_ =	swait.ge [sflag:s14], $0x800  }
0x96: {  	[sflag:s14] =	ssyncset.done $0x0  }
0x97: {  	[sflag:s14] =	ssyncadd.s32 $0xFFFFF800  }
0x98: {  	_ =	swait.ge [sflag:s14], $0x800  }
0x99: {  	[sflag:s14] =	ssyncset.done $0x0  }
0x9a: {  	[sflag:s14] =	ssyncadd.s32 $0xFFFFF800  }
0x9b: {  	_ =	swait.ge [sflag:s14], $0x800  }
0x9c: {  	[sflag:s14] =	ssyncset.done $0x0  }
0x9d: {  	[sflag:s14] =	ssyncadd.s32 $0xFFFFF800  }
0x9e: {  	_ =	swait.ge [sflag:s14], $0x800  }
0x9f: {  	[sflag:s14] =	ssyncset.done $0x0  }
0xa0: {  	[sflag:s14] =	ssyncadd.s32 $0xFFFFF800  }
0xa1: {  	_ =	swait.ge [sflag:s14], $0x800  }
0xa2: {  	[sflag:s14] =	ssyncset.done $0x0  }
0xa3: {  	[sflag:s14] =	ssyncadd.s32 $0xFFFFF800  }
0xa4: {  	_ =	swait.ge [sflag:s14], $0x800  }
0xa5: {  	[sflag:s14] =	ssyncset.done $0x0  }
0xa6: {  	[sflag:s14] =	ssyncadd.s32 $0xFFFFF800  }
0xa7: {  	_ =	swait.ge [sflag:s14], $0x800  }
0xa8: {  	[sflag:s14] =	ssyncset.done $0x0  }
0xa9: {  	[sflag:s14] =	ssyncadd.s32 $0xFFFFF800  }
0xaa: {  	_ =	swait.ge [sflag:s14], $0x800  }
0xab: {  	[sflag:s14] =	ssyncset.done $0x0  }
0xac: {  	[sflag:s14] =	ssyncadd.s32 $0xFFFFF800  }
0xad: {  	_ =	swait.ge [sflag:s14], $0x800  }
0xae: {  	[sflag:s14] =	ssyncset.done $0x0  }
0xaf: {  	[sflag:s14] =	ssyncadd.s32 $0xFFFFF800  }
0xb0: {  	_ =	swait.ge [sflag:s14], $0x800  }
0xb1: {  	[sflag:s14] =	ssyncset.done $0x0  }
0xb2: {  	[sflag:s14] =	ssyncadd.s32 $0xFFFFF800  }
0xb3: {  	_ =	swait.ge [sflag:s14], $0x800  }
0xb4: {  	[sflag:s14] =	ssyncset.done $0x0  }
0xb5: {  	[sflag:s14] =	ssyncadd.s32 $0xFFFFF800  }
0xb6: {  	_ =	swait.ge [sflag:s14], $0x800  }
0xb7: {  	[sflag:s14] =	ssyncset.done $0x0  }
0xb8: {  	[sflag:s14] =	ssyncadd.s32 $0xFFFFF800  }
0xb9: {  	_ =	swait.ge [sflag:s14], $0x800  }
0xba: {  	[sflag:s14] =	ssyncset.done $0x0  }
0xbb: {  	[sflag:s14] =	ssyncadd.s32 $0xFFFFF800  }
0xbc: {  	_ =	swait.ge [sflag:s14], $0x800  }
0xbd: {  	[sflag:s14] =	ssyncset.done $0x0  }
0xbe: {  	[sflag:s14] =	ssyncadd.s32 $0xFFFFF800  }
0xbf: {  	_ =	swait.ge [sflag:s14], $0x800  }
0xc0: {  	[sflag:s14] =	ssyncset.done $0x0  }
0xc1: {  	[sflag:s14] =	ssyncadd.s32 $0xFFFFF800  }
0xc2: {  	_ =	swait.ge [sflag:s14], $0x800  }
0xc3: {  	[sflag:s14] =	ssyncset.done $0x0  }
0xc4: {  	[sflag:s14] =	ssyncadd.s32 $0xFFFFF800  }
0xc5: {  	_ =	swait.ge [sflag:s14], $0x800  }
0xc6: {  	[sflag:s14] =	ssyncset.done $0x0  }
0xc7: {  	[sflag:s14] =	ssyncadd.s32 $0xFFFFF800  }
0xc8: {  	_ =	swait.ge [sflag:s14], $0x800  }
0xc9: {  	[sflag:s14] =	ssyncset.done $0x0  }
0xca: {  	[sflag:s14] =	ssyncadd.s32 $0xFFFFF800  }
0xcb: {  	_ =	swait.ge [sflag:s14], $0x800  }
0xcc: {  	[sflag:s14] =	ssyncset.done $0x0  }
0xcd: {  	[sflag:s14] =	ssyncadd.s32 $0xFFFFF800  }
0xce: {  	_ =	swait.ge [sflag:s14], $0x800  }
0xcf: {  	[sflag:s14] =	ssyncset.done $0x0  }
0xd0: {  	[sflag:s14] =	ssyncadd.s32 $0xFFFFF800  }
0xd1: {  	_ =	swait.ge [sflag:s14], $0x800  }
0xd2: {  	[sflag:s14] =	ssyncset.done $0x0  }
0xd3: {  	[sflag:s14] =	ssyncadd.s32 $0xFFFFF800  }
0xd4: {  	_ =	swait.ge [sflag:s14], $0x800  }
0xd5: {  	[sflag:s14] =	ssyncset.done $0x0  }
0xd6: {  	[sflag:s14] =	ssyncadd.s32 $0xFFFFF800  }
0xd7: {  	_ =	swait.ge [sflag:s14], $0x800  }
0xd8: {  	[sflag:s14] =	ssyncset.done $0x0  }
0xd9: {  	[sflag:s14] =	ssyncadd.s32 $0xFFFFF800  }
0xda: {  	_ =	swait.ge [sflag:s14], $0x800  }
0xdb: {  	[sflag:s14] =	ssyncset.done $0x0  }
0xdc: {  	[sflag:s14] =	ssyncadd.s32 $0xFFFFF800  }
0xdd: {  	_ =	swait.ge [sflag:s14], $0x800  }
0xde: {  	[sflag:s14] =	ssyncset.done $0x0  }
0xdf: {  	[sflag:s14] =	ssyncadd.s32 $0xFFFFF800  }
0xe0: {  	_ =	swait.ge [sflag:s14], $0x800  }
0xe1: {  	[sflag:s14] =	ssyncset.done $0x0  }
0xe2: {  	[sflag:s14] =	ssyncadd.s32 $0xFFFFF800  }
0xe3: {  	_ =	swait.ge [sflag:s14], $0x800  }
0xe4: {  	[sflag:s14] =	ssyncset.done $0x0  }
0xe5: {  	[sflag:s14] =	ssyncadd.s32 $0xFFFFF800  }
0xe6: {  	_ =	swait.ge [sflag:s14], $0x800  }
0xe7: {  	[sflag:s14] =	ssyncset.done $0x0  }
0xe8: {  	[sflag:s14] =	ssyncadd.s32 $0xFFFFF800  }
0xe9: {  	_ =	swait.ge [sflag:s14], $0x800  }
0xea: {  	[sflag:s14] =	ssyncset.done $0x0  }
0xeb: {  	[sflag:s14] =	ssyncadd.s32 $0xFFFFF800  }
0xec: {  	_ =	swait.ge [sflag:s14], $0x800  }
0xed: {  	[sflag:s14] =	ssyncset.done $0x0  }
0xee: {  	[sflag:s14] =	ssyncadd.s32 $0xFFFFF800  }
0xef: {  	_ =	swait.ge [sflag:s14], $0x800  }
0xf0: {  	[sflag:s14] =	ssyncset.done $0x0  }
0xf1: {  	[sflag:s14] =	ssyncadd.s32 $0xFFFFF800  }
0xf2: {  	_ =	swait.ge [sflag:s14], $0x800  }
0xf3: {  	[sflag:s14] =	ssyncset.done $0x0  }
0xf4: {  	s23 =	simm.s32 $0x0;
	s24 =	rddreg [dreg:$0x7];
	[sflag:s14] =	ssyncadd.s32 $0xFFFFF800  }
0xf5: {  	[hbm4b:s24+s23] =	stream.linear.scatter [tilespmem:s15], [sflag:$0x2], $0x10000, $0x38;
	[tilespmem:$0x10200] =	vst v63  }
0xf6: {  	_ =	swait.ge [sflag:s13], $0x10000  }
0xf7: {  	[sflag:s13] =	ssyncset.done $0x0  }
0xf8: {  	s25 =	rddreg [dreg:$0x8];
	[sflag:s13] =	ssyncadd.s32 $0xFFFF0000  }
0xf9: {  	[tilespmem:s23], [sflag:$0x2] =	stream.linear.gather [hbm4b:s25+s23], $0x200, $0x38;
	[tilespmem:$0x10200] =	vst v63  }
0xfa: {  	_ =	swait.ge [sflag:s13], $0x200  }
0xfb: {  	[sflag:s13] =	ssyncset.done $0x0  }
0xfc: {  	[sflag:s13] =	ssyncadd.s32 $0xFFFFFE00  }
0xfd: {  	v0 =	vld [tilespmem:s23+$0x0];
	_ =	sdelay $0x4  }
0xfe: {  	v1 =	vnsel vm0, $0x0, v0  }
0xff: {  	v2 =	vsel vm2, $0x0, v0;
	(xrf0) =	vadd.scan.msk.s32 $0xffff, v1  }
0x100: {  	v40 =	vsel vm3, $0x0, v0;
	(xrf0) =	vadd.scan.msk.s32 $0xffff, v2  }
0x101: {  	v41 =	vsel vm1, $0x0, v0;
	(xrf0) =	vadd.scan.msk.s32 $0xffff, v40  }
0x102: {  	(xrf0) =	vadd.scan.msk.s32 $0xffff, v41;
	_ =	sdelay $0x2  }
0x103: {  	v42, _, _ =	vpop (xrf0)  }
0x104: {  	v43 =	vsel vm8, $0x0, v0;
	(v2sf) =	vpush v42, $0xF;
	v44, _, _ =	vpop (xrf0)  }
0x105: {  	v3 =	vsel vm9, $0x0, v0;
	(xrf0) =	vadd.scan.msk.s32 $0xffff, v43;
	(v2sf) =	vpush v44, $0xF;
	v45, _, _ =	vpop (xrf0)  }
0x106: {  	v46 =	vsel vm5, $0x0, v0;
	(xrf0) =	vadd.scan.msk.s32 $0xffff, v3;
	v47, _, _ =	vpop (xrf0);
	(v2sf) =	vpush v45, $0xF  }
0x107: {  	v48 =	vsel vm4, $0x0, v0;
	(xrf0) =	vadd.scan.msk.s32 $0xffff, v46;
	(v2sf) =	vpush v47, $0xF  }
0x108: {  	(xrf0) =	vadd.scan.msk.s32 $0xffff, v48;
	_ =	sdelay $0x1  }
0x109: {  	v49 =	vsel vm10, $0x0, v0  }
0x10a: {  	v50 =	vsel vm11, $0x0, v0;
	(xrf0) =	vadd.scan.msk.s32 $0xffff, v49;
	v51, _, _ =	vpop (xrf0)  }
0x10b: {  	v52 =	vsel vm12, $0x0, v0;
	(xrf0) =	vadd.scan.msk.s32 $0xffff, v50;
	v53, _, _ =	vpop (xrf0)  }
0x10c: {  	v4 =	vsel vm13, $0x0, v0;
	(xrf0) =	vadd.scan.msk.s32 $0xffff, v52;
	(v2sf) =	vpush v51, $0xF;
	v54, _, _ =	vpop (xrf0)  }
0x10d: {  	v55 =	vsel vm14, $0x0, v0;
	(xrf0) =	vadd.scan.msk.s32 $0xffff, v4;
	v56, _, _ =	vpop (xrf0)  }
0x10e: {  	v5 =	vsel vm6, $0x0, v0;
	(xrf0) =	vadd.scan.msk.s32 $0xffff, v55;
	(v2sf) =	vpush v56, $0xF  }
0x10f: {  	v57 =	vsel vm7, $0x0, v0;
	(xrf0) =	vadd.scan.msk.s32 $0xffff, v5  }
0x110: {  	s7 =	simm.s32 $0x280;
	s0 =	simm.s32 $0x300;
	s31 =	simm.s32 $0x600;
	(xrf0) =	vadd.scan.msk.s32 $0xffff, v57;
	v58, _, _ =	vpop (xrf0);
	(v2sf) =	vpush v54, $0xF  }
0x111: {  	s26 =	simm.s32 $0x200;
	s9 =	simm.s32 $0x480;
	s19 =	simm.s32 $0x10;
	v59, _, _ =	vpop (xrf0)  }
0x112: {  	s17 =	simm.s32 $0x2000;
	s18 =	simm.s32 $0x0;
	(v2sf) =	vpush v58, $0xF;
	v60, _, _ =	vpop (xrf0);
	s30 =	spop (v2sf)  }
0x113: {  	s1 =	simm.s32 $0x400;
	v61, _, _ =	vpop (xrf0);
	s8 =	sshll.u32 s30, $0x4;
	s10 =	spop (v2sf)  }
0x114: {  	s20 =	simm.s32 $0x880;
	(v2sf) =	vpush v53, $0xF;
	v62, _, _ =	vpop (xrf0);
	s8 =	sand.u32 $0x1FFFFFF0, s8;
	s11 =	spop (v2sf)  }
0x115: {  	s22 =	simm.s32 $0x580;
	v63, _, _ =	vpop (xrf0);
	s8 =	sadd.s32 s5, s8;
	s12 =	spop (v2sf)  }
0x116: {  	v6, _, _ =	vpop (xrf0);
	(v2sf) =	vpush v63, $0xF;
	[tilespmem:s26], [sflag:$0x1] =	stream.linear.gather [hbm4b:s8+s3], $0x80, $0x38;
	[tilespmem:$0x10200] =	vst v63  }
0x117: {  	s21 =	simm.s32 $0x800;
	s24 =	simm.s32 $0x780;
	(v2sf) =	vpush v6, $0xF;
	s8 =	sshll.u32 s12, $0x4  }
0x118: {  	s25 =	simm.s32 $0x700;
	s12 =	sshll.u32 s10, $0x4;
	s6 =	sand.u32 $0x1FFFFFF0, s8  }
0x119: {  	s26 =	sshll.u32 s11, $0x4;
	(v2sf) =	vpush v59, $0xF;
	s8 =	sand.u32 $0x1FFFFFF0, s12;
	s6 =	sadd.s32 s5, s6  }
0x11a: {  	[tilespmem:s7], [sflag:$0x1] =	stream.linear.gather [hbm4b:s6+s3], $0x80, $0x38;
	[tilespmem:$0x10200] =	vst v63  }
0x11b: {  	s30 =	sand.u32 $0x1FFFFFF0, s26;
	s8 =	sadd.s32 s5, s8;
	s6 =	spop (v2sf)  }
0x11c: {  	v0 =	vsel vm15, $0x0, v0;
	[tilespmem:s0], [sflag:$0x1] =	stream.linear.gather [hbm4b:s8+s3], $0x80, $0x38;
	[tilespmem:$0x10200] =	vst v63  }
0x11d: {  	(xrf0) =	vadd.scan.msk.s32 $0xffff, v0;
	s11 =	simm.s32 $0x380;
	(v2sf) =	vpush v60, $0xF;
	s7 =	sadd.s32 s5, s30;
	s10 =	spop (v2sf)  }
0x11e: {  	[tilespmem:s11], [sflag:$0x1] =	stream.linear.gather [hbm4b:s7+s3], $0x80, $0x38;
	[tilespmem:$0x10200] =	vst v63  }
0x11f: {  	s23 =	simm.s32 $0x500;
	(v2sf) =	vpush v61, $0xF;
	s0 =	sshll.u32 s10, $0x4;
	s12 =	spop (v2sf)  }
0x120: {  	s26 =	simm.s32 $0x680;
	s0 =	sand.u32 $0x1FFFFFF0, s0;
	s7 =	sshll.u32 s12, $0x4  }
0x121: {  	s30 =	spop (v2sf);
	s7 =	sand.u32 $0x1FFFFFF0, s7;
	s0 =	sadd.s32 s5, s0  }
0x122: {  	[tilespmem:s1], [sflag:$0x1] =	stream.linear.gather [hbm4b:s0+s3], $0x80, $0x38;
	[tilespmem:$0x10200] =	vst v63  }
0x123: {  	s6 =	sshll.u32 s6, $0x4;
	s10 =	spop (v2sf);
	(v2sf) =	vpush v62, $0xF;
	s7 =	sadd.s32 s5, s7  }
0x124: {  	v0, _, _ =	vpop (xrf0);
	[tilespmem:s9], [sflag:$0x1] =	stream.linear.gather [hbm4b:s7+s3], $0x80, $0x38;
	[tilespmem:$0x10200] =	vst v63  }
0x125: {  	s11 =	sshll.u32 s30, $0x4;
	s0 =	sand.u32 $0x1FFFFFF0, s6;
	s12 =	spop (v2sf);
	(v2sf) =	vpush v0, $0xF  }
0x126: {  	s1 =	sand.u32 $0x1FFFFFF0, s11;
	s6 =	sshll.u32 s12, $0x4;
	s30 =	spop (v2sf)  }
0x127: {  	s29 =	sshll.u32 s10, $0x4;
	s6 =	sand.u32 $0x1FFFFFF0, s6;
	s28 =	sshll.u32 s30, $0x4  }
.LBB2_4:
0x128: {  	s6 =	sadd.s32 s5, s6;
	s7 =	sand.u32 $0x1FFFFFF0, s28;
	s8 =	spop (v2sf)  }
0x129: {  	[tilespmem:s23], [sflag:$0x1] =	stream.linear.gather [hbm4b:s6+s3], $0x80, $0x38;
	[tilespmem:$0x10200] =	vst v63  }
0x12a: {  	s6 =	sadd.s32 s5, s7;
	s7 =	sand.u32 $0x1FFFFFF0, s29;
	s8 =	sshll.u32 s8, $0x4  }
0x12b: {  	[tilespmem:s22], [sflag:$0x1] =	stream.linear.gather [hbm4b:s6+s3], $0x80, $0x38;
	[tilespmem:$0x10200] =	vst v63  }
0x12c: {  	s0 =	sadd.s32 s5, s0;
	s6 =	sand.u32 $0x1FFFFFF0, s8;
	s8 =	spop (v2sf)  }
0x12d: {  	[tilespmem:s31], [sflag:$0x1] =	stream.linear.gather [hbm4b:s0+s3], $0x80, $0x38;
	[tilespmem:$0x10200] =	vst v63  }
0x12e: {  	s0 =	sadd.s32 s5, s7;
	s7 =	sshll.u32 s8, $0x4;
	s8 =	spop (v2sf)  }
0x12f: {  	[tilespmem:s26], [sflag:$0x1] =	stream.linear.gather [hbm4b:s0+s3], $0x80, $0x38;
	[tilespmem:$0x10200] =	vst v63  }
0x130: {  	s0 =	sadd.s32 s5, s1;
	s1 =	sand.u32 $0x1FFFFFF0, s7;
	s7 =	sshll.u32 s8, $0x4  }
0x131: {  	[tilespmem:s25], [sflag:$0x1] =	stream.linear.gather [hbm4b:s0+s3], $0x80, $0x38;
	[tilespmem:$0x10200] =	vst v63  }
0x132: {  	s0 =	sadd.s32 s5, s6;
	s6 =	sand.u32 $0x1FFFFFF0, s7;
	s7 =	spop (v2sf)  }
0x133: {  	[tilespmem:s24], [sflag:$0x1] =	stream.linear.gather [hbm4b:s0+s3], $0x80, $0x38;
	[tilespmem:$0x10200] =	vst v63  }
0x134: {  	s0 =	sadd.s32 s5, s1;
	s1 =	sshll.u32 s7, $0x4;
	s7 =	spop (v2sf)  }
0x135: {  	[tilespmem:s21], [sflag:$0x1] =	stream.linear.gather [hbm4b:s0+s3], $0x80, $0x38;
	[tilespmem:$0x10200] =	vst v63  }
0x136: {  	s1 =	sand.u32 $0x1FFFFFF0, s1;
	s0 =	sadd.s32 s5, s6;
	s6 =	sshll.u32 s7, $0x4  }
0x137: {  	[tilespmem:s20], [sflag:$0x1] =	stream.linear.gather [hbm4b:s0+s3], $0x80, $0x38;
	[tilespmem:$0x10200] =	vst v63  }
0x138: {  	s1 =	sadd.s32 s5, s1;
	s6 =	sand.u32 $0x1FFFFFF0, s6;
	s0 =	sadd.s32 $0x900, s18  }
0x139: {  	[tilespmem:s0], [sflag:$0x1] =	stream.linear.gather [hbm4b:s1+s3], $0x80, $0x38;
	[tilespmem:$0x10200] =	vst v63  }
0x13a: {  	p0 =	sne.s32 s17, $0x3E000;
	s0 =	sadd.s32 $0x980, s18;
	s1 =	sadd.s32 s5, s6  }
0x13b: {  	[tilespmem:s0], [sflag:$0x1] =	stream.linear.gather [hbm4b:s1+s3], $0x80, $0x38;
	[tilespmem:$0x10200] =	vst v63  }
0x13c: {  	s0 =	smov.u32 s17;
	s17 =	sadd.s32 $0x2000, s17;
	v0 =	vld [tilespmem:s19+$0x0];
	_ =	sdelay $0x4  }
0x13d: {  	v1 =	vnsel vm0, $0x0, v0;
	v2 =	vsel vm3, $0x0, v0;
	v3 =	vsel vm14, $0x0, v0  }
0x13e: {  	v4 =	vsel vm2, $0x0, v0;
	v5 =	vsel vm15, $0x0, v0;
	(xrf0) =	vadd.scan.msk.s32 $0xffff, v1  }
0x13f: {  	v6 =	vsel vm6, $0x0, v0;
	v1 =	vsel vm1, $0x0, v0;
	(xrf0) =	vadd.scan.msk.s32 $0xffff, v4  }
0x140: {  	v4 =	vsel vm7, $0x0, v0;
	(xrf0) =	vadd.scan.msk.s32 $0xffff, v2  }
0x141: {  	v2 =	vsel vm8, $0x0, v0;
	(xrf0) =	vadd.scan.msk.s32 $0xffff, v1  }
0x142: {  	v1 =	vsel vm9, $0x0, v0;
	(xrf0) =	vadd.scan.msk.s32 $0xffff, v2  }
0x143: {  	v2 =	vsel vm5, $0x0, v0;
	(xrf0) =	vadd.scan.msk.s32 $0xffff, v1  }
0x144: {  	v1 =	vsel vm4, $0x0, v0;
	v7, _, _ =	vpop (xrf0);
	(xrf0) =	vadd.scan.msk.s32 $0xffff, v2  }
0x145: {  	v2 =	vsel vm10, $0x0, v0;
	(v2sf) =	vpush v7, $0xF;
	v7, _, _ =	vpop (xrf0);
	(xrf0) =	vadd.scan.msk.s32 $0xffff, v1  }
0x146: {  	v9 =	vsel vm11, $0x0, v0;
	(v2sf) =	vpush v7, $0xF;
	v7, _, _ =	vpop (xrf0);
	(xrf0) =	vadd.scan.msk.s32 $0xffff, v2  }
0x147: {  	s18 =	sshra.s32 s0, $0x2;
	v2 =	vsel vm12, $0x0, v0;
	v8, _, _ =	vpop (xrf0);
	(v2sf) =	vpush v7, $0xF;
	(xrf0) =	vadd.scan.msk.s32 $0xffff, v9  }
0x148: {  	s29 =	sadd.s32 $0x300, s18;
	v7 =	vsel vm13, $0x0, v0;
	(v2sf) =	vpush v8, $0xF;
	v1, _, _ =	vpop (xrf0);
	(xrf0) =	vadd.scan.msk.s32 $0xffff, v2  }
0x149: {  	s28 =	sadd.s32 $0x400, s18;
	s22 =	sadd.s32 $0x580, s18;
	(v2sf) =	vpush v1, $0xF;
	v1, _, _ =	vpop (xrf0);
	(xrf0) =	vadd.scan.msk.s32 $0xffff, v7  }
0x14a: {  	s0 =	sadd.s32 $0x200, s18;
	s1 =	sadd.s32 $0x280, s18;
	v0, _, _ =	vpop (xrf0);
	(xrf0) =	vadd.scan.msk.s32 $0xffff, v3  }
0x14b: {  	s23 =	sadd.s32 $0x500, s18;
	v2, _, _ =	vpop (xrf0);
	(xrf0) =	vadd.scan.msk.s32 $0xffff, v6  }
0x14c: {  	s30 =	sadd.s32 $0x480, s18;
	(v2sf) =	vpush v2, $0xF;
	(xrf0) =	vadd.scan.msk.s32 $0xffff, v4;
	v2, _, _ =	vpop (xrf0)  }
0x14d: {  	(v2sf) =	vpush v0, $0xF;
	v0, _, _ =	vpop (xrf0);
	(xrf0) =	vadd.scan.msk.s32 $0xffff, v5  }
0x14e: {  	(v2sf) =	vpush v2, $0xF;
	v2, _, _ =	vpop (xrf0)  }
0x14f: {  	v3, _, _ =	vpop (xrf0)  }
0x150: {  	v4, _, _ =	vpop (xrf0)  }
0x151: {  	v5, _, _ =	vpop (xrf0);
	(v2sf) =	vpush v1, $0xF  }
0x152: {  	v1, _, _ =	vpop (xrf0)  }
0x153: {  	s19 =	sadd.s32 $0x10, s19;
	s21 =	sadd.s32 $0x800, s18;
	s20 =	sadd.s32 $0x880, s18;
	(v2sf) =	vpush v5, $0xF;
	v5, _, _ =	vpop (xrf0)  }
0x154: {  	s25 =	sadd.s32 $0x700, s18;
	s24 =	sadd.s32 $0x780, s18;
	s6 =	spop (v2sf)  }
0x155: {  	s26 =	sadd.s32 $0x680, s18;
	s6 =	sshll.u32 s6, $0x4;
	s7 =	spop (v2sf);
	(v2sf) =	vpush v1, $0xF  }
0x156: {  	s6 =	sand.u32 $0x1FFFFFF0, s6;
	s7 =	sshll.u32 s7, $0x4;
	s8 =	spop (v2sf)  }
0x157: {  	s6 =	sadd.s32 s5, s6;
	s7 =	sand.u32 $0x1FFFFFF0, s7;
	s9 =	spop (v2sf)  }
0x158: {  	s8 =	sshll.u32 s8, $0x4;
	s9 =	sshll.u32 s9, $0x4;
	s10 =	spop (v2sf)  }
0x159: {  	s8 =	sand.u32 $0x1FFFFFF0, s8;
	s9 =	sand.u32 $0x1FFFFFF0, s9;
	s10 =	sshll.u32 s10, $0x4;
	(v2sf) =	vpush v0, $0xF  }
0x15a: {  	[tilespmem:s0], [sflag:$0x1] =	stream.linear.gather [hbm4b:s6+s3], $0x80, $0x38;
	[tilespmem:$0x10200] =	vst v63  }
0x15b: {  	s31 =	sadd.s32 $0x600, s18;
	s0 =	sand.u32 $0x1FFFFFF0, s10;
	s6 =	spop (v2sf)  }
0x15c: {  	s10 =	sadd.s32 $0x380, s18;
	s6 =	sshll.u32 s6, $0x4;
	s11 =	spop (v2sf)  }
0x15d: {  	s6 =	sand.u32 $0x1FFFFFF0, s6;
	s11 =	sshll.u32 s11, $0x4;
	s12 =	spop (v2sf);
	(v2sf) =	vpush v2, $0xF  }
0x15e: {  	s9 =	sadd.s32 s5, s9;
	s11 =	sand.u32 $0x1FFFFFF0, s11;
	s12 =	sshll.u32 s12, $0x4  }
0x15f: {  	[tilespmem:s1], [sflag:$0x1] =	stream.linear.gather [hbm4b:s9+s3], $0x80, $0x38;
	(v2sf) =	vpush v3, $0xF;
	[tilespmem:$0x10200] =	vst v63  }
0x160: {  	s7 =	sadd.s32 s5, s7;
	s1 =	sand.u32 $0x1FFFFFF0, s12;
	s9 =	spop (v2sf)  }
0x161: {  	[tilespmem:s29], [sflag:$0x1] =	stream.linear.gather [hbm4b:s7+s3], $0x80, $0x38;
	[tilespmem:$0x10200] =	vst v63  }
0x162: {  	s7 =	sadd.s32 s5, s8;
	s29 =	sshll.u32 s9, $0x4;
	s8 =	spop (v2sf)  }
0x163: {  	[tilespmem:s10], [sflag:$0x1] =	stream.linear.gather [hbm4b:s7+s3], $0x80, $0x38;
	[tilespmem:$0x10200] =	vst v63  }
.Ltmp1:
0x164: {  	(v2sf) =	vpush v4, $0xF;
	(pc) =	sbr.rel @p0 .LBB2_4-.Ltmp1, $4  }
0x165: {  	s6 =	sadd.s32 s5, s6;
	s7 =	sshll.u32 s8, $0x4;
	s8 =	spop (v2sf)  }
0x166: {  	[tilespmem:s28], [sflag:$0x1] =	stream.linear.gather [hbm4b:s6+s3], $0x80, $0x38;
	(v2sf) =	vpush v5, $0xF;
	[tilespmem:$0x10200] =	vst v63  }
0x167: {  	s9 =	sadd.s32 s5, s11;
	s6 =	sand.u32 $0x1FFFFFF0, s7;
	s28 =	sshll.u32 s8, $0x4  }
0x168: {  	[tilespmem:s30], [sflag:$0x1] =	stream.linear.gather [hbm4b:s9+s3], $0x80, $0x38;
	[tilespmem:$0x10200] =	vst v63  }
0x169: {  	s6 =	sadd.s32 s5, s6;
	s7 =	sand.u32 $0x1FFFFFF0, s28;
	s8 =	spop (v2sf)  }
0x16a: {  	[tilespmem:s23], [sflag:$0x1] =	stream.linear.gather [hbm4b:s6+s3], $0x80, $0x38;
	[tilespmem:$0x10200] =	vst v63  }
0x16b: {  	s10 =	sand.u32 $0x1FFFFFF0, s29;
	s0 =	sadd.s32 s5, s0;
	s9 =	sadd.s32 s5, s7  }
0x16c: {  	[tilespmem:s22], [sflag:$0x1] =	stream.linear.gather [hbm4b:s9+s3], $0x80, $0x38;
	[tilespmem:$0x10200] =	vst v63  }
0x16d: {  	s8 =	sshll.u32 s8, $0x4;
	s17 =	sadd.s32 s5, s10;
	s12 =	spop (v2sf)  }
0x16e: {  	[tilespmem:s31], [sflag:$0x1] =	stream.linear.gather [hbm4b:s0+s3], $0x80, $0x38;
	[tilespmem:$0x10200] =	vst v63  }
0x16f: {  	s23 =	sadd.s32 s5, s1;
	s11 =	sand.u32 $0x1FFFFFF0, s8;
	s22 =	spop (v2sf)  }
0x170: {  	[tilespmem:s26], [sflag:$0x1] =	stream.linear.gather [hbm4b:s17+s3], $0x80, $0x38;
	[tilespmem:$0x10200] =	vst v63  }
0x171: {  	s6 =	sadd.s32 s5, s11;
	s19 =	sshll.u32 s12, $0x4;
	s30 =	sshll.u32 s22, $0x4  }
0x172: {  	[tilespmem:s25], [sflag:$0x1] =	stream.linear.gather [hbm4b:s23+s3], $0x80, $0x38;
	[tilespmem:$0x10200] =	vst v63  }
0x173: {  	s26 =	sand.u32 $0x1FFFFFF0, s19;
	s8 =	sand.u32 $0x1FFFFFF0, s30;
	s9 =	spop (v2sf)  }
0x174: {  	[tilespmem:s24], [sflag:$0x1] =	stream.linear.gather [hbm4b:s6+s3], $0x80, $0x38;
	[tilespmem:$0x10200] =	vst v63  }
0x175: {  	s10 =	sadd.s32 s5, s26;
	s11 =	sshll.u32 s9, $0x4;
	s12 =	spop (v2sf)  }
0x176: {  	[tilespmem:s21], [sflag:$0x1] =	stream.linear.gather [hbm4b:s10+s3], $0x80, $0x38;
	[tilespmem:$0x10200] =	vst v63  }
0x177: {  	s17 =	sadd.s32 s5, s8;
	s1 =	sand.u32 $0x1FFFFFF0, s11;
	s19 =	sshll.u32 s12, $0x4  }
0x178: {  	[tilespmem:s20], [sflag:$0x1] =	stream.linear.gather [hbm4b:s17+s3], $0x80, $0x38;
	[tilespmem:$0x10200] =	vst v63  }
0x179: {  	s1 =	sadd.s32 s5, s1;
	s6 =	sand.u32 $0x1FFFFFF0, s19;
	s20 =	sadd.s32 $0x900, s18  }
0x17a: {  	[tilespmem:s20], [sflag:$0x1] =	stream.linear.gather [hbm4b:s1+s3], $0x80, $0x38;
	[tilespmem:$0x10200] =	vst v63  }
0x17b: {  	s21 =	sadd.s32 $0x980, s18;
	s22 =	sadd.s32 s5, s6  }
0x17c: {  	[tilespmem:s21], [sflag:$0x1] =	stream.linear.gather [hbm4b:s22+s3], $0x80, $0x38;
	[tilespmem:$0x10200] =	vst v63  }
0x17d: {  	_ =	swait.ge [sflag:s14], $0x800  }
0x17e: {  	[sflag:s14] =	ssyncset.done $0x0  }
0x17f: {  	[sflag:s14] =	ssyncadd.s32 $0xFFFFF800  }
0x180: {  	_ =	swait.ge [sflag:s14], $0x800  }
0x181: {  	[sflag:s14] =	ssyncset.done $0x0  }
0x182: {  	[sflag:s14] =	ssyncadd.s32 $0xFFFFF800  }
0x183: {  	_ =	swait.ge [sflag:s14], $0x800  }
0x184: {  	[sflag:s14] =	ssyncset.done $0x0  }
0x185: {  	[sflag:s14] =	ssyncadd.s32 $0xFFFFF800  }
0x186: {  	_ =	swait.ge [sflag:s14], $0x800  }
0x187: {  	[sflag:s14] =	ssyncset.done $0x0  }
0x188: {  	[sflag:s14] =	ssyncadd.s32 $0xFFFFF800  }
0x189: {  	_ =	swait.ge [sflag:s14], $0x800  }
0x18a: {  	[sflag:s14] =	ssyncset.done $0x0  }
0x18b: {  	[sflag:s14] =	ssyncadd.s32 $0xFFFFF800  }
0x18c: {  	_ =	swait.ge [sflag:s14], $0x800  }
0x18d: {  	[sflag:s14] =	ssyncset.done $0x0  }
0x18e: {  	[sflag:s14] =	ssyncadd.s32 $0xFFFFF800  }
0x18f: {  	_ =	swait.ge [sflag:s14], $0x800  }
0x190: {  	[sflag:s14] =	ssyncset.done $0x0  }
0x191: {  	[sflag:s14] =	ssyncadd.s32 $0xFFFFF800  }
0x192: {  	_ =	swait.ge [sflag:s14], $0x800  }
0x193: {  	[sflag:s14] =	ssyncset.done $0x0  }
0x194: {  	[sflag:s14] =	ssyncadd.s32 $0xFFFFF800  }
0x195: {  	_ =	swait.ge [sflag:s14], $0x800  }
0x196: {  	[sflag:s14] =	ssyncset.done $0x0  }
0x197: {  	[sflag:s14] =	ssyncadd.s32 $0xFFFFF800  }
0x198: {  	_ =	swait.ge [sflag:s14], $0x800  }
0x199: {  	[sflag:s14] =	ssyncset.done $0x0  }
0x19a: {  	[sflag:s14] =	ssyncadd.s32 $0xFFFFF800  }
0x19b: {  	_ =	swait.ge [sflag:s14], $0x800  }
0x19c: {  	[sflag:s14] =	ssyncset.done $0x0  }
0x19d: {  	[sflag:s14] =	ssyncadd.s32 $0xFFFFF800  }
0x19e: {  	_ =	swait.ge [sflag:s14], $0x800  }
0x19f: {  	[sflag:s14] =	ssyncset.done $0x0  }
0x1a0: {  	[sflag:s14] =	ssyncadd.s32 $0xFFFFF800  }
0x1a1: {  	_ =	swait.ge [sflag:s14], $0x800  }
0x1a2: {  	[sflag:s14] =	ssyncset.done $0x0  }
0x1a3: {  	[sflag:s14] =	ssyncadd.s32 $0xFFFFF800  }
0x1a4: {  	_ =	swait.ge [sflag:s14], $0x800  }
0x1a5: {  	[sflag:s14] =	ssyncset.done $0x0  }
0x1a6: {  	[sflag:s14] =	ssyncadd.s32 $0xFFFFF800  }
0x1a7: {  	_ =	swait.ge [sflag:s14], $0x800  }
0x1a8: {  	[sflag:s14] =	ssyncset.done $0x0  }
0x1a9: {  	[sflag:s14] =	ssyncadd.s32 $0xFFFFF800  }
0x1aa: {  	_ =	swait.ge [sflag:s14], $0x800  }
0x1ab: {  	[sflag:s14] =	ssyncset.done $0x0  }
0x1ac: {  	[sflag:s14] =	ssyncadd.s32 $0xFFFFF800  }
0x1ad: {  	_ =	swait.ge [sflag:s14], $0x800  }
0x1ae: {  	[sflag:s14] =	ssyncset.done $0x0  }
0x1af: {  	[sflag:s14] =	ssyncadd.s32 $0xFFFFF800  }
0x1b0: {  	_ =	swait.ge [sflag:s14], $0x800  }
0x1b1: {  	[sflag:s14] =	ssyncset.done $0x0  }
0x1b2: {  	[sflag:s14] =	ssyncadd.s32 $0xFFFFF800  }
0x1b3: {  	_ =	swait.ge [sflag:s14], $0x800  }
0x1b4: {  	[sflag:s14] =	ssyncset.done $0x0  }
0x1b5: {  	[sflag:s14] =	ssyncadd.s32 $0xFFFFF800  }
0x1b6: {  	_ =	swait.ge [sflag:s14], $0x800  }
0x1b7: {  	[sflag:s14] =	ssyncset.done $0x0  }
0x1b8: {  	[sflag:s14] =	ssyncadd.s32 $0xFFFFF800  }
0x1b9: {  	_ =	swait.ge [sflag:s14], $0x800  }
0x1ba: {  	[sflag:s14] =	ssyncset.done $0x0  }
0x1bb: {  	[sflag:s14] =	ssyncadd.s32 $0xFFFFF800  }
0x1bc: {  	_ =	swait.ge [sflag:s14], $0x800  }
0x1bd: {  	[sflag:s14] =	ssyncset.done $0x0  }
0x1be: {  	[sflag:s14] =	ssyncadd.s32 $0xFFFFF800  }
0x1bf: {  	_ =	swait.ge [sflag:s14], $0x800  }
0x1c0: {  	[sflag:s14] =	ssyncset.done $0x0  }
0x1c1: {  	[sflag:s14] =	ssyncadd.s32 $0xFFFFF800  }
0x1c2: {  	_ =	swait.ge [sflag:s14], $0x800  }
0x1c3: {  	[sflag:s14] =	ssyncset.done $0x0  }
0x1c4: {  	[sflag:s14] =	ssyncadd.s32 $0xFFFFF800  }
0x1c5: {  	_ =	swait.ge [sflag:s14], $0x800  }
0x1c6: {  	[sflag:s14] =	ssyncset.done $0x0  }
0x1c7: {  	[sflag:s14] =	ssyncadd.s32 $0xFFFFF800  }
0x1c8: {  	_ =	swait.ge [sflag:s14], $0x800  }
0x1c9: {  	[sflag:s14] =	ssyncset.done $0x0  }
0x1ca: {  	[sflag:s14] =	ssyncadd.s32 $0xFFFFF800  }
0x1cb: {  	_ =	swait.ge [sflag:s14], $0x800  }
0x1cc: {  	[sflag:s14] =	ssyncset.done $0x0  }
0x1cd: {  	[sflag:s14] =	ssyncadd.s32 $0xFFFFF800  }
0x1ce: {  	_ =	swait.ge [sflag:s14], $0x800  }
0x1cf: {  	[sflag:s14] =	ssyncset.done $0x0  }
0x1d0: {  	[sflag:s14] =	ssyncadd.s32 $0xFFFFF800  }
0x1d1: {  	_ =	swait.ge [sflag:s14], $0x800  }
0x1d2: {  	[sflag:s14] =	ssyncset.done $0x0  }
0x1d3: {  	[sflag:s14] =	ssyncadd.s32 $0xFFFFF800  }
0x1d4: {  	_ =	swait.ge [sflag:s14], $0x800  }
0x1d5: {  	[sflag:s14] =	ssyncset.done $0x0  }
0x1d6: {  	[sflag:s14] =	ssyncadd.s32 $0xFFFFF800  }
0x1d7: {  	_ =	swait.ge [sflag:s14], $0x800  }
0x1d8: {  	[sflag:s14] =	ssyncset.done $0x0  }
0x1d9: {  	[sflag:s14] =	ssyncadd.s32 $0xFFFFF800  }
0x1da: {  	_ =	swait.ge [sflag:s14], $0x800  }
0x1db: {  	[sflag:s14] =	ssyncset.done $0x0  }
0x1dc: {  	s23 =	simm.s32 $0x0;
	s24 =	rddreg [dreg:$0x9];
	[sflag:s14] =	ssyncadd.s32 $0xFFFFF800  }
0x1dd: {  	[hbm4b:s24+s23] =	stream.linear.scatter [tilespmem:s15], [sflag:$0x2], $0x10000, $0x38;
	[tilespmem:$0x10200] =	vst v63  }
0x1de: {  	_ =	swait.ge [sflag:s13], $0x10000  }
0x1df: {  	[sflag:s13] =	ssyncset.done $0x0  }
0x1e0: {  	s25 =	rddreg [dreg:$0xa];
	[sflag:s13] =	ssyncadd.s32 $0xFFFF0000  }
0x1e1: {  	[tilespmem:s23], [sflag:$0x2] =	stream.linear.gather [hbm4b:s25+s23], $0x200, $0x38;
	[tilespmem:$0x10200] =	vst v63  }
0x1e2: {  	_ =	swait.ge [sflag:s13], $0x200  }
0x1e3: {  	[sflag:s13] =	ssyncset.done $0x0  }
0x1e4: {  	[sflag:s13] =	ssyncadd.s32 $0xFFFFFE00  }
0x1e5: {  	v0 =	vld [tilespmem:s23+$0x0];
	_ =	sdelay $0x4  }
0x1e6: {  	v1 =	vnsel vm0, $0x0, v0  }
0x1e7: {  	v2 =	vsel vm2, $0x0, v0;
	(xrf0) =	vadd.scan.msk.s32 $0xffff, v1  }
0x1e8: {  	v40 =	vsel vm3, $0x0, v0;
	(xrf0) =	vadd.scan.msk.s32 $0xffff, v2  }
0x1e9: {  	v41 =	vsel vm1, $0x0, v0;
	(xrf0) =	vadd.scan.msk.s32 $0xffff, v40  }
0x1ea: {  	(xrf0) =	vadd.scan.msk.s32 $0xffff, v41;
	_ =	sdelay $0x2  }
0x1eb: {  	v42, _, _ =	vpop (xrf0)  }
0x1ec: {  	v43 =	vsel vm8, $0x0, v0;
	(v2sf) =	vpush v42, $0xF;
	v44, _, _ =	vpop (xrf0)  }
0x1ed: {  	v3 =	vsel vm9, $0x0, v0;
	(xrf0) =	vadd.scan.msk.s32 $0xffff, v43;
	(v2sf) =	vpush v44, $0xF;
	v45, _, _ =	vpop (xrf0)  }
0x1ee: {  	v46 =	vsel vm5, $0x0, v0;
	(xrf0) =	vadd.scan.msk.s32 $0xffff, v3;
	v47, _, _ =	vpop (xrf0);
	(v2sf) =	vpush v45, $0xF  }
0x1ef: {  	v48 =	vsel vm4, $0x0, v0;
	(xrf0) =	vadd.scan.msk.s32 $0xffff, v46;
	(v2sf) =	vpush v47, $0xF  }
0x1f0: {  	(xrf0) =	vadd.scan.msk.s32 $0xffff, v48;
	_ =	sdelay $0x1  }
0x1f1: {  	v49 =	vsel vm10, $0x0, v0  }
0x1f2: {  	v50 =	vsel vm11, $0x0, v0;
	(xrf0) =	vadd.scan.msk.s32 $0xffff, v49;
	v51, _, _ =	vpop (xrf0)  }
0x1f3: {  	v52 =	vsel vm12, $0x0, v0;
	(xrf0) =	vadd.scan.msk.s32 $0xffff, v50;
	v53, _, _ =	vpop (xrf0)  }
0x1f4: {  	v4 =	vsel vm13, $0x0, v0;
	(xrf0) =	vadd.scan.msk.s32 $0xffff, v52;
	(v2sf) =	vpush v51, $0xF;
	v54, _, _ =	vpop (xrf0)  }
0x1f5: {  	v55 =	vsel vm14, $0x0, v0;
	(xrf0) =	vadd.scan.msk.s32 $0xffff, v4;
	v56, _, _ =	vpop (xrf0)  }
0x1f6: {  	v5 =	vsel vm6, $0x0, v0;
	(xrf0) =	vadd.scan.msk.s32 $0xffff, v55;
	(v2sf) =	vpush v56, $0xF  }
0x1f7: {  	v57 =	vsel vm7, $0x0, v0;
	(xrf0) =	vadd.scan.msk.s32 $0xffff, v5  }
0x1f8: {  	s7 =	simm.s32 $0x280;
	s0 =	simm.s32 $0x300;
	s31 =	simm.s32 $0x600;
	(xrf0) =	vadd.scan.msk.s32 $0xffff, v57;
	v58, _, _ =	vpop (xrf0);
	(v2sf) =	vpush v54, $0xF  }
0x1f9: {  	s26 =	simm.s32 $0x200;
	s9 =	simm.s32 $0x480;
	s19 =	simm.s32 $0x10;
	v59, _, _ =	vpop (xrf0)  }
0x1fa: {  	s17 =	simm.s32 $0x2000;
	s18 =	simm.s32 $0x0;
	(v2sf) =	vpush v58, $0xF;
	v60, _, _ =	vpop (xrf0);
	s30 =	spop (v2sf)  }
0x1fb: {  	s1 =	simm.s32 $0x400;
	v61, _, _ =	vpop (xrf0);
	s8 =	sshll.u32 s30, $0x4;
	s10 =	spop (v2sf)  }
0x1fc: {  	s20 =	simm.s32 $0x880;
	(v2sf) =	vpush v53, $0xF;
	v62, _, _ =	vpop (xrf0);
	s8 =	sand.u32 $0x1FFFFFF0, s8;
	s11 =	spop (v2sf)  }
0x1fd: {  	s22 =	simm.s32 $0x580;
	v63, _, _ =	vpop (xrf0);
	s8 =	sadd.s32 s2, s8;
	s12 =	spop (v2sf)  }
0x1fe: {  	v6, _, _ =	vpop (xrf0);
	(v2sf) =	vpush v63, $0xF;
	[tilespmem:s26], [sflag:$0x1] =	stream.linear.gather [hbm4b:s8+s3], $0x80, $0x38;
	[tilespmem:$0x10200] =	vst v63  }
0x1ff: {  	s21 =	simm.s32 $0x800;
	s24 =	simm.s32 $0x780;
	(v2sf) =	vpush v6, $0xF;
	s8 =	sshll.u32 s12, $0x4  }
0x200: {  	s25 =	simm.s32 $0x700;
	s12 =	sshll.u32 s10, $0x4;
	s6 =	sand.u32 $0x1FFFFFF0, s8  }
0x201: {  	s26 =	sshll.u32 s11, $0x4;
	(v2sf) =	vpush v59, $0xF;
	s8 =	sand.u32 $0x1FFFFFF0, s12;
	s6 =	sadd.s32 s2, s6  }
0x202: {  	[tilespmem:s7], [sflag:$0x1] =	stream.linear.gather [hbm4b:s6+s3], $0x80, $0x38;
	[tilespmem:$0x10200] =	vst v63  }
0x203: {  	s30 =	sand.u32 $0x1FFFFFF0, s26;
	s8 =	sadd.s32 s2, s8;
	s6 =	spop (v2sf)  }
0x204: {  	v0 =	vsel vm15, $0x0, v0;
	[tilespmem:s0], [sflag:$0x1] =	stream.linear.gather [hbm4b:s8+s3], $0x80, $0x38;
	[tilespmem:$0x10200] =	vst v63  }
0x205: {  	(xrf0) =	vadd.scan.msk.s32 $0xffff, v0;
	s11 =	simm.s32 $0x380;
	(v2sf) =	vpush v60, $0xF;
	s7 =	sadd.s32 s2, s30;
	s10 =	spop (v2sf)  }
0x206: {  	[tilespmem:s11], [sflag:$0x1] =	stream.linear.gather [hbm4b:s7+s3], $0x80, $0x38;
	[tilespmem:$0x10200] =	vst v63  }
0x207: {  	s23 =	simm.s32 $0x500;
	(v2sf) =	vpush v61, $0xF;
	s0 =	sshll.u32 s10, $0x4;
	s12 =	spop (v2sf)  }
0x208: {  	s26 =	simm.s32 $0x680;
	s0 =	sand.u32 $0x1FFFFFF0, s0;
	s7 =	sshll.u32 s12, $0x4  }
0x209: {  	s30 =	spop (v2sf);
	s7 =	sand.u32 $0x1FFFFFF0, s7;
	s0 =	sadd.s32 s2, s0  }
0x20a: {  	[tilespmem:s1], [sflag:$0x1] =	stream.linear.gather [hbm4b:s0+s3], $0x80, $0x38;
	[tilespmem:$0x10200] =	vst v63  }
0x20b: {  	s6 =	sshll.u32 s6, $0x4;
	s10 =	spop (v2sf);
	(v2sf) =	vpush v62, $0xF;
	s7 =	sadd.s32 s2, s7  }
0x20c: {  	v0, _, _ =	vpop (xrf0);
	[tilespmem:s9], [sflag:$0x1] =	stream.linear.gather [hbm4b:s7+s3], $0x80, $0x38;
	[tilespmem:$0x10200] =	vst v63  }
0x20d: {  	s11 =	sshll.u32 s30, $0x4;
	s0 =	sand.u32 $0x1FFFFFF0, s6;
	s12 =	spop (v2sf);
	(v2sf) =	vpush v0, $0xF  }
0x20e: {  	s1 =	sand.u32 $0x1FFFFFF0, s11;
	s6 =	sshll.u32 s12, $0x4;
	s30 =	spop (v2sf)  }
0x20f: {  	s29 =	sshll.u32 s10, $0x4;
	s6 =	sand.u32 $0x1FFFFFF0, s6;
	s28 =	sshll.u32 s30, $0x4  }
.LBB2_6:
0x210: {  	s6 =	sadd.s32 s2, s6;
	s7 =	sand.u32 $0x1FFFFFF0, s28;
	s8 =	spop (v2sf)  }
0x211: {  	[tilespmem:s23], [sflag:$0x1] =	stream.linear.gather [hbm4b:s6+s3], $0x80, $0x38;
	[tilespmem:$0x10200] =	vst v63  }
0x212: {  	s6 =	sadd.s32 s2, s7;
	s7 =	sand.u32 $0x1FFFFFF0, s29;
	s8 =	sshll.u32 s8, $0x4  }
0x213: {  	[tilespmem:s22], [sflag:$0x1] =	stream.linear.gather [hbm4b:s6+s3], $0x80, $0x38;
	[tilespmem:$0x10200] =	vst v63  }
0x214: {  	s0 =	sadd.s32 s2, s0;
	s6 =	sand.u32 $0x1FFFFFF0, s8;
	s8 =	spop (v2sf)  }
0x215: {  	[tilespmem:s31], [sflag:$0x1] =	stream.linear.gather [hbm4b:s0+s3], $0x80, $0x38;
	[tilespmem:$0x10200] =	vst v63  }
0x216: {  	s0 =	sadd.s32 s2, s7;
	s7 =	sshll.u32 s8, $0x4;
	s8 =	spop (v2sf)  }
0x217: {  	[tilespmem:s26], [sflag:$0x1] =	stream.linear.gather [hbm4b:s0+s3], $0x80, $0x38;
	[tilespmem:$0x10200] =	vst v63  }
0x218: {  	s0 =	sadd.s32 s2, s1;
	s1 =	sand.u32 $0x1FFFFFF0, s7;
	s7 =	sshll.u32 s8, $0x4  }
0x219: {  	[tilespmem:s25], [sflag:$0x1] =	stream.linear.gather [hbm4b:s0+s3], $0x80, $0x38;
	[tilespmem:$0x10200] =	vst v63  }
0x21a: {  	s0 =	sadd.s32 s2, s6;
	s6 =	sand.u32 $0x1FFFFFF0, s7;
	s7 =	spop (v2sf)  }
0x21b: {  	[tilespmem:s24], [sflag:$0x1] =	stream.linear.gather [hbm4b:s0+s3], $0x80, $0x38;
	[tilespmem:$0x10200] =	vst v63  }
0x21c: {  	s0 =	sadd.s32 s2, s1;
	s1 =	sshll.u32 s7, $0x4;
	s7 =	spop (v2sf)  }
0x21d: {  	[tilespmem:s21], [sflag:$0x1] =	stream.linear.gather [hbm4b:s0+s3], $0x80, $0x38;
	[tilespmem:$0x10200] =	vst v63  }
0x21e: {  	s1 =	sand.u32 $0x1FFFFFF0, s1;
	s0 =	sadd.s32 s2, s6;
	s6 =	sshll.u32 s7, $0x4  }
0x21f: {  	[tilespmem:s20], [sflag:$0x1] =	stream.linear.gather [hbm4b:s0+s3], $0x80, $0x38;
	[tilespmem:$0x10200] =	vst v63  }
0x220: {  	s1 =	sadd.s32 s2, s1;
	s6 =	sand.u32 $0x1FFFFFF0, s6;
	s0 =	sadd.s32 $0x900, s18  }
0x221: {  	[tilespmem:s0], [sflag:$0x1] =	stream.linear.gather [hbm4b:s1+s3], $0x80, $0x38;
	[tilespmem:$0x10200] =	vst v63  }
0x222: {  	p0 =	sne.s32 s17, $0x3E000;
	s0 =	sadd.s32 $0x980, s18;
	s1 =	sadd.s32 s2, s6  }
0x223: {  	[tilespmem:s0], [sflag:$0x1] =	stream.linear.gather [hbm4b:s1+s3], $0x80, $0x38;
	[tilespmem:$0x10200] =	vst v63  }
0x224: {  	s0 =	smov.u32 s17;
	s17 =	sadd.s32 $0x2000, s17;
	v0 =	vld [tilespmem:s19+$0x0];
	_ =	sdelay $0x4  }
0x225: {  	v1 =	vnsel vm0, $0x0, v0;
	v2 =	vsel vm3, $0x0, v0;
	v3 =	vsel vm14, $0x0, v0  }
0x226: {  	v4 =	vsel vm2, $0x0, v0;
	v5 =	vsel vm15, $0x0, v0;
	(xrf0) =	vadd.scan.msk.s32 $0xffff, v1  }
0x227: {  	v6 =	vsel vm6, $0x0, v0;
	v1 =	vsel vm1, $0x0, v0;
	(xrf0) =	vadd.scan.msk.s32 $0xffff, v4  }
0x228: {  	v4 =	vsel vm7, $0x0, v0;
	(xrf0) =	vadd.scan.msk.s32 $0xffff, v2  }
0x229: {  	v2 =	vsel vm8, $0x0, v0;
	(xrf0) =	vadd.scan.msk.s32 $0xffff, v1  }
0x22a: {  	v1 =	vsel vm9, $0x0, v0;
	(xrf0) =	vadd.scan.msk.s32 $0xffff, v2  }
0x22b: {  	v2 =	vsel vm5, $0x0, v0;
	(xrf0) =	vadd.scan.msk.s32 $0xffff, v1  }
0x22c: {  	v1 =	vsel vm4, $0x0, v0;
	v7, _, _ =	vpop (xrf0);
	(xrf0) =	vadd.scan.msk.s32 $0xffff, v2  }
0x22d: {  	v2 =	vsel vm10, $0x0, v0;
	(v2sf) =	vpush v7, $0xF;
	v7, _, _ =	vpop (xrf0);
	(xrf0) =	vadd.scan.msk.s32 $0xffff, v1  }
0x22e: {  	v9 =	vsel vm11, $0x0, v0;
	(v2sf) =	vpush v7, $0xF;
	v7, _, _ =	vpop (xrf0);
	(xrf0) =	vadd.scan.msk.s32 $0xffff, v2  }
0x22f: {  	s18 =	sshra.s32 s0, $0x2;
	v2 =	vsel vm12, $0x0, v0;
	v8, _, _ =	vpop (xrf0);
	(v2sf) =	vpush v7, $0xF;
	(xrf0) =	vadd.scan.msk.s32 $0xffff, v9  }
0x230: {  	s29 =	sadd.s32 $0x300, s18;
	v7 =	vsel vm13, $0x0, v0;
	(v2sf) =	vpush v8, $0xF;
	v1, _, _ =	vpop (xrf0);
	(xrf0) =	vadd.scan.msk.s32 $0xffff, v2  }
0x231: {  	s28 =	sadd.s32 $0x400, s18;
	s22 =	sadd.s32 $0x580, s18;
	(v2sf) =	vpush v1, $0xF;
	v1, _, _ =	vpop (xrf0);
	(xrf0) =	vadd.scan.msk.s32 $0xffff, v7  }
0x232: {  	s0 =	sadd.s32 $0x200, s18;
	s1 =	sadd.s32 $0x280, s18;
	v0, _, _ =	vpop (xrf0);
	(xrf0) =	vadd.scan.msk.s32 $0xffff, v3  }
0x233: {  	s23 =	sadd.s32 $0x500, s18;
	v2, _, _ =	vpop (xrf0);
	(xrf0) =	vadd.scan.msk.s32 $0xffff, v6  }
0x234: {  	s30 =	sadd.s32 $0x480, s18;
	(v2sf) =	vpush v2, $0xF;
	(xrf0) =	vadd.scan.msk.s32 $0xffff, v4;
	v2, _, _ =	vpop (xrf0)  }
0x235: {  	(v2sf) =	vpush v0, $0xF;
	v0, _, _ =	vpop (xrf0);
	(xrf0) =	vadd.scan.msk.s32 $0xffff, v5  }
0x236: {  	(v2sf) =	vpush v2, $0xF;
	v2, _, _ =	vpop (xrf0)  }
0x237: {  	v3, _, _ =	vpop (xrf0)  }
0x238: {  	v4, _, _ =	vpop (xrf0)  }
0x239: {  	v5, _, _ =	vpop (xrf0);
	(v2sf) =	vpush v1, $0xF  }
0x23a: {  	v1, _, _ =	vpop (xrf0)  }
0x23b: {  	s19 =	sadd.s32 $0x10, s19;
	s21 =	sadd.s32 $0x800, s18;
	s20 =	sadd.s32 $0x880, s18;
	(v2sf) =	vpush v5, $0xF;
	v5, _, _ =	vpop (xrf0)  }
0x23c: {  	s25 =	sadd.s32 $0x700, s18;
	s24 =	sadd.s32 $0x780, s18;
	s6 =	spop (v2sf)  }
0x23d: {  	s26 =	sadd.s32 $0x680, s18;
	s6 =	sshll.u32 s6, $0x4;
	s7 =	spop (v2sf);
	(v2sf) =	vpush v1, $0xF  }
0x23e: {  	s6 =	sand.u32 $0x1FFFFFF0, s6;
	s7 =	sshll.u32 s7, $0x4;
	s8 =	spop (v2sf)  }
0x23f: {  	s6 =	sadd.s32 s2, s6;
	s7 =	sand.u32 $0x1FFFFFF0, s7;
	s9 =	spop (v2sf)  }
0x240: {  	s8 =	sshll.u32 s8, $0x4;
	s9 =	sshll.u32 s9, $0x4;
	s10 =	spop (v2sf)  }
0x241: {  	s8 =	sand.u32 $0x1FFFFFF0, s8;
	s9 =	sand.u32 $0x1FFFFFF0, s9;
	s10 =	sshll.u32 s10, $0x4;
	(v2sf) =	vpush v0, $0xF  }
0x242: {  	[tilespmem:s0], [sflag:$0x1] =	stream.linear.gather [hbm4b:s6+s3], $0x80, $0x38;
	[tilespmem:$0x10200] =	vst v63  }
0x243: {  	s31 =	sadd.s32 $0x600, s18;
	s0 =	sand.u32 $0x1FFFFFF0, s10;
	s6 =	spop (v2sf)  }
0x244: {  	s10 =	sadd.s32 $0x380, s18;
	s6 =	sshll.u32 s6, $0x4;
	s11 =	spop (v2sf)  }
0x245: {  	s6 =	sand.u32 $0x1FFFFFF0, s6;
	s11 =	sshll.u32 s11, $0x4;
	s12 =	spop (v2sf);
	(v2sf) =	vpush v2, $0xF  }
0x246: {  	s9 =	sadd.s32 s2, s9;
	s11 =	sand.u32 $0x1FFFFFF0, s11;
	s12 =	sshll.u32 s12, $0x4  }
0x247: {  	[tilespmem:s1], [sflag:$0x1] =	stream.linear.gather [hbm4b:s9+s3], $0x80, $0x38;
	(v2sf) =	vpush v3, $0xF;
	[tilespmem:$0x10200] =	vst v63  }
0x248: {  	s7 =	sadd.s32 s2, s7;
	s1 =	sand.u32 $0x1FFFFFF0, s12;
	s9 =	spop (v2sf)  }
0x249: {  	[tilespmem:s29], [sflag:$0x1] =	stream.linear.gather [hbm4b:s7+s3], $0x80, $0x38;
	[tilespmem:$0x10200] =	vst v63  }
0x24a: {  	s7 =	sadd.s32 s2, s8;
	s29 =	sshll.u32 s9, $0x4;
	s8 =	spop (v2sf)  }
0x24b: {  	[tilespmem:s10], [sflag:$0x1] =	stream.linear.gather [hbm4b:s7+s3], $0x80, $0x38;
	[tilespmem:$0x10200] =	vst v63  }
.Ltmp2:
0x24c: {  	(v2sf) =	vpush v4, $0xF;
	(pc) =	sbr.rel @p0 .LBB2_6-.Ltmp2, $4  }
0x24d: {  	s6 =	sadd.s32 s2, s6;
	s7 =	sshll.u32 s8, $0x4;
	s8 =	spop (v2sf)  }
0x24e: {  	[tilespmem:s28], [sflag:$0x1] =	stream.linear.gather [hbm4b:s6+s3], $0x80, $0x38;
	(v2sf) =	vpush v5, $0xF;
	[tilespmem:$0x10200] =	vst v63  }
0x24f: {  	s9 =	sadd.s32 s2, s11;
	s6 =	sand.u32 $0x1FFFFFF0, s7;
	s28 =	sshll.u32 s8, $0x4  }
0x250: {  	[tilespmem:s30], [sflag:$0x1] =	stream.linear.gather [hbm4b:s9+s3], $0x80, $0x38;
	[tilespmem:$0x10200] =	vst v63  }
0x251: {  	s6 =	sadd.s32 s2, s6;
	s7 =	sand.u32 $0x1FFFFFF0, s28;
	s8 =	spop (v2sf)  }
0x252: {  	[tilespmem:s23], [sflag:$0x1] =	stream.linear.gather [hbm4b:s6+s3], $0x80, $0x38;
	[tilespmem:$0x10200] =	vst v63  }
0x253: {  	s19 =	sand.u32 $0x1FFFFFF0, s29;
	s0 =	sadd.s32 s2, s0;
	s17 =	sadd.s32 s2, s7  }
0x254: {  	[tilespmem:s22], [sflag:$0x1] =	stream.linear.gather [hbm4b:s17+s3], $0x80, $0x38;
	[tilespmem:$0x10200] =	vst v63  }
0x255: {  	s1 =	sadd.s32 s2, s1;
	s8 =	sshll.u32 s8, $0x4;
	s28 =	spop (v2sf)  }
0x256: {  	[tilespmem:s31], [sflag:$0x1] =	stream.linear.gather [hbm4b:s0+s3], $0x80, $0x38;
	[tilespmem:$0x10200] =	vst v63  }
0x257: {  	s29 =	sadd.s32 s2, s19;
	s23 =	sand.u32 $0x1FFFFFF0, s8;
	s30 =	sshll.u32 s28, $0x4  }
0x258: {  	[tilespmem:s26], [sflag:$0x1] =	stream.linear.gather [hbm4b:s29+s3], $0x80, $0x38;
	[tilespmem:$0x10200] =	vst v63  }
0x259: {  	s11 =	sadd.s32 s2, s23;
	s31 =	spop (v2sf);
	s9 =	sand.u32 $0x1FFFFFF0, s30  }
0x25a: {  	[tilespmem:s25], [sflag:$0x1] =	stream.linear.gather [hbm4b:s1+s3], $0x80, $0x38;
	[tilespmem:$0x10200] =	vst v63  }
0x25b: {  	s10 =	sshll.u32 s31, $0x4;
	s19 =	sadd.s32 s2, s9;
	s17 =	spop (v2sf)  }
0x25c: {  	[tilespmem:s24], [sflag:$0x1] =	stream.linear.gather [hbm4b:s11+s3], $0x80, $0x38;
	[tilespmem:$0x10200] =	vst v63  }
0x25d: {  	s12 =	sand.u32 $0x1FFFFFF0, s10;
	s22 =	sshll.u32 s17, $0x4;
	s23 =	spop (v2sf)  }
0x25e: {  	[tilespmem:s21], [sflag:$0x1] =	stream.linear.gather [hbm4b:s19+s3], $0x80, $0x38;
	[tilespmem:$0x10200] =	vst v63  }
0x25f: {  	s24 =	sadd.s32 s2, s12;
	s1 =	sand.u32 $0x1FFFFFF0, s22;
	s25 =	sshll.u32 s23, $0x4  }
0x260: {  	[tilespmem:s20], [sflag:$0x1] =	stream.linear.gather [hbm4b:s24+s3], $0x80, $0x38;
	[tilespmem:$0x10200] =	vst v63  }
0x261: {  	s26 =	sadd.s32 $0x900, s18;
	s1 =	sadd.s32 s2, s1;
	s6 =	sand.u32 $0x1FFFFFF0, s25  }
0x262: {  	[tilespmem:s26], [sflag:$0x1] =	stream.linear.gather [hbm4b:s1+s3], $0x80, $0x38;
	[tilespmem:$0x10200] =	vst v63  }
0x263: {  	s28 =	sadd.s32 $0x980, s18;
	s29 =	sadd.s32 s2, s6  }
0x264: {  	[tilespmem:s28], [sflag:$0x1] =	stream.linear.gather [hbm4b:s29+s3], $0x80, $0x38;
	[tilespmem:$0x10200] =	vst v63  }
0x265: {  	_ =	swait.ge [sflag:s14], $0x800  }
0x266: {  	[sflag:s14] =	ssyncset.done $0x0  }
0x267: {  	[sflag:s14] =	ssyncadd.s32 $0xFFFFF800  }
0x268: {  	_ =	swait.ge [sflag:s14], $0x800  }
0x269: {  	[sflag:s14] =	ssyncset.done $0x0  }
0x26a: {  	[sflag:s14] =	ssyncadd.s32 $0xFFFFF800  }
0x26b: {  	_ =	swait.ge [sflag:s14], $0x800  }
0x26c: {  	[sflag:s14] =	ssyncset.done $0x0  }
0x26d: {  	[sflag:s14] =	ssyncadd.s32 $0xFFFFF800  }
0x26e: {  	_ =	swait.ge [sflag:s14], $0x800  }
0x26f: {  	[sflag:s14] =	ssyncset.done $0x0  }
0x270: {  	[sflag:s14] =	ssyncadd.s32 $0xFFFFF800  }
0x271: {  	_ =	swait.ge [sflag:s14], $0x800  }
0x272: {  	[sflag:s14] =	ssyncset.done $0x0  }
0x273: {  	[sflag:s14] =	ssyncadd.s32 $0xFFFFF800  }
0x274: {  	_ =	swait.ge [sflag:s14], $0x800  }
0x275: {  	[sflag:s14] =	ssyncset.done $0x0  }
0x276: {  	[sflag:s14] =	ssyncadd.s32 $0xFFFFF800  }
0x277: {  	_ =	swait.ge [sflag:s14], $0x800  }
0x278: {  	[sflag:s14] =	ssyncset.done $0x0  }
0x279: {  	[sflag:s14] =	ssyncadd.s32 $0xFFFFF800  }
0x27a: {  	_ =	swait.ge [sflag:s14], $0x800  }
0x27b: {  	[sflag:s14] =	ssyncset.done $0x0  }
0x27c: {  	[sflag:s14] =	ssyncadd.s32 $0xFFFFF800  }
0x27d: {  	_ =	swait.ge [sflag:s14], $0x800  }
0x27e: {  	[sflag:s14] =	ssyncset.done $0x0  }
0x27f: {  	[sflag:s14] =	ssyncadd.s32 $0xFFFFF800  }
0x280: {  	_ =	swait.ge [sflag:s14], $0x800  }
0x281: {  	[sflag:s14] =	ssyncset.done $0x0  }
0x282: {  	[sflag:s14] =	ssyncadd.s32 $0xFFFFF800  }
0x283: {  	_ =	swait.ge [sflag:s14], $0x800  }
0x284: {  	[sflag:s14] =	ssyncset.done $0x0  }
0x285: {  	[sflag:s14] =	ssyncadd.s32 $0xFFFFF800  }
0x286: {  	_ =	swait.ge [sflag:s14], $0x800  }
0x287: {  	[sflag:s14] =	ssyncset.done $0x0  }
0x288: {  	[sflag:s14] =	ssyncadd.s32 $0xFFFFF800  }
0x289: {  	_ =	swait.ge [sflag:s14], $0x800  }
0x28a: {  	[sflag:s14] =	ssyncset.done $0x0  }
0x28b: {  	[sflag:s14] =	ssyncadd.s32 $0xFFFFF800  }
0x28c: {  	_ =	swait.ge [sflag:s14], $0x800  }
0x28d: {  	[sflag:s14] =	ssyncset.done $0x0  }
0x28e: {  	[sflag:s14] =	ssyncadd.s32 $0xFFFFF800  }
0x28f: {  	_ =	swait.ge [sflag:s14], $0x800  }
0x290: {  	[sflag:s14] =	ssyncset.done $0x0  }
0x291: {  	[sflag:s14] =	ssyncadd.s32 $0xFFFFF800  }
0x292: {  	_ =	swait.ge [sflag:s14], $0x800  }
0x293: {  	[sflag:s14] =	ssyncset.done $0x0  }
0x294: {  	[sflag:s14] =	ssyncadd.s32 $0xFFFFF800  }
0x295: {  	_ =	swait.ge [sflag:s14], $0x800  }
0x296: {  	[sflag:s14] =	ssyncset.done $0x0  }
0x297: {  	[sflag:s14] =	ssyncadd.s32 $0xFFFFF800  }
0x298: {  	_ =	swait.ge [sflag:s14], $0x800  }
0x299: {  	[sflag:s14] =	ssyncset.done $0x0  }
0x29a: {  	[sflag:s14] =	ssyncadd.s32 $0xFFFFF800  }
0x29b: {  	_ =	swait.ge [sflag:s14], $0x800  }
0x29c: {  	[sflag:s14] =	ssyncset.done $0x0  }
0x29d: {  	[sflag:s14] =	ssyncadd.s32 $0xFFFFF800  }
0x29e: {  	_ =	swait.ge [sflag:s14], $0x800  }
0x29f: {  	[sflag:s14] =	ssyncset.done $0x0  }
0x2a0: {  	[sflag:s14] =	ssyncadd.s32 $0xFFFFF800  }
0x2a1: {  	_ =	swait.ge [sflag:s14], $0x800  }
0x2a2: {  	[sflag:s14] =	ssyncset.done $0x0  }
0x2a3: {  	[sflag:s14] =	ssyncadd.s32 $0xFFFFF800  }
0x2a4: {  	_ =	swait.ge [sflag:s14], $0x800  }
0x2a5: {  	[sflag:s14] =	ssyncset.done $0x0  }
0x2a6: {  	[sflag:s14] =	ssyncadd.s32 $0xFFFFF800  }
0x2a7: {  	_ =	swait.ge [sflag:s14], $0x800  }
0x2a8: {  	[sflag:s14] =	ssyncset.done $0x0  }
0x2a9: {  	[sflag:s14] =	ssyncadd.s32 $0xFFFFF800  }
0x2aa: {  	_ =	swait.ge [sflag:s14], $0x800  }
0x2ab: {  	[sflag:s14] =	ssyncset.done $0x0  }
0x2ac: {  	[sflag:s14] =	ssyncadd.s32 $0xFFFFF800  }
0x2ad: {  	_ =	swait.ge [sflag:s14], $0x800  }
0x2ae: {  	[sflag:s14] =	ssyncset.done $0x0  }
0x2af: {  	[sflag:s14] =	ssyncadd.s32 $0xFFFFF800  }
0x2b0: {  	_ =	swait.ge [sflag:s14], $0x800  }
0x2b1: {  	[sflag:s14] =	ssyncset.done $0x0  }
0x2b2: {  	[sflag:s14] =	ssyncadd.s32 $0xFFFFF800  }
0x2b3: {  	_ =	swait.ge [sflag:s14], $0x800  }
0x2b4: {  	[sflag:s14] =	ssyncset.done $0x0  }
0x2b5: {  	[sflag:s14] =	ssyncadd.s32 $0xFFFFF800  }
0x2b6: {  	_ =	swait.ge [sflag:s14], $0x800  }
0x2b7: {  	[sflag:s14] =	ssyncset.done $0x0  }
0x2b8: {  	[sflag:s14] =	ssyncadd.s32 $0xFFFFF800  }
0x2b9: {  	_ =	swait.ge [sflag:s14], $0x800  }
0x2ba: {  	[sflag:s14] =	ssyncset.done $0x0  }
0x2bb: {  	[sflag:s14] =	ssyncadd.s32 $0xFFFFF800  }
0x2bc: {  	_ =	swait.ge [sflag:s14], $0x800  }
0x2bd: {  	[sflag:s14] =	ssyncset.done $0x0  }
0x2be: {  	[sflag:s14] =	ssyncadd.s32 $0xFFFFF800  }
0x2bf: {  	_ =	swait.ge [sflag:s14], $0x800  }
0x2c0: {  	[sflag:s14] =	ssyncset.done $0x0  }
0x2c1: {  	[sflag:s14] =	ssyncadd.s32 $0xFFFFF800  }
0x2c2: {  	_ =	swait.ge [sflag:s14], $0x800  }
0x2c3: {  	[sflag:s14] =	ssyncset.done $0x0  }
0x2c4: {  	s30 =	rddreg [dreg:$0xb];
	[sflag:s14] =	ssyncadd.s32 $0xFFFFF800  }
0x2c5: {  	[hbm4b:s30+s3] =	stream.linear.scatter [tilespmem:s15], [sflag:$0x2], $0x10000, $0x38;
	[tilespmem:$0x10200] =	vst v63  }
0x2c6: {  	_ =	swait.ge [sflag:s13], $0x10000  }
0x2c7: {  	s16 =	sadd.s32 $0x1, s16;
	s31 =	rddreg [dreg:$0xc]  }
0x2c8: {  	p0 =	sne.s32 s16, s31  }
.Ltmp3:
0x2c9: {  	_ = 	snop;
	(pc) =	sbr.rel @p0 .LBB2_1-.Ltmp3, $3  }
0x2ca: {  	_ =	sdelay $0x1  }
0x2cb: {  	[sflag:s13] =	ssyncset.done $0x0  }
0x2cc: {  	[sflag:s13] =	ssyncadd.s32 $0xFFFF0000  }
0x2cd: {  	_ =	sfence.sel $0x180000  }
0x2ce: {  	[bflag:$0x0] =	sbarrier.arrive $0xFFFF  }
0x2cf: {  	_ =	strace $0x90000047  }
0x2d0: {  	s0 =	stileid.u32;
	[bflag:$0x2] =	sbarrier.arrive $0xFFFF  }
0x2d1: {  	p0 =	sne.s32 s0, $0x0;
	s0 =	rddreg [dreg:$0x5]  }
0x2d2: {  	s0 =	sadd.s32 @!p0 $0x100000, s0  }
0x2d3: {  	[sflag:s0] =	ssyncadd.tile.s32 @!p0 $0x1;
	_ =	shalt  }
.Lfunc_end2:
_tile_overlayer_lowered:
.L_overlay_start_2:
0x2d4: {  	(tag) =	ssettag $0x2  }
0x2d5: {  	s0 =	rddreg [dreg:$0x0];
	s2 =	stileid.u32  }
0x2d6: {  	s1 =	rddreg [dreg:$0x1];
	p0 =	sne.s32 s2, $0x0  }
0x2d7: {  	s3 =	rddreg [dreg:$0x2];
	[bflag:$0x3] =	sbarrier.arrive $0xFFFF;
	s2 =	simm.s32 @!p0 $0x1C02  }
0x2d8: {  	[timem:s3], [sflag:s2] =	dma.local @!p0 [hbm:s0], s1  }
0x2d9: {  	s0 =	simm.s32 @!p0 $0x2  }
0x2da: {  	_ =	swait.ge @!p0 [sflag:s0], s1  }
0x2db: {  	s1 =	ssub.s32 @!p0 $0x0, s1;
	[sflag:s0] =	ssyncset.done @!p0 $0x0  }
0x2dc: {  	[sflag:s0] =	ssyncadd.s32 @!p0 s1  }
0x2dd: {  	[bflag:$0x3] =	sbarrier.arrive $0xFFFF  }
0x2de: {  	_ =	shalt  }

</sc_bundles>
